<compile_context>
chip_gen: v7x
topology: tpu7x:2x2x1
jax: 0.10.2.dev20260603
libtpu: 0.0.44.dev20260713+nightly
codegen_flags: <defaults>
</compile_context>

<pallas_src>
import jax
import jax.numpy as jnp
from jax import lax
from jax.experimental import pallas as pl
from jax.experimental.pallas import tpu as pltpu
from jax.experimental.pallas import tpu_sc as plsc

B = 1048576
NC = 2
NS = 16
NW = NC * NS
ROWS_PER_W = B // NW
CHUNK = 2048
NCHUNK = ROWS_PER_W // CHUNK
GROUPS = CHUNK // 16


def _round_bf16(v):
    u = plsc.bitcast(v, jnp.uint32)
    u = u + (jnp.uint32(0x7FFF) + ((u >> jnp.uint32(16)) & jnp.uint32(1)))
    u = u & jnp.uint32(0xFFFF0000)
    return plsc.bitcast(u, jnp.float32)


def _round_bf16_fast(v):
    u = plsc.bitcast(v, jnp.uint32)
    u = (u + jnp.uint32(0x8000)) & jnp.uint32(0xFFFF0000)
    return plsc.bitcast(u, jnp.float32)


def _sc_body(x_hbm, wb_hbm, val_hbm, idx_hbm,
             xbuf0, xbuf1, vbuf0, vbuf1, ibuf0, ibuf1, wv,
             sem_in0, sem_in1, sem_out0, sem_out1):
    wid = lax.axis_index("s") * NC + lax.axis_index("c")
    pltpu.sync_copy(wb_hbm, wv)

    for t in range(20):
        wv[pl.ds((20 + t) * 16, 16)] = _round_bf16(wv[pl.ds((20 + t) * 16, 16)])

    Pv = [wv[pl.ds(t * 16, 16)] for t in range(20)]
    Wv = [wv[pl.ds((20 + t) * 16, 16)] for t in range(20)]
    Bv = [wv[pl.ds((40 + m) * 16, 16)] for m in range(5)]
    jconst = [jnp.full((16,), j, jnp.int32) for j in range(5)]

    def start_in(xb, sem, c):
        blk0 = wid * (ROWS_PER_W // 128) + c * (CHUNK // 128)
        for j in range(5):
            pltpu.async_copy(
                x_hbm.at[pl.ds(j * 4 * B + blk0 * 512, CHUNK * 4)],
                xb.at[pl.ds(j * CHUNK * 4, CHUNK * 4)], sem)

    def wait_in(xb, sem):
        pltpu.make_async_copy(x_hbm.at[pl.ds(0, 20 * CHUNK)], xb, sem).wait()

    def drain_out(vb, ib, sem):
        pltpu.make_async_copy(val_hbm.at[pl.ds(0, 3 * CHUNK)], vb, sem).wait()
        pltpu.make_async_copy(idx_hbm.at[pl.ds(0, 3 * CHUNK)], ib, sem).wait()

    def do_chunk(xbuf, vbuf, ibuf, sem_out, c):
        row0 = wid * ROWS_PER_W + c * CHUNK

        def do_group(g):
            gb = g * 16
            goff = (g >> 3) * 512 + (g & 7) * 16
            s = [None] * 5
            for j in range(5):
                a = [None] * 4
                for k in range(4):
                    xv = xbuf[pl.ds(j * CHUNK * 4 + k * 128 + goff, 16)]
                    a[k] = _round_bf16_fast(xv + Pv[4 * j + k])
                for m in range(5):
                    acc = Bv[m] + a[0] * Wv[4 * m + 0]
                    acc = acc + a[1] * Wv[4 * m + 1]
                    acc = acc + a[2] * Wv[4 * m + 2]
                    acc = acc + a[3] * Wv[4 * m + 3]
                    r = jnp.maximum(acc, 0.0)
                    s[j] = r if m == 0 else s[j] + r
            v = list(s)
            i = list(jconst)
            for p0 in range(3):
                for p in range(4, p0, -1):
                    c_ = v[p - 1] >= v[p]
                    vhi = jnp.where(c_, v[p - 1], v[p])
                    ihi = jnp.where(c_, i[p - 1], i[p])
                    if p0 < 2:
                        v[p], i[p] = (jnp.where(c_, v[p], v[p - 1]),
                                      jnp.where(c_, i[p], i[p - 1]))
                    v[p - 1], i[p - 1] = vhi, ihi
            for p in range(3):
                vbuf[pl.ds(p * CHUNK + gb, 16)] = v[p]
                ibuf[pl.ds(p * CHUNK + gb, 16)] = i[p]

        plsc.parallel_loop(0, GROUPS, 1)(do_group)
        for p in range(3):
            pltpu.async_copy(vbuf.at[pl.ds(p * CHUNK, CHUNK)],
                             val_hbm.at[pl.ds(p * B + row0, CHUNK)], sem_out)
            pltpu.async_copy(ibuf.at[pl.ds(p * CHUNK, CHUNK)],
                             idx_hbm.at[pl.ds(p * B + row0, CHUNK)], sem_out)

    start_in(xbuf0, sem_in0, 0)

    def body(d, carry):
        c0 = 2 * d
        start_in(xbuf1, sem_in1, c0 + 1)
        wait_in(xbuf0, sem_in0)

        @pl.when(d > 0)
        def _():
            drain_out(vbuf0, ibuf0, sem_out0)
        do_chunk(xbuf0, vbuf0, ibuf0, sem_out0, c0)

        @pl.when(d < NCHUNK // 2 - 1)
        def _():
            start_in(xbuf0, sem_in0, c0 + 2)
        wait_in(xbuf1, sem_in1)

        @pl.when(d > 0)
        def _():
            drain_out(vbuf1, ibuf1, sem_out1)
        do_chunk(xbuf1, vbuf1, ibuf1, sem_out1, c0 + 1)
        return carry

    lax.fori_loop(0, NCHUNK // 2, body, 0)
    drain_out(vbuf0, ibuf0, sem_out0)
    drain_out(vbuf1, ibuf1, sem_out1)


_sc_call = pl.kernel(
    _sc_body,
    out_type=(
        jax.ShapeDtypeStruct((3 * B,), jnp.float32),
        jax.ShapeDtypeStruct((3 * B,), jnp.int32),
    ),
    mesh=plsc.VectorSubcoreMesh(
        core_axis_name="c", subcore_axis_name="s",
        num_cores=NC, num_subcores=NS,
    ),
    scratch_types=[
        pltpu.VMEM((CHUNK * 20,), jnp.float32),
        pltpu.VMEM((CHUNK * 20,), jnp.float32),
        pltpu.VMEM((CHUNK * 3,), jnp.float32),
        pltpu.VMEM((CHUNK * 3,), jnp.float32),
        pltpu.VMEM((CHUNK * 3,), jnp.int32),
        pltpu.VMEM((CHUNK * 3,), jnp.int32),
        pltpu.VMEM((720,), jnp.float32),
        pltpu.SemaphoreType.DMA,
        pltpu.SemaphoreType.DMA,
        pltpu.SemaphoreType.DMA,
        pltpu.SemaphoreType.DMA,
    ],
    compiler_params=pltpu.CompilerParams(needs_layout_passes=False),
)


@jax.jit
def kernel(x, param, W, b):
    xt = x.reshape(B // 128, 128, 5, 4).transpose(2, 0, 3, 1).reshape(20 * B)
    wb = jnp.concatenate([
        param.T.reshape(20), W.reshape(20), b.reshape(5)]).astype(jnp.float32)
    wb16 = jnp.broadcast_to(wb[:, None], (45, 16)).reshape(720)
    vals, idxs = _sc_call(xt, wb16)
    return vals.reshape(3, B).T, idxs.reshape(3, B).T

# --- scband reference (transcript-rebuilt; emitter-appended) ---
"""Pipeline reference for scband-my-module-35158602285464 (READ-ONLY COPY).

The authoritative reference and input builder live on the scoring server;
editing this copy changes nothing except your own understanding.
"""

import jax, jax.numpy as jnp
import numpy as np

B = 1048576

def setup_inputs(seed: int = 0) -> dict:
    key = jax.random.key(seed)
    k1, k2, k3, k4 = jax.random.split(key, 4)
    x = jax.random.normal(k1, (B, 5, 4), dtype=jnp.float32)
    # torch.nn.Parameter(torch.rand(4, 5))
    param = jax.random.uniform(k2, (4, 5), dtype=jnp.float32)
    # torch.nn.Linear(4, 5): weight (5, 4), bias (5,)
    bound = 1.0 / np.sqrt(4.0)
    W = jax.random.uniform(k3, (5, 4), dtype=jnp.float32, minval=-bound, maxval=bound)
    b = jax.random.uniform(k4, (5,), dtype=jnp.float32, minval=-bound, maxval=bound)
    return {"x": x, "param": param, "W": W, "b": b}

def reference(x, param, W, b):
    # add = x + param.t()  -> broadcast (B,5,4) + (5,4)
    add = x + param.T
    # linear(add) -> (B,5,5)
    lin = jnp.matmul(add, W.T) + b
    # relu then sum over last dim -> (B,5)
    s = jnp.sum(jax.nn.relu(lin), axis=-1)
    # torch.topk(s, 3) over last dim
    values, indices = jax.lax.top_k(s, 3)
    return values, indices

if __name__ == "__main__":
    import jax
    _d = setup_inputs()
    print(jax.jit(kernel)(*tuple(_d.values())))

</pallas_src>

<mosaic_0001>
#map = affine_map<(d0, d1) -> (0)>
module attributes {stable_mosaic.version = 14 : i64} {
  func.func @_sc_body(%arg0: i32, %arg1: i32, %arg2: memref<20971520xf32, #tpu.memory_space<hbm>>, %arg3: memref<720xf32, #tpu.memory_space<hbm>>, %arg4: memref<3145728xf32, #tpu.memory_space<hbm>>, %arg5: memref<3145728xi32, #tpu.memory_space<hbm>>, %arg6: memref<40960xf32, #tpu.memory_space<vmem>>, %arg7: memref<40960xf32, #tpu.memory_space<vmem>>, %arg8: memref<6144xf32, #tpu.memory_space<vmem>>, %arg9: memref<6144xf32, #tpu.memory_space<vmem>>, %arg10: memref<6144xi32, #tpu.memory_space<vmem>>, %arg11: memref<6144xi32, #tpu.memory_space<vmem>>, %arg12: memref<720xf32, #tpu.memory_space<vmem>>, %arg13: memref<!tpu.dma_semaphore, #tpu.memory_space<semaphore_mem>>, %arg14: memref<!tpu.dma_semaphore, #tpu.memory_space<semaphore_mem>>, %arg15: memref<!tpu.dma_semaphore, #tpu.memory_space<semaphore_mem>>, %arg16: memref<!tpu.dma_semaphore, #tpu.memory_space<semaphore_mem>>) attributes {dimension_semantics = [#tpu.dimension_semantics<core_parallel>, #tpu.dimension_semantics<subcore_parallel>], iteration_bounds = array<i64: 2, 16>, scalar_prefetch = 0 : i64, scratch_operands = 11 : i64, tpu.core_type = #tpu.core_type<sc_vector_subcore>, window_params = [{transform_indices = #map}, {transform_indices = #map}, {transform_indices = #map}, {transform_indices = #map}]} {
    %mul3A = arith.constant 2 : i32
    %mul3A_0 = arith.muli %arg1, %mul3A : i32
    %add3A = arith.addi %mul3A_0, %arg0 : i32
    "tpu.region"() ({
      %run_scoped3A = tpu.sem_alloc : memref<!tpu.dma_semaphore, #tpu.memory_space<semaphore_mem>>
      tpu.enqueue_dma source(%arg3 : memref<720xf32, #tpu.memory_space<hbm>>) target(%arg12 : memref<720xf32, #tpu.memory_space<vmem>>) target_semaphore(%run_scoped3A : memref<!tpu.dma_semaphore, #tpu.memory_space<semaphore_mem>>)
      tpu.wait_dma2 semaphore(%run_scoped3A : memref<!tpu.dma_semaphore, #tpu.memory_space<semaphore_mem>>) src(%arg3 : memref<720xf32, #tpu.memory_space<hbm>>) dst(%arg12 : memref<720xf32, #tpu.memory_space<vmem>>)
      tpu.yield
    }) : () -> ()
    %get3A = arith.constant 320 : index
    %get3A_1 = tpu.vector_load %arg12[%get3A] {strides = array<i32>} : memref<720xf32, #tpu.memory_space<vmem>>, vector<16xf32>,
    %bitcast3A = vector.bitcast %get3A_1 : vector<16xf32> to vector<16xi32>
    %shift_right_logical3A = arith.constant 16 : i32
    %shift_right_logical3A_2 = vector.broadcast %shift_right_logical3A : i32 to vector<16xi32>
    %shift_right_logical3A_3 = arith.shrui %bitcast3A, %shift_right_logical3A_2 : vector<16xi32>
    %and3A = arith.constant 1 : i32
    %and3A_4 = vector.broadcast %and3A : i32 to vector<16xi32>
    %and3A_5 = arith.andi %shift_right_logical3A_3, %and3A_4 : vector<16xi32>
    %add3A_6 = arith.constant 32767 : i32
    %add3A_7 = vector.broadcast %add3A_6 : i32 to vector<16xi32>
    %add3A_8 = arith.addi %add3A_7, %and3A_5 : vector<16xi32>
    %add3A_9 = arith.addi %bitcast3A, %add3A_8 : vector<16xi32>
    %and3A_10 = arith.constant -65536 : i32
    %and3A_11 = vector.broadcast %and3A_10 : i32 to vector<16xi32>
    %and3A_12 = arith.andi %add3A_9, %and3A_11 : vector<16xi32>
    %bitcast3A_13 = vector.bitcast %and3A_12 : vector<16xi32> to vector<16xf32>
    %swap3A = arith.constant 320 : index
    %swap3A_14 = tpu.vector_load %arg12[%swap3A] {strides = array<i32>} : memref<720xf32, #tpu.memory_space<vmem>>, vector<16xf32>,
    tpu.vector_store %arg12[%swap3A], %bitcast3A_13 {strides = array<i32>} : memref<720xf32, #tpu.memory_space<vmem>>, vector<16xf32>,
    %get3A_15 = arith.constant 336 : index
    %get3A_16 = tpu.vector_load %arg12[%get3A_15] {strides = array<i32>} : memref<720xf32, #tpu.memory_space<vmem>>, vector<16xf32>,
    %bitcast3A_17 = vector.bitcast %get3A_16 : vector<16xf32> to vector<16xi32>
    %shift_right_logical3A_18 = arith.constant 16 : i32
    %shift_right_logical3A_19 = vector.broadcast %shift_right_logical3A_18 : i32 to vector<16xi32>
    %shift_right_logical3A_20 = arith.shrui %bitcast3A_17, %shift_right_logical3A_19 : vector<16xi32>
    %and3A_21 = arith.constant 1 : i32
    %and3A_22 = vector.broadcast %and3A_21 : i32 to vector<16xi32>
    %and3A_23 = arith.andi %shift_right_logical3A_20, %and3A_22 : vector<16xi32>
    %add3A_24 = arith.constant 32767 : i32
    %add3A_25 = vector.broadcast %add3A_24 : i32 to vector<16xi32>
    %add3A_26 = arith.addi %add3A_25, %and3A_23 : vector<16xi32>
    %add3A_27 = arith.addi %bitcast3A_17, %add3A_26 : vector<16xi32>
    %and3A_28 = arith.constant -65536 : i32
    %and3A_29 = vector.broadcast %and3A_28 : i32 to vector<16xi32>
    %and3A_30 = arith.andi %add3A_27, %and3A_29 : vector<16xi32>
    %bitcast3A_31 = vector.bitcast %and3A_30 : vector<16xi32> to vector<16xf32>
    %swap3A_32 = arith.constant 336 : index
    %swap3A_33 = tpu.vector_load %arg12[%swap3A_32] {strides = array<i32>} : memref<720xf32, #tpu.memory_space<vmem>>, vector<16xf32>,
    tpu.vector_store %arg12[%swap3A_32], %bitcast3A_31 {strides = array<i32>} : memref<720xf32, #tpu.memory_space<vmem>>, vector<16xf32>,
    %get3A_34 = arith.constant 352 : index
    %get3A_35 = tpu.vector_load %arg12[%get3A_34] {strides = array<i32>} : memref<720xf32, #tpu.memory_space<vmem>>, vector<16xf32>,
    %bitcast3A_36 = vector.bitcast %get3A_35 : vector<16xf32> to vector<16xi32>
    %shift_right_logical3A_37 = arith.constant 16 : i32
    %shift_right_logical3A_38 = vector.broadcast %shift_right_logical3A_37 : i32 to vector<16xi32>
    %shift_right_logical3A_39 = arith.shrui %bitcast3A_36, %shift_right_logical3A_38 : vector<16xi32>
    %and3A_40 = arith.constant 1 : i32
    %and3A_41 = vector.broadcast %and3A_40 : i32 to vector<16xi32>
    %and3A_42 = arith.andi %shift_right_logical3A_39, %and3A_41 : vector<16xi32>
    %add3A_43 = arith.constant 32767 : i32
    %add3A_44 = vector.broadcast %add3A_43 : i32 to vector<16xi32>
    %add3A_45 = arith.addi %add3A_44, %and3A_42 : vector<16xi32>
    %add3A_46 = arith.addi %bitcast3A_36, %add3A_45 : vector<16xi32>
    %and3A_47 = arith.constant -65536 : i32
    %and3A_48 = vector.broadcast %and3A_47 : i32 to vector<16xi32>
    %and3A_49 = arith.andi %add3A_46, %and3A_48 : vector<16xi32>
    %bitcast3A_50 = vector.bitcast %and3A_49 : vector<16xi32> to vector<16xf32>
    %swap3A_51 = arith.constant 352 : index
    %swap3A_52 = tpu.vector_load %arg12[%swap3A_51] {strides = array<i32>} : memref<720xf32, #tpu.memory_space<vmem>>, vector<16xf32>,
    tpu.vector_store %arg12[%swap3A_51], %bitcast3A_50 {strides = array<i32>} : memref<720xf32, #tpu.memory_space<vmem>>, vector<16xf32>,
    %get3A_53 = arith.constant 368 : index
    %get3A_54 = tpu.vector_load %arg12[%get3A_53] {strides = array<i32>} : memref<720xf32, #tpu.memory_space<vmem>>, vector<16xf32>,
    %bitcast3A_55 = vector.bitcast %get3A_54 : vector<16xf32> to vector<16xi32>
    %shift_right_logical3A_56 = arith.constant 16 : i32
    %shift_right_logical3A_57 = vector.broadcast %shift_right_logical3A_56 : i32 to vector<16xi32>
    %shift_right_logical3A_58 = arith.shrui %bitcast3A_55, %shift_right_logical3A_57 : vector<16xi32>
    %and3A_59 = arith.constant 1 : i32
    %and3A_60 = vector.broadcast %and3A_59 : i32 to vector<16xi32>
    %and3A_61 = arith.andi %shift_right_logical3A_58, %and3A_60 : vector<16xi32>
    %add3A_62 = arith.constant 32767 : i32
    %add3A_63 = vector.broadcast %add3A_62 : i32 to vector<16xi32>
    %add3A_64 = arith.addi %add3A_63, %and3A_61 : vector<16xi32>
    %add3A_65 = arith.addi %bitcast3A_55, %add3A_64 : vector<16xi32>
    %and3A_66 = arith.constant -65536 : i32
    %and3A_67 = vector.broadcast %and3A_66 : i32 to vector<16xi32>
    %and3A_68 = arith.andi %add3A_65, %and3A_67 : vector<16xi32>
    %bitcast3A_69 = vector.bitcast %and3A_68 : vector<16xi32> to vector<16xf32>
    %swap3A_70 = arith.constant 368 : index
    %swap3A_71 = tpu.vector_load %arg12[%swap3A_70] {strides = array<i32>} : memref<720xf32, #tpu.memory_space<vmem>>, vector<16xf32>,
    tpu.vector_store %arg12[%swap3A_70], %bitcast3A_69 {strides = array<i32>} : memref<720xf32, #tpu.memory_space<vmem>>, vector<16xf32>,
    %get3A_72 = arith.constant 384 : index
    %get3A_73 = tpu.vector_load %arg12[%get3A_72] {strides = array<i32>} : memref<720xf32, #tpu.memory_space<vmem>>, vector<16xf32>,
    %bitcast3A_74 = vector.bitcast %get3A_73 : vector<16xf32> to vector<16xi32>
    %shift_right_logical3A_75 = arith.constant 16 : i32
    %shift_right_logical3A_76 = vector.broadcast %shift_right_logical3A_75 : i32 to vector<16xi32>
    %shift_right_logical3A_77 = arith.shrui %bitcast3A_74, %shift_right_logical3A_76 : vector<16xi32>
    %and3A_78 = arith.constant 1 : i32
    %and3A_79 = vector.broadcast %and3A_78 : i32 to vector<16xi32>
    %and3A_80 = arith.andi %shift_right_logical3A_77, %and3A_79 : vector<16xi32>
    %add3A_81 = arith.constant 32767 : i32
    %add3A_82 = vector.broadcast %add3A_81 : i32 to vector<16xi32>
    %add3A_83 = arith.addi %add3A_82, %and3A_80 : vector<16xi32>
    %add3A_84 = arith.addi %bitcast3A_74, %add3A_83 : vector<16xi32>
    %and3A_85 = arith.constant -65536 : i32
    %and3A_86 = vector.broadcast %and3A_85 : i32 to vector<16xi32>
    %and3A_87 = arith.andi %add3A_84, %and3A_86 : vector<16xi32>
    %bitcast3A_88 = vector.bitcast %and3A_87 : vector<16xi32> to vector<16xf32>
    %swap3A_89 = arith.constant 384 : index
    %swap3A_90 = tpu.vector_load %arg12[%swap3A_89] {strides = array<i32>} : memref<720xf32, #tpu.memory_space<vmem>>, vector<16xf32>,
    tpu.vector_store %arg12[%swap3A_89], %bitcast3A_88 {strides = array<i32>} : memref<720xf32, #tpu.memory_space<vmem>>, vector<16xf32>,
    %get3A_91 = arith.constant 400 : index
    %get3A_92 = tpu.vector_load %arg12[%get3A_91] {strides = array<i32>} : memref<720xf32, #tpu.memory_space<vmem>>, vector<16xf32>,
    %bitcast3A_93 = vector.bitcast %get3A_92 : vector<16xf32> to vector<16xi32>
    %shift_right_logical3A_94 = arith.constant 16 : i32
    %shift_right_logical3A_95 = vector.broadcast %shift_right_logical3A_94 : i32 to vector<16xi32>
    %shift_right_logical3A_96 = arith.shrui %bitcast3A_93, %shift_right_logical3A_95 : vector<16xi32>
    %and3A_97 = arith.constant 1 : i32
    %and3A_98 = vector.broadcast %and3A_97 : i32 to vector<16xi32>
    %and3A_99 = arith.andi %shift_right_logical3A_96, %and3A_98 : vector<16xi32>
    %add3A_100 = arith.constant 32767 : i32
    %add3A_101 = vector.broadcast %add3A_100 : i32 to vector<16xi32>
    %add3A_102 = arith.addi %add3A_101, %and3A_99 : vector<16xi32>
    %add3A_103 = arith.addi %bitcast3A_93, %add3A_102 : vector<16xi32>
    %and3A_104 = arith.constant -65536 : i32
    %and3A_105 = vector.broadcast %and3A_104 : i32 to vector<16xi32>
    %and3A_106 = arith.andi %add3A_103, %and3A_105 : vector<16xi32>
    %bitcast3A_107 = vector.bitcast %and3A_106 : vector<16xi32> to vector<16xf32>
    %swap3A_108 = arith.constant 400 : index
    %swap3A_109 = tpu.vector_load %arg12[%swap3A_108] {strides = array<i32>} : memref<720xf32, #tpu.memory_space<vmem>>, vector<16xf32>,
    tpu.vector_store %arg12[%swap3A_108], %bitcast3A_107 {strides = array<i32>} : memref<720xf32, #tpu.memory_space<vmem>>, vector<16xf32>,
    %get3A_110 = arith.constant 416 : index
    %get3A_111 = tpu.vector_load %arg12[%get3A_110] {strides = array<i32>} : memref<720xf32, #tpu.memory_space<vmem>>, vector<16xf32>,
    %bitcast3A_112 = vector.bitcast %get3A_111 : vector<16xf32> to vector<16xi32>
    %shift_right_logical3A_113 = arith.constant 16 : i32
    %shift_right_logical3A_114 = vector.broadcast %shift_right_logical3A_113 : i32 to vector<16xi32>
    %shift_right_logical3A_115 = arith.shrui %bitcast3A_112, %shift_right_logical3A_114 : vector<16xi32>
    %and3A_116 = arith.constant 1 : i32
    %and3A_117 = vector.broadcast %and3A_116 : i32 to vector<16xi32>
    %and3A_118 = arith.andi %shift_right_logical3A_115, %and3A_117 : vector<16xi32>
    %add3A_119 = arith.constant 32767 : i32
    %add3A_120 = vector.broadcast %add3A_119 : i32 to vector<16xi32>
    %add3A_121 = arith.addi %add3A_120, %and3A_118 : vector<16xi32>
    %add3A_122 = arith.addi %bitcast3A_112, %add3A_121 : vector<16xi32>
    %and3A_123 = arith.constant -65536 : i32
    %and3A_124 = vector.broadcast %and3A_123 : i32 to vector<16xi32>
    %and3A_125 = arith.andi %add3A_122, %and3A_124 : vector<16xi32>
    %bitcast3A_126 = vector.bitcast %and3A_125 : vector<16xi32> to vector<16xf32>
    %swap3A_127 = arith.constant 416 : index
    %swap3A_128 = tpu.vector_load %arg12[%swap3A_127] {strides = array<i32>} : memref<720xf32, #tpu.memory_space<vmem>>, vector<16xf32>,
    tpu.vector_store %arg12[%swap3A_127], %bitcast3A_126 {strides = array<i32>} : memref<720xf32, #tpu.memory_space<vmem>>, vector<16xf32>,
    %get3A_129 = arith.constant 432 : index
    %get3A_130 = tpu.vector_load %arg12[%get3A_129] {strides = array<i32>} : memref<720xf32, #tpu.memory_space<vmem>>, vector<16xf32>,
    %bitcast3A_131 = vector.bitcast %get3A_130 : vector<16xf32> to vector<16xi32>
    %shift_right_logical3A_132 = arith.constant 16 : i32
    %shift_right_logical3A_133 = vector.broadcast %shift_right_logical3A_132 : i32 to vector<16xi32>
    %shift_right_logical3A_134 = arith.shrui %bitcast3A_131, %shift_right_logical3A_133 : vector<16xi32>
    %and3A_135 = arith.constant 1 : i32
    %and3A_136 = vector.broadcast %and3A_135 : i32 to vector<16xi32>
    %and3A_137 = arith.andi %shift_right_logical3A_134, %and3A_136 : vector<16xi32>
    %add3A_138 = arith.constant 32767 : i32
    %add3A_139 = vector.broadcast %add3A_138 : i32 to vector<16xi32>
    %add3A_140 = arith.addi %add3A_139, %and3A_137 : vector<16xi32>
    %add3A_141 = arith.addi %bitcast3A_131, %add3A_140 : vector<16xi32>
    %and3A_142 = arith.constant -65536 : i32
    %and3A_143 = vector.broadcast %and3A_142 : i32 to vector<16xi32>
    %and3A_144 = arith.andi %add3A_141, %and3A_143 : vector<16xi32>
    %bitcast3A_145 = vector.bitcast %and3A_144 : vector<16xi32> to vector<16xf32>
    %swap3A_146 = arith.constant 432 : index
    %swap3A_147 = tpu.vector_load %arg12[%swap3A_146] {strides = array<i32>} : memref<720xf32, #tpu.memory_space<vmem>>, vector<16xf32>,
    tpu.vector_store %arg12[%swap3A_146], %bitcast3A_145 {strides = array<i32>} : memref<720xf32, #tpu.memory_space<vmem>>, vector<16xf32>,
    %get3A_148 = arith.constant 448 : index
    %get3A_149 = tpu.vector_load %arg12[%get3A_148] {strides = array<i32>} : memref<720xf32, #tpu.memory_space<vmem>>, vector<16xf32>,
    %bitcast3A_150 = vector.bitcast %get3A_149 : vector<16xf32> to vector<16xi32>
    %shift_right_logical3A_151 = arith.constant 16 : i32
    %shift_right_logical3A_152 = vector.broadcast %shift_right_logical3A_151 : i32 to vector<16xi32>
    %shift_right_logical3A_153 = arith.shrui %bitcast3A_150, %shift_right_logical3A_152 : vector<16xi32>
    %and3A_154 = arith.constant 1 : i32
    %and3A_155 = vector.broadcast %and3A_154 : i32 to vector<16xi32>
    %and3A_156 = arith.andi %shift_right_logical3A_153, %and3A_155 : vector<16xi32>
    %add3A_157 = arith.constant 32767 : i32
    %add3A_158 = vector.broadcast %add3A_157 : i32 to vector<16xi32>
    %add3A_159 = arith.addi %add3A_158, %and3A_156 : vector<16xi32>
    %add3A_160 = arith.addi %bitcast3A_150, %add3A_159 : vector<16xi32>
    %and3A_161 = arith.constant -65536 : i32
    %and3A_162 = vector.broadcast %and3A_161 : i32 to vector<16xi32>
    %and3A_163 = arith.andi %add3A_160, %and3A_162 : vector<16xi32>
    %bitcast3A_164 = vector.bitcast %and3A_163 : vector<16xi32> to vector<16xf32>
    %swap3A_165 = arith.constant 448 : index
    %swap3A_166 = tpu.vector_load %arg12[%swap3A_165] {strides = array<i32>} : memref<720xf32, #tpu.memory_space<vmem>>, vector<16xf32>,
    tpu.vector_store %arg12[%swap3A_165], %bitcast3A_164 {strides = array<i32>} : memref<720xf32, #tpu.memory_space<vmem>>, vector<16xf32>,
    %get3A_167 = arith.constant 464 : index
    %get3A_168 = tpu.vector_load %arg12[%get3A_167] {strides = array<i32>} : memref<720xf32, #tpu.memory_space<vmem>>, vector<16xf32>,
    %bitcast3A_169 = vector.bitcast %get3A_168 : vector<16xf32> to vector<16xi32>
    %shift_right_logical3A_170 = arith.constant 16 : i32
    %shift_right_logical3A_171 = vector.broadcast %shift_right_logical3A_170 : i32 to vector<16xi32>
    %shift_right_logical3A_172 = arith.shrui %bitcast3A_169, %shift_right_logical3A_171 : vector<16xi32>
    %and3A_173 = arith.constant 1 : i32
    %and3A_174 = vector.broadcast %and3A_173 : i32 to vector<16xi32>
    %and3A_175 = arith.andi %shift_right_logical3A_172, %and3A_174 : vector<16xi32>
    %add3A_176 = arith.constant 32767 : i32
    %add3A_177 = vector.broadcast %add3A_176 : i32 to vector<16xi32>
    %add3A_178 = arith.addi %add3A_177, %and3A_175 : vector<16xi32>
    %add3A_179 = arith.addi %bitcast3A_169, %add3A_178 : vector<16xi32>
    %and3A_180 = arith.constant -65536 : i32
    %and3A_181 = vector.broadcast %and3A_180 : i32 to vector<16xi32>
    %and3A_182 = arith.andi %add3A_179, %and3A_181 : vector<16xi32>
    %bitcast3A_183 = vector.bitcast %and3A_182 : vector<16xi32> to vector<16xf32>
    %swap3A_184 = arith.constant 464 : index
    %swap3A_185 = tpu.vector_load %arg12[%swap3A_184] {strides = array<i32>} : memref<720xf32, #tpu.memory_space<vmem>>, vector<16xf32>,
    tpu.vector_store %arg12[%swap3A_184], %bitcast3A_183 {strides = array<i32>} : memref<720xf32, #tpu.memory_space<vmem>>, vector<16xf32>,
    %get3A_186 = arith.constant 480 : index
    %get3A_187 = tpu.vector_load %arg12[%get3A_186] {strides = array<i32>} : memref<720xf32, #tpu.memory_space<vmem>>, vector<16xf32>,
    %bitcast3A_188 = vector.bitcast %get3A_187 : vector<16xf32> to vector<16xi32>
    %shift_right_logical3A_189 = arith.constant 16 : i32
    %shift_right_logical3A_190 = vector.broadcast %shift_right_logical3A_189 : i32 to vector<16xi32>
    %shift_right_logical3A_191 = arith.shrui %bitcast3A_188, %shift_right_logical3A_190 : vector<16xi32>
    %and3A_192 = arith.constant 1 : i32
    %and3A_193 = vector.broadcast %and3A_192 : i32 to vector<16xi32>
    %and3A_194 = arith.andi %shift_right_logical3A_191, %and3A_193 : vector<16xi32>
    %add3A_195 = arith.constant 32767 : i32
    %add3A_196 = vector.broadcast %add3A_195 : i32 to vector<16xi32>
    %add3A_197 = arith.addi %add3A_196, %and3A_194 : vector<16xi32>
    %add3A_198 = arith.addi %bitcast3A_188, %add3A_197 : vector<16xi32>
    %and3A_199 = arith.constant -65536 : i32
    %and3A_200 = vector.broadcast %and3A_199 : i32 to vector<16xi32>
    %and3A_201 = arith.andi %add3A_198, %and3A_200 : vector<16xi32>
    %bitcast3A_202 = vector.bitcast %and3A_201 : vector<16xi32> to vector<16xf32>
    %swap3A_203 = arith.constant 480 : index
    %swap3A_204 = tpu.vector_load %arg12[%swap3A_203] {strides = array<i32>} : memref<720xf32, #tpu.memory_space<vmem>>, vector<16xf32>,
    tpu.vector_store %arg12[%swap3A_203], %bitcast3A_202 {strides = array<i32>} : memref<720xf32, #tpu.memory_space<vmem>>, vector<16xf32>,
    %get3A_205 = arith.constant 496 : index
    %get3A_206 = tpu.vector_load %arg12[%get3A_205] {strides = array<i32>} : memref<720xf32, #tpu.memory_space<vmem>>, vector<16xf32>,
    %bitcast3A_207 = vector.bitcast %get3A_206 : vector<16xf32> to vector<16xi32>
    %shift_right_logical3A_208 = arith.constant 16 : i32
    %shift_right_logical3A_209 = vector.broadcast %shift_right_logical3A_208 : i32 to vector<16xi32>
    %shift_right_logical3A_210 = arith.shrui %bitcast3A_207, %shift_right_logical3A_209 : vector<16xi32>
    %and3A_211 = arith.constant 1 : i32
    %and3A_212 = vector.broadcast %and3A_211 : i32 to vector<16xi32>
    %and3A_213 = arith.andi %shift_right_logical3A_210, %and3A_212 : vector<16xi32>
    %add3A_214 = arith.constant 32767 : i32
    %add3A_215 = vector.broadcast %add3A_214 : i32 to vector<16xi32>
    %add3A_216 = arith.addi %add3A_215, %and3A_213 : vector<16xi32>
    %add3A_217 = arith.addi %bitcast3A_207, %add3A_216 : vector<16xi32>
    %and3A_218 = arith.constant -65536 : i32
    %and3A_219 = vector.broadcast %and3A_218 : i32 to vector<16xi32>
    %and3A_220 = arith.andi %add3A_217, %and3A_219 : vector<16xi32>
    %bitcast3A_221 = vector.bitcast %and3A_220 : vector<16xi32> to vector<16xf32>
    %swap3A_222 = arith.constant 496 : index
    %swap3A_223 = tpu.vector_load %arg12[%swap3A_222] {strides = array<i32>} : memref<720xf32, #tpu.memory_space<vmem>>, vector<16xf32>,
    tpu.vector_store %arg12[%swap3A_222], %bitcast3A_221 {strides = array<i32>} : memref<720xf32, #tpu.memory_space<vmem>>, vector<16xf32>,
    %get3A_224 = arith.constant 512 : index
    %get3A_225 = tpu.vector_load %arg12[%get3A_224] {strides = array<i32>} : memref<720xf32, #tpu.memory_space<vmem>>, vector<16xf32>,
    %bitcast3A_226 = vector.bitcast %get3A_225 : vector<16xf32> to vector<16xi32>
    %shift_right_logical3A_227 = arith.constant 16 : i32
    %shift_right_logical3A_228 = vector.broadcast %shift_right_logical3A_227 : i32 to vector<16xi32>
    %shift_right_logical3A_229 = arith.shrui %bitcast3A_226, %shift_right_logical3A_228 : vector<16xi32>
    %and3A_230 = arith.constant 1 : i32
    %and3A_231 = vector.broadcast %and3A_230 : i32 to vector<16xi32>
    %and3A_232 = arith.andi %shift_right_logical3A_229, %and3A_231 : vector<16xi32>
    %add3A_233 = arith.constant 32767 : i32
    %add3A_234 = vector.broadcast %add3A_233 : i32 to vector<16xi32>
    %add3A_235 = arith.addi %add3A_234, %and3A_232 : vector<16xi32>
    %add3A_236 = arith.addi %bitcast3A_226, %add3A_235 : vector<16xi32>
    %and3A_237 = arith.constant -65536 : i32
    %and3A_238 = vector.broadcast %and3A_237 : i32 to vector<16xi32>
    %and3A_239 = arith.andi %add3A_236, %and3A_238 : vector<16xi32>
    %bitcast3A_240 = vector.bitcast %and3A_239 : vector<16xi32> to vector<16xf32>
    %swap3A_241 = arith.constant 512 : index
    %swap3A_242 = tpu.vector_load %arg12[%swap3A_241] {strides = array<i32>} : memref<720xf32, #tpu.memory_space<vmem>>, vector<16xf32>,
    tpu.vector_store %arg12[%swap3A_241], %bitcast3A_240 {strides = array<i32>} : memref<720xf32, #tpu.memory_space<vmem>>, vector<16xf32>,
    %get3A_243 = arith.constant 528 : index
    %get3A_244 = tpu.vector_load %arg12[%get3A_243] {strides = array<i32>} : memref<720xf32, #tpu.memory_space<vmem>>, vector<16xf32>,
    %bitcast3A_245 = vector.bitcast %get3A_244 : vector<16xf32> to vector<16xi32>
    %shift_right_logical3A_246 = arith.constant 16 : i32
    %shift_right_logical3A_247 = vector.broadcast %shift_right_logical3A_246 : i32 to vector<16xi32>
    %shift_right_logical3A_248 = arith.shrui %bitcast3A_245, %shift_right_logical3A_247 : vector<16xi32>
    %and3A_249 = arith.constant 1 : i32
    %and3A_250 = vector.broadcast %and3A_249 : i32 to vector<16xi32>
    %and3A_251 = arith.andi %shift_right_logical3A_248, %and3A_250 : vector<16xi32>
    %add3A_252 = arith.constant 32767 : i32
    %add3A_253 = vector.broadcast %add3A_252 : i32 to vector<16xi32>
    %add3A_254 = arith.addi %add3A_253, %and3A_251 : vector<16xi32>
    %add3A_255 = arith.addi %bitcast3A_245, %add3A_254 : vector<16xi32>
    %and3A_256 = arith.constant -65536 : i32
    %and3A_257 = vector.broadcast %and3A_256 : i32 to vector<16xi32>
    %and3A_258 = arith.andi %add3A_255, %and3A_257 : vector<16xi32>
    %bitcast3A_259 = vector.bitcast %and3A_258 : vector<16xi32> to vector<16xf32>
    %swap3A_260 = arith.constant 528 : index
    %swap3A_261 = tpu.vector_load %arg12[%swap3A_260] {strides = array<i32>} : memref<720xf32, #tpu.memory_space<vmem>>, vector<16xf32>,
    tpu.vector_store %arg12[%swap3A_260], %bitcast3A_259 {strides = array<i32>} : memref<720xf32, #tpu.memory_space<vmem>>, vector<16xf32>,
    %get3A_262 = arith.constant 544 : index
    %get3A_263 = tpu.vector_load %arg12[%get3A_262] {strides = array<i32>} : memref<720xf32, #tpu.memory_space<vmem>>, vector<16xf32>,
    %bitcast3A_264 = vector.bitcast %get3A_263 : vector<16xf32> to vector<16xi32>
    %shift_right_logical3A_265 = arith.constant 16 : i32
    %shift_right_logical3A_266 = vector.broadcast %shift_right_logical3A_265 : i32 to vector<16xi32>
    %shift_right_logical3A_267 = arith.shrui %bitcast3A_264, %shift_right_logical3A_266 : vector<16xi32>
    %and3A_268 = arith.constant 1 : i32
    %and3A_269 = vector.broadcast %and3A_268 : i32 to vector<16xi32>
    %and3A_270 = arith.andi %shift_right_logical3A_267, %and3A_269 : vector<16xi32>
    %add3A_271 = arith.constant 32767 : i32
    %add3A_272 = vector.broadcast %add3A_271 : i32 to vector<16xi32>
    %add3A_273 = arith.addi %add3A_272, %and3A_270 : vector<16xi32>
    %add3A_274 = arith.addi %bitcast3A_264, %add3A_273 : vector<16xi32>
    %and3A_275 = arith.constant -65536 : i32
    %and3A_276 = vector.broadcast %and3A_275 : i32 to vector<16xi32>
    %and3A_277 = arith.andi %add3A_274, %and3A_276 : vector<16xi32>
    %bitcast3A_278 = vector.bitcast %and3A_277 : vector<16xi32> to vector<16xf32>
    %swap3A_279 = arith.constant 544 : index
    %swap3A_280 = tpu.vector_load %arg12[%swap3A_279] {strides = array<i32>} : memref<720xf32, #tpu.memory_space<vmem>>, vector<16xf32>,
    tpu.vector_store %arg12[%swap3A_279], %bitcast3A_278 {strides = array<i32>} : memref<720xf32, #tpu.memory_space<vmem>>, vector<16xf32>,
    %get3A_281 = arith.constant 560 : index
    %get3A_282 = tpu.vector_load %arg12[%get3A_281] {strides = array<i32>} : memref<720xf32, #tpu.memory_space<vmem>>, vector<16xf32>,
    %bitcast3A_283 = vector.bitcast %get3A_282 : vector<16xf32> to vector<16xi32>
    %shift_right_logical3A_284 = arith.constant 16 : i32
    %shift_right_logical3A_285 = vector.broadcast %shift_right_logical3A_284 : i32 to vector<16xi32>
    %shift_right_logical3A_286 = arith.shrui %bitcast3A_283, %shift_right_logical3A_285 : vector<16xi32>
    %and3A_287 = arith.constant 1 : i32
    %and3A_288 = vector.broadcast %and3A_287 : i32 to vector<16xi32>
    %and3A_289 = arith.andi %shift_right_logical3A_286, %and3A_288 : vector<16xi32>
    %add3A_290 = arith.constant 32767 : i32
    %add3A_291 = vector.broadcast %add3A_290 : i32 to vector<16xi32>
    %add3A_292 = arith.addi %add3A_291, %and3A_289 : vector<16xi32>
    %add3A_293 = arith.addi %bitcast3A_283, %add3A_292 : vector<16xi32>
    %and3A_294 = arith.constant -65536 : i32
    %and3A_295 = vector.broadcast %and3A_294 : i32 to vector<16xi32>
    %and3A_296 = arith.andi %add3A_293, %and3A_295 : vector<16xi32>
    %bitcast3A_297 = vector.bitcast %and3A_296 : vector<16xi32> to vector<16xf32>
    %swap3A_298 = arith.constant 560 : index
    %swap3A_299 = tpu.vector_load %arg12[%swap3A_298] {strides = array<i32>} : memref<720xf32, #tpu.memory_space<vmem>>, vector<16xf32>,
    tpu.vector_store %arg12[%swap3A_298], %bitcast3A_297 {strides = array<i32>} : memref<720xf32, #tpu.memory_space<vmem>>, vector<16xf32>,
    %get3A_300 = arith.constant 576 : index
    %get3A_301 = tpu.vector_load %arg12[%get3A_300] {strides = array<i32>} : memref<720xf32, #tpu.memory_space<vmem>>, vector<16xf32>,
    %bitcast3A_302 = vector.bitcast %get3A_301 : vector<16xf32> to vector<16xi32>
    %shift_right_logical3A_303 = arith.constant 16 : i32
    %shift_right_logical3A_304 = vector.broadcast %shift_right_logical3A_303 : i32 to vector<16xi32>
    %shift_right_logical3A_305 = arith.shrui %bitcast3A_302, %shift_right_logical3A_304 : vector<16xi32>
    %and3A_306 = arith.constant 1 : i32
    %and3A_307 = vector.broadcast %and3A_306 : i32 to vector<16xi32>
    %and3A_308 = arith.andi %shift_right_logical3A_305, %and3A_307 : vector<16xi32>
    %add3A_309 = arith.constant 32767 : i32
    %add3A_310 = vector.broadcast %add3A_309 : i32 to vector<16xi32>
    %add3A_311 = arith.addi %add3A_310, %and3A_308 : vector<16xi32>
    %add3A_312 = arith.addi %bitcast3A_302, %add3A_311 : vector<16xi32>
    %and3A_313 = arith.constant -65536 : i32
    %and3A_314 = vector.broadcast %and3A_313 : i32 to vector<16xi32>
    %and3A_315 = arith.andi %add3A_312, %and3A_314 : vector<16xi32>
    %bitcast3A_316 = vector.bitcast %and3A_315 : vector<16xi32> to vector<16xf32>
    %swap3A_317 = arith.constant 576 : index
    %swap3A_318 = tpu.vector_load %arg12[%swap3A_317] {strides = array<i32>} : memref<720xf32, #tpu.memory_space<vmem>>, vector<16xf32>,
    tpu.vector_store %arg12[%swap3A_317], %bitcast3A_316 {strides = array<i32>} : memref<720xf32, #tpu.memory_space<vmem>>, vector<16xf32>,
    %get3A_319 = arith.constant 592 : index
    %get3A_320 = tpu.vector_load %arg12[%get3A_319] {strides = array<i32>} : memref<720xf32, #tpu.memory_space<vmem>>, vector<16xf32>,
    %bitcast3A_321 = vector.bitcast %get3A_320 : vector<16xf32> to vector<16xi32>
    %shift_right_logical3A_322 = arith.constant 16 : i32
    %shift_right_logical3A_323 = vector.broadcast %shift_right_logical3A_322 : i32 to vector<16xi32>
    %shift_right_logical3A_324 = arith.shrui %bitcast3A_321, %shift_right_logical3A_323 : vector<16xi32>
    %and3A_325 = arith.constant 1 : i32
    %and3A_326 = vector.broadcast %and3A_325 : i32 to vector<16xi32>
    %and3A_327 = arith.andi %shift_right_logical3A_324, %and3A_326 : vector<16xi32>
    %add3A_328 = arith.constant 32767 : i32
    %add3A_329 = vector.broadcast %add3A_328 : i32 to vector<16xi32>
    %add3A_330 = arith.addi %add3A_329, %and3A_327 : vector<16xi32>
    %add3A_331 = arith.addi %bitcast3A_321, %add3A_330 : vector<16xi32>
    %and3A_332 = arith.constant -65536 : i32
    %and3A_333 = vector.broadcast %and3A_332 : i32 to vector<16xi32>
    %and3A_334 = arith.andi %add3A_331, %and3A_333 : vector<16xi32>
    %bitcast3A_335 = vector.bitcast %and3A_334 : vector<16xi32> to vector<16xf32>
    %swap3A_336 = arith.constant 592 : index
    %swap3A_337 = tpu.vector_load %arg12[%swap3A_336] {strides = array<i32>} : memref<720xf32, #tpu.memory_space<vmem>>, vector<16xf32>,
    tpu.vector_store %arg12[%swap3A_336], %bitcast3A_335 {strides = array<i32>} : memref<720xf32, #tpu.memory_space<vmem>>, vector<16xf32>,
    %get3A_338 = arith.constant 608 : index
    %get3A_339 = tpu.vector_load %arg12[%get3A_338] {strides = array<i32>} : memref<720xf32, #tpu.memory_space<vmem>>, vector<16xf32>,
    %bitcast3A_340 = vector.bitcast %get3A_339 : vector<16xf32> to vector<16xi32>
    %shift_right_logical3A_341 = arith.constant 16 : i32
    %shift_right_logical3A_342 = vector.broadcast %shift_right_logical3A_341 : i32 to vector<16xi32>
    %shift_right_logical3A_343 = arith.shrui %bitcast3A_340, %shift_right_logical3A_342 : vector<16xi32>
    %and3A_344 = arith.constant 1 : i32
    %and3A_345 = vector.broadcast %and3A_344 : i32 to vector<16xi32>
    %and3A_346 = arith.andi %shift_right_logical3A_343, %and3A_345 : vector<16xi32>
    %add3A_347 = arith.constant 32767 : i32
    %add3A_348 = vector.broadcast %add3A_347 : i32 to vector<16xi32>
    %add3A_349 = arith.addi %add3A_348, %and3A_346 : vector<16xi32>
    %add3A_350 = arith.addi %bitcast3A_340, %add3A_349 : vector<16xi32>
    %and3A_351 = arith.constant -65536 : i32
    %and3A_352 = vector.broadcast %and3A_351 : i32 to vector<16xi32>
    %and3A_353 = arith.andi %add3A_350, %and3A_352 : vector<16xi32>
    %bitcast3A_354 = vector.bitcast %and3A_353 : vector<16xi32> to vector<16xf32>
    %swap3A_355 = arith.constant 608 : index
    %swap3A_356 = tpu.vector_load %arg12[%swap3A_355] {strides = array<i32>} : memref<720xf32, #tpu.memory_space<vmem>>, vector<16xf32>,
    tpu.vector_store %arg12[%swap3A_355], %bitcast3A_354 {strides = array<i32>} : memref<720xf32, #tpu.memory_space<vmem>>, vector<16xf32>,
    %get3A_357 = arith.constant 624 : index
    %get3A_358 = tpu.vector_load %arg12[%get3A_357] {strides = array<i32>} : memref<720xf32, #tpu.memory_space<vmem>>, vector<16xf32>,
    %bitcast3A_359 = vector.bitcast %get3A_358 : vector<16xf32> to vector<16xi32>
    %shift_right_logical3A_360 = arith.constant 16 : i32
    %shift_right_logical3A_361 = vector.broadcast %shift_right_logical3A_360 : i32 to vector<16xi32>
    %shift_right_logical3A_362 = arith.shrui %bitcast3A_359, %shift_right_logical3A_361 : vector<16xi32>
    %and3A_363 = arith.constant 1 : i32
    %and3A_364 = vector.broadcast %and3A_363 : i32 to vector<16xi32>
    %and3A_365 = arith.andi %shift_right_logical3A_362, %and3A_364 : vector<16xi32>
    %add3A_366 = arith.constant 32767 : i32
    %add3A_367 = vector.broadcast %add3A_366 : i32 to vector<16xi32>
    %add3A_368 = arith.addi %add3A_367, %and3A_365 : vector<16xi32>
    %add3A_369 = arith.addi %bitcast3A_359, %add3A_368 : vector<16xi32>
    %and3A_370 = arith.constant -65536 : i32
    %and3A_371 = vector.broadcast %and3A_370 : i32 to vector<16xi32>
    %and3A_372 = arith.andi %add3A_369, %and3A_371 : vector<16xi32>
    %bitcast3A_373 = vector.bitcast %and3A_372 : vector<16xi32> to vector<16xf32>
    %swap3A_374 = arith.constant 624 : index
    %swap3A_375 = tpu.vector_load %arg12[%swap3A_374] {strides = array<i32>} : memref<720xf32, #tpu.memory_space<vmem>>, vector<16xf32>,
    tpu.vector_store %arg12[%swap3A_374], %bitcast3A_373 {strides = array<i32>} : memref<720xf32, #tpu.memory_space<vmem>>, vector<16xf32>,
    %get3A_376 = arith.constant 0 : index
    %get3A_377 = tpu.vector_load %arg12[%get3A_376] {strides = array<i32>} : memref<720xf32, #tpu.memory_space<vmem>>, vector<16xf32>,
    %get3A_378 = arith.constant 16 : index
    %get3A_379 = tpu.vector_load %arg12[%get3A_378] {strides = array<i32>} : memref<720xf32, #tpu.memory_space<vmem>>, vector<16xf32>,
    %get3A_380 = arith.constant 32 : index
    %get3A_381 = tpu.vector_load %arg12[%get3A_380] {strides = array<i32>} : memref<720xf32, #tpu.memory_space<vmem>>, vector<16xf32>,
    %get3A_382 = arith.constant 48 : index
    %get3A_383 = tpu.vector_load %arg12[%get3A_382] {strides = array<i32>} : memref<720xf32, #tpu.memory_space<vmem>>, vector<16xf32>,
    %get3A_384 = arith.constant 64 : index
    %get3A_385 = tpu.vector_load %arg12[%get3A_384] {strides = array<i32>} : memref<720xf32, #tpu.memory_space<vmem>>, vector<16xf32>,
    %get3A_386 = arith.constant 80 : index
    %get3A_387 = tpu.vector_load %arg12[%get3A_386] {strides = array<i32>} : memref<720xf32, #tpu.memory_space<vmem>>, vector<16xf32>,
    %get3A_388 = arith.constant 96 : index
    %get3A_389 = tpu.vector_load %arg12[%get3A_388] {strides = array<i32>} : memref<720xf32, #tpu.memory_space<vmem>>, vector<16xf32>,
    %get3A_390 = arith.constant 112 : index
    %get3A_391 = tpu.vector_load %arg12[%get3A_390] {strides = array<i32>} : memref<720xf32, #tpu.memory_space<vmem>>, vector<16xf32>,
    %get3A_392 = arith.constant 128 : index
    %get3A_393 = tpu.vector_load %arg12[%get3A_392] {strides = array<i32>} : memref<720xf32, #tpu.memory_space<vmem>>, vector<16xf32>,
    %get3A_394 = arith.constant 144 : index
    %get3A_395 = tpu.vector_load %arg12[%get3A_394] {strides = array<i32>} : memref<720xf32, #tpu.memory_space<vmem>>, vector<16xf32>,
    %get3A_396 = arith.constant 160 : index
    %get3A_397 = tpu.vector_load %arg12[%get3A_396] {strides = array<i32>} : memref<720xf32, #tpu.memory_space<vmem>>, vector<16xf32>,
    %get3A_398 = arith.constant 176 : index
    %get3A_399 = tpu.vector_load %arg12[%get3A_398] {strides = array<i32>} : memref<720xf32, #tpu.memory_space<vmem>>, vector<16xf32>,
    %get3A_400 = arith.constant 192 : index
    %get3A_401 = tpu.vector_load %arg12[%get3A_400] {strides = array<i32>} : memref<720xf32, #tpu.memory_space<vmem>>, vector<16xf32>,
    %get3A_402 = arith.constant 208 : index
    %get3A_403 = tpu.vector_load %arg12[%get3A_402] {strides = array<i32>} : memref<720xf32, #tpu.memory_space<vmem>>, vector<16xf32>,
    %get3A_404 = arith.constant 224 : index
    %get3A_405 = tpu.vector_load %arg12[%get3A_404] {strides = array<i32>} : memref<720xf32, #tpu.memory_space<vmem>>, vector<16xf32>,
    %get3A_406 = arith.constant 240 : index
    %get3A_407 = tpu.vector_load %arg12[%get3A_406] {strides = array<i32>} : memref<720xf32, #tpu.memory_space<vmem>>, vector<16xf32>,
    %get3A_408 = arith.constant 256 : index
    %get3A_409 = tpu.vector_load %arg12[%get3A_408] {strides = array<i32>} : memref<720xf32, #tpu.memory_space<vmem>>, vector<16xf32>,
    %get3A_410 = arith.constant 272 : index
    %get3A_411 = tpu.vector_load %arg12[%get3A_410] {strides = array<i32>} : memref<720xf32, #tpu.memory_space<vmem>>, vector<16xf32>,
    %get3A_412 = arith.constant 288 : index
    %get3A_413 = tpu.vector_load %arg12[%get3A_412] {strides = array<i32>} : memref<720xf32, #tpu.memory_space<vmem>>, vector<16xf32>,
    %get3A_414 = arith.constant 304 : index
    %get3A_415 = tpu.vector_load %arg12[%get3A_414] {strides = array<i32>} : memref<720xf32, #tpu.memory_space<vmem>>, vector<16xf32>,
    %get3A_416 = arith.constant 320 : index
    %get3A_417 = tpu.vector_load %arg12[%get3A_416] {strides = array<i32>} : memref<720xf32, #tpu.memory_space<vmem>>, vector<16xf32>,
    %get3A_418 = arith.constant 336 : index
    %get3A_419 = tpu.vector_load %arg12[%get3A_418] {strides = array<i32>} : memref<720xf32, #tpu.memory_space<vmem>>, vector<16xf32>,
    %get3A_420 = arith.constant 352 : index
    %get3A_421 = tpu.vector_load %arg12[%get3A_420] {strides = array<i32>} : memref<720xf32, #tpu.memory_space<vmem>>, vector<16xf32>,
    %get3A_422 = arith.constant 368 : index
    %get3A_423 = tpu.vector_load %arg12[%get3A_422] {strides = array<i32>} : memref<720xf32, #tpu.memory_space<vmem>>, vector<16xf32>,
    %get3A_424 = arith.constant 384 : index
    %get3A_425 = tpu.vector_load %arg12[%get3A_424] {strides = array<i32>} : memref<720xf32, #tpu.memory_space<vmem>>, vector<16xf32>,
    %get3A_426 = arith.constant 400 : index
    %get3A_427 = tpu.vector_load %arg12[%get3A_426] {strides = array<i32>} : memref<720xf32, #tpu.memory_space<vmem>>, vector<16xf32>,
    %get3A_428 = arith.constant 416 : index
    %get3A_429 = tpu.vector_load %arg12[%get3A_428] {strides = array<i32>} : memref<720xf32, #tpu.memory_space<vmem>>, vector<16xf32>,
    %get3A_430 = arith.constant 432 : index
    %get3A_431 = tpu.vector_load %arg12[%get3A_430] {strides = array<i32>} : memref<720xf32, #tpu.memory_space<vmem>>, vector<16xf32>,
    %get3A_432 = arith.constant 448 : index
    %get3A_433 = tpu.vector_load %arg12[%get3A_432] {strides = array<i32>} : memref<720xf32, #tpu.memory_space<vmem>>, vector<16xf32>,
    %get3A_434 = arith.constant 464 : index
    %get3A_435 = tpu.vector_load %arg12[%get3A_434] {strides = array<i32>} : memref<720xf32, #tpu.memory_space<vmem>>, vector<16xf32>,
    %get3A_436 = arith.constant 480 : index
    %get3A_437 = tpu.vector_load %arg12[%get3A_436] {strides = array<i32>} : memref<720xf32, #tpu.memory_space<vmem>>, vector<16xf32>,
    %get3A_438 = arith.constant 496 : index
    %get3A_439 = tpu.vector_load %arg12[%get3A_438] {strides = array<i32>} : memref<720xf32, #tpu.memory_space<vmem>>, vector<16xf32>,
    %get3A_440 = arith.constant 512 : index
    %get3A_441 = tpu.vector_load %arg12[%get3A_440] {strides = array<i32>} : memref<720xf32, #tpu.memory_space<vmem>>, vector<16xf32>,
    %get3A_442 = arith.constant 528 : index
    %get3A_443 = tpu.vector_load %arg12[%get3A_442] {strides = array<i32>} : memref<720xf32, #tpu.memory_space<vmem>>, vector<16xf32>,
    %get3A_444 = arith.constant 544 : index
    %get3A_445 = tpu.vector_load %arg12[%get3A_444] {strides = array<i32>} : memref<720xf32, #tpu.memory_space<vmem>>, vector<16xf32>,
    %get3A_446 = arith.constant 560 : index
    %get3A_447 = tpu.vector_load %arg12[%get3A_446] {strides = array<i32>} : memref<720xf32, #tpu.memory_space<vmem>>, vector<16xf32>,
    %get3A_448 = arith.constant 576 : index
    %get3A_449 = tpu.vector_load %arg12[%get3A_448] {strides = array<i32>} : memref<720xf32, #tpu.memory_space<vmem>>, vector<16xf32>,
    %get3A_450 = arith.constant 592 : index
    %get3A_451 = tpu.vector_load %arg12[%get3A_450] {strides = array<i32>} : memref<720xf32, #tpu.memory_space<vmem>>, vector<16xf32>,
    %get3A_452 = arith.constant 608 : index
    %get3A_453 = tpu.vector_load %arg12[%get3A_452] {strides = array<i32>} : memref<720xf32, #tpu.memory_space<vmem>>, vector<16xf32>,
    %get3A_454 = arith.constant 624 : index
    %get3A_455 = tpu.vector_load %arg12[%get3A_454] {strides = array<i32>} : memref<720xf32, #tpu.memory_space<vmem>>, vector<16xf32>,
    %get3A_456 = arith.constant 640 : index
    %get3A_457 = tpu.vector_load %arg12[%get3A_456] {strides = array<i32>} : memref<720xf32, #tpu.memory_space<vmem>>, vector<16xf32>,
    %get3A_458 = arith.constant 656 : index
    %get3A_459 = tpu.vector_load %arg12[%get3A_458] {strides = array<i32>} : memref<720xf32, #tpu.memory_space<vmem>>, vector<16xf32>,
    %get3A_460 = arith.constant 672 : index
    %get3A_461 = tpu.vector_load %arg12[%get3A_460] {strides = array<i32>} : memref<720xf32, #tpu.memory_space<vmem>>, vector<16xf32>,
    %get3A_462 = arith.constant 688 : index
    %get3A_463 = tpu.vector_load %arg12[%get3A_462] {strides = array<i32>} : memref<720xf32, #tpu.memory_space<vmem>>, vector<16xf32>,
    %get3A_464 = arith.constant 704 : index
    %get3A_465 = tpu.vector_load %arg12[%get3A_464] {strides = array<i32>} : memref<720xf32, #tpu.memory_space<vmem>>, vector<16xf32>,
    %broadcast_in_dim3A = arith.constant 0 : i32
    %broadcast_in_dim3A_466 = vector.broadcast %broadcast_in_dim3A : i32 to vector<16xi32>
    %broadcast_in_dim3A_467 = arith.constant 1 : i32
    %broadcast_in_dim3A_468 = vector.broadcast %broadcast_in_dim3A_467 : i32 to vector<16xi32>
    %broadcast_in_dim3A_469 = arith.constant 2 : i32
    %broadcast_in_dim3A_470 = vector.broadcast %broadcast_in_dim3A_469 : i32 to vector<16xi32>
    %broadcast_in_dim3A_471 = arith.constant 3 : i32
    %broadcast_in_dim3A_472 = vector.broadcast %broadcast_in_dim3A_471 : i32 to vector<16xi32>
    %broadcast_in_dim3A_473 = arith.constant 4 : i32
    %broadcast_in_dim3A_474 = vector.broadcast %broadcast_in_dim3A_473 : i32 to vector<16xi32>
    %mul3A_475 = arith.constant 256 : i32
    %mul3A_476 = arith.muli %add3A, %mul3A_475 : i32
    %add3A_477 = arith.constant 0 : i32
    %add3A_478 = arith.addi %mul3A_476, %add3A_477 : i32
    %mul3A_479 = arith.constant 512 : i32
    %mul3A_480 = arith.muli %add3A_478, %mul3A_479 : i32
    %add3A_481 = arith.constant 0 : i32
    %add3A_482 = arith.addi %add3A_481, %mul3A_480 : i32
    %dma_start3A = arith.constant 0 : i32
    %dma_start3A_483 = tpu.memref_slice %arg6[%dma_start3A] : memref<40960xf32, #tpu.memory_space<vmem>> -> memref<8192xf32, #tpu.memory_space<vmem>>
    %dma_start3A_484 = tpu.memref_slice %arg2[%add3A_482] : memref<20971520xf32, #tpu.memory_space<hbm>> -> memref<8192xf32, #tpu.memory_space<hbm>>
    %dma_start3A_485 = arith.constant 0 : i32
    %dma_start3A_486 = tpu.memref_slice %arg6[%dma_start3A_485] : memref<40960xf32, #tpu.memory_space<vmem>> -> memref<8192xf32, #tpu.memory_space<vmem>>
    %dma_start3A_487 = tpu.memref_slice %arg2[%add3A_482] : memref<20971520xf32, #tpu.memory_space<hbm>> -> memref<8192xf32, #tpu.memory_space<hbm>>
    tpu.enqueue_dma source(%dma_start3A_487 : memref<8192xf32, #tpu.memory_space<hbm>>) target(%dma_start3A_486 : memref<8192xf32, #tpu.memory_space<vmem>>) target_semaphore(%arg13 : memref<!tpu.dma_semaphore, #tpu.memory_space<semaphore_mem>>)
    %mul3A_488 = arith.constant 512 : i32
    %mul3A_489 = arith.muli %add3A_478, %mul3A_488 : i32
    %add3A_490 = arith.constant 4194304 : i32
    %add3A_491 = arith.addi %add3A_490, %mul3A_489 : i32
    %dma_start3A_492 = arith.constant 8192 : i32
    %dma_start3A_493 = tpu.memref_slice %arg6[%dma_start3A_492] : memref<40960xf32, #tpu.memory_space<vmem>> -> memref<8192xf32, #tpu.memory_space<vmem>>
    %dma_start3A_494 = tpu.memref_slice %arg2[%add3A_491] : memref<20971520xf32, #tpu.memory_space<hbm>> -> memref<8192xf32, #tpu.memory_space<hbm>>
    %dma_start3A_495 = arith.constant 8192 : i32
    %dma_start3A_496 = tpu.memref_slice %arg6[%dma_start3A_495] : memref<40960xf32, #tpu.memory_space<vmem>> -> memref<8192xf32, #tpu.memory_space<vmem>>
    %dma_start3A_497 = tpu.memref_slice %arg2[%add3A_491] : memref<20971520xf32, #tpu.memory_space<hbm>> -> memref<8192xf32, #tpu.memory_space<hbm>>
    tpu.enqueue_dma source(%dma_start3A_497 : memref<8192xf32, #tpu.memory_space<hbm>>) target(%dma_start3A_496 : memref<8192xf32, #tpu.memory_space<vmem>>) target_semaphore(%arg13 : memref<!tpu.dma_semaphore, #tpu.memory_space<semaphore_mem>>)
    %mul3A_498 = arith.constant 512 : i32
    %mul3A_499 = arith.muli %add3A_478, %mul3A_498 : i32
    %add3A_500 = arith.constant 8388608 : i32
    %add3A_501 = arith.addi %add3A_500, %mul3A_499 : i32
    %dma_start3A_502 = arith.constant 16384 : i32
    %dma_start3A_503 = tpu.memref_slice %arg6[%dma_start3A_502] : memref<40960xf32, #tpu.memory_space<vmem>> -> memref<8192xf32, #tpu.memory_space<vmem>>
    %dma_start3A_504 = tpu.memref_slice %arg2[%add3A_501] : memref<20971520xf32, #tpu.memory_space<hbm>> -> memref<8192xf32, #tpu.memory_space<hbm>>
    %dma_start3A_505 = arith.constant 16384 : i32
    %dma_start3A_506 = tpu.memref_slice %arg6[%dma_start3A_505] : memref<40960xf32, #tpu.memory_space<vmem>> -> memref<8192xf32, #tpu.memory_space<vmem>>
    %dma_start3A_507 = tpu.memref_slice %arg2[%add3A_501] : memref<20971520xf32, #tpu.memory_space<hbm>> -> memref<8192xf32, #tpu.memory_space<hbm>>
    tpu.enqueue_dma source(%dma_start3A_507 : memref<8192xf32, #tpu.memory_space<hbm>>) target(%dma_start3A_506 : memref<8192xf32, #tpu.memory_space<vmem>>) target_semaphore(%arg13 : memref<!tpu.dma_semaphore, #tpu.memory_space<semaphore_mem>>)
    %mul3A_508 = arith.constant 512 : i32
    %mul3A_509 = arith.muli %add3A_478, %mul3A_508 : i32
    %add3A_510 = arith.constant 12582912 : i32
    %add3A_511 = arith.addi %add3A_510, %mul3A_509 : i32
    %dma_start3A_512 = arith.constant 24576 : i32
    %dma_start3A_513 = tpu.memref_slice %arg6[%dma_start3A_512] : memref<40960xf32, #tpu.memory_space<vmem>> -> memref<8192xf32, #tpu.memory_space<vmem>>
    %dma_start3A_514 = tpu.memref_slice %arg2[%add3A_511] : memref<20971520xf32, #tpu.memory_space<hbm>> -> memref<8192xf32, #tpu.memory_space<hbm>>
    %dma_start3A_515 = arith.constant 24576 : i32
    %dma_start3A_516 = tpu.memref_slice %arg6[%dma_start3A_515] : memref<40960xf32, #tpu.memory_space<vmem>> -> memref<8192xf32, #tpu.memory_space<vmem>>
    %dma_start3A_517 = tpu.memref_slice %arg2[%add3A_511] : memref<20971520xf32, #tpu.memory_space<hbm>> -> memref<8192xf32, #tpu.memory_space<hbm>>
    tpu.enqueue_dma source(%dma_start3A_517 : memref<8192xf32, #tpu.memory_space<hbm>>) target(%dma_start3A_516 : memref<8192xf32, #tpu.memory_space<vmem>>) target_semaphore(%arg13 : memref<!tpu.dma_semaphore, #tpu.memory_space<semaphore_mem>>)
    %mul3A_518 = arith.constant 512 : i32
    %mul3A_519 = arith.muli %add3A_478, %mul3A_518 : i32
    %add3A_520 = arith.constant 16777216 : i32
    %add3A_521 = arith.addi %add3A_520, %mul3A_519 : i32
    %dma_start3A_522 = arith.constant 32768 : i32
    %dma_start3A_523 = tpu.memref_slice %arg6[%dma_start3A_522] : memref<40960xf32, #tpu.memory_space<vmem>> -> memref<8192xf32, #tpu.memory_space<vmem>>
    %dma_start3A_524 = tpu.memref_slice %arg2[%add3A_521] : memref<20971520xf32, #tpu.memory_space<hbm>> -> memref<8192xf32, #tpu.memory_space<hbm>>
    %dma_start3A_525 = arith.constant 32768 : i32
    %dma_start3A_526 = tpu.memref_slice %arg6[%dma_start3A_525] : memref<40960xf32, #tpu.memory_space<vmem>> -> memref<8192xf32, #tpu.memory_space<vmem>>
    %dma_start3A_527 = tpu.memref_slice %arg2[%add3A_521] : memref<20971520xf32, #tpu.memory_space<hbm>> -> memref<8192xf32, #tpu.memory_space<hbm>>
    tpu.enqueue_dma source(%dma_start3A_527 : memref<8192xf32, #tpu.memory_space<hbm>>) target(%dma_start3A_526 : memref<8192xf32, #tpu.memory_space<vmem>>) target_semaphore(%arg13 : memref<!tpu.dma_semaphore, #tpu.memory_space<semaphore_mem>>)
    %scan3A = arith.constant 0 : i32
    %scan3A_528 = arith.constant 0 : i32
    %scan3A_529 = arith.constant 8 : i32
    %scan3A_530 = arith.addi %scan3A_528, %scan3A_529 : i32
    %scan3A_531 = arith.constant 1 : i32
    scf.for %scan3A_548 = %scan3A_528 to %scan3A_530 step %scan3A_531  : i32 {
      %mul3A_549 = arith.constant 2 : i32
      %mul3A_550 = arith.muli %mul3A_549, %scan3A_548 : i32
      %add3A_551 = arith.constant 1 : i32
      %add3A_552 = arith.addi %mul3A_550, %add3A_551 : i32
      %mul3A_553 = arith.constant 256 : i32
      %mul3A_554 = arith.muli %add3A, %mul3A_553 : i32
      %mul3A_555 = arith.constant 16 : i32
      %mul3A_556 = arith.muli %add3A_552, %mul3A_555 : i32
      %add3A_557 = arith.addi %mul3A_554, %mul3A_556 : i32
      %mul3A_558 = arith.constant 512 : i32
      %mul3A_559 = arith.muli %add3A_557, %mul3A_558 : i32
      %add3A_560 = arith.constant 0 : i32
      %add3A_561 = arith.addi %add3A_560, %mul3A_559 : i32
      %dma_start3A_562 = arith.constant 0 : i32
      %dma_start3A_563 = tpu.memref_slice %arg7[%dma_start3A_562] : memref<40960xf32, #tpu.memory_space<vmem>> -> memref<8192xf32, #tpu.memory_space<vmem>>
      %dma_start3A_564 = tpu.memref_slice %arg2[%add3A_561] : memref<20971520xf32, #tpu.memory_space<hbm>> -> memref<8192xf32, #tpu.memory_space<hbm>>
      %dma_start3A_565 = arith.constant 0 : i32
      %dma_start3A_566 = tpu.memref_slice %arg7[%dma_start3A_565] : memref<40960xf32, #tpu.memory_space<vmem>> -> memref<8192xf32, #tpu.memory_space<vmem>>
      %dma_start3A_567 = tpu.memref_slice %arg2[%add3A_561] : memref<20971520xf32, #tpu.memory_space<hbm>> -> memref<8192xf32, #tpu.memory_space<hbm>>
      tpu.enqueue_dma source(%dma_start3A_567 : memref<8192xf32, #tpu.memory_space<hbm>>) target(%dma_start3A_566 : memref<8192xf32, #tpu.memory_space<vmem>>) target_semaphore(%arg14 : memref<!tpu.dma_semaphore, #tpu.memory_space<semaphore_mem>>)
      %mul3A_568 = arith.constant 512 : i32
      %mul3A_569 = arith.muli %add3A_557, %mul3A_568 : i32
      %add3A_570 = arith.constant 4194304 : i32
      %add3A_571 = arith.addi %add3A_570, %mul3A_569 : i32
      %dma_start3A_572 = arith.constant 8192 : i32
      %dma_start3A_573 = tpu.memref_slice %arg7[%dma_start3A_572] : memref<40960xf32, #tpu.memory_space<vmem>> -> memref<8192xf32, #tpu.memory_space<vmem>>
      %dma_start3A_574 = tpu.memref_slice %arg2[%add3A_571] : memref<20971520xf32, #tpu.memory_space<hbm>> -> memref<8192xf32, #tpu.memory_space<hbm>>
      %dma_start3A_575 = arith.constant 8192 : i32
      %dma_start3A_576 = tpu.memref_slice %arg7[%dma_start3A_575] : memref<40960xf32, #tpu.memory_space<vmem>> -> memref<8192xf32, #tpu.memory_space<vmem>>
      %dma_start3A_577 = tpu.memref_slice %arg2[%add3A_571] : memref<20971520xf32, #tpu.memory_space<hbm>> -> memref<8192xf32, #tpu.memory_space<hbm>>
      tpu.enqueue_dma source(%dma_start3A_577 : memref<8192xf32, #tpu.memory_space<hbm>>) target(%dma_start3A_576 : memref<8192xf32, #tpu.memory_space<vmem>>) target_semaphore(%arg14 : memref<!tpu.dma_semaphore, #tpu.memory_space<semaphore_mem>>)
      %mul3A_578 = arith.constant 512 : i32
      %mul3A_579 = arith.muli %add3A_557, %mul3A_578 : i32
      %add3A_580 = arith.constant 8388608 : i32
      %add3A_581 = arith.addi %add3A_580, %mul3A_579 : i32
      %dma_start3A_582 = arith.constant 16384 : i32
      %dma_start3A_583 = tpu.memref_slice %arg7[%dma_start3A_582] : memref<40960xf32, #tpu.memory_space<vmem>> -> memref<8192xf32, #tpu.memory_space<vmem>>
      %dma_start3A_584 = tpu.memref_slice %arg2[%add3A_581] : memref<20971520xf32, #tpu.memory_space<hbm>> -> memref<8192xf32, #tpu.memory_space<hbm>>
      %dma_start3A_585 = arith.constant 16384 : i32
      %dma_start3A_586 = tpu.memref_slice %arg7[%dma_start3A_585] : memref<40960xf32, #tpu.memory_space<vmem>> -> memref<8192xf32, #tpu.memory_space<vmem>>
      %dma_start3A_587 = tpu.memref_slice %arg2[%add3A_581] : memref<20971520xf32, #tpu.memory_space<hbm>> -> memref<8192xf32, #tpu.memory_space<hbm>>
      tpu.enqueue_dma source(%dma_start3A_587 : memref<8192xf32, #tpu.memory_space<hbm>>) target(%dma_start3A_586 : memref<8192xf32, #tpu.memory_space<vmem>>) target_semaphore(%arg14 : memref<!tpu.dma_semaphore, #tpu.memory_space<semaphore_mem>>)
      %mul3A_588 = arith.constant 512 : i32
      %mul3A_589 = arith.muli %add3A_557, %mul3A_588 : i32
      %add3A_590 = arith.constant 12582912 : i32
      %add3A_591 = arith.addi %add3A_590, %mul3A_589 : i32
      %dma_start3A_592 = arith.constant 24576 : i32
      %dma_start3A_593 = tpu.memref_slice %arg7[%dma_start3A_592] : memref<40960xf32, #tpu.memory_space<vmem>> -> memref<8192xf32, #tpu.memory_space<vmem>>
      %dma_start3A_594 = tpu.memref_slice %arg2[%add3A_591] : memref<20971520xf32, #tpu.memory_space<hbm>> -> memref<8192xf32, #tpu.memory_space<hbm>>
      %dma_start3A_595 = arith.constant 24576 : i32
      %dma_start3A_596 = tpu.memref_slice %arg7[%dma_start3A_595] : memref<40960xf32, #tpu.memory_space<vmem>> -> memref<8192xf32, #tpu.memory_space<vmem>>
      %dma_start3A_597 = tpu.memref_slice %arg2[%add3A_591] : memref<20971520xf32, #tpu.memory_space<hbm>> -> memref<8192xf32, #tpu.memory_space<hbm>>
      tpu.enqueue_dma source(%dma_start3A_597 : memref<8192xf32, #tpu.memory_space<hbm>>) target(%dma_start3A_596 : memref<8192xf32, #tpu.memory_space<vmem>>) target_semaphore(%arg14 : memref<!tpu.dma_semaphore, #tpu.memory_space<semaphore_mem>>)
      %mul3A_598 = arith.constant 512 : i32
      %mul3A_599 = arith.muli %add3A_557, %mul3A_598 : i32
      %add3A_600 = arith.constant 16777216 : i32
      %add3A_601 = arith.addi %add3A_600, %mul3A_599 : i32
      %dma_start3A_602 = arith.constant 32768 : i32
      %dma_start3A_603 = tpu.memref_slice %arg7[%dma_start3A_602] : memref<40960xf32, #tpu.memory_space<vmem>> -> memref<8192xf32, #tpu.memory_space<vmem>>
      %dma_start3A_604 = tpu.memref_slice %arg2[%add3A_601] : memref<20971520xf32, #tpu.memory_space<hbm>> -> memref<8192xf32, #tpu.memory_space<hbm>>
      %dma_start3A_605 = arith.constant 32768 : i32
      %dma_start3A_606 = tpu.memref_slice %arg7[%dma_start3A_605] : memref<40960xf32, #tpu.memory_space<vmem>> -> memref<8192xf32, #tpu.memory_space<vmem>>
      %dma_start3A_607 = tpu.memref_slice %arg2[%add3A_601] : memref<20971520xf32, #tpu.memory_space<hbm>> -> memref<8192xf32, #tpu.memory_space<hbm>>
      tpu.enqueue_dma source(%dma_start3A_607 : memref<8192xf32, #tpu.memory_space<hbm>>) target(%dma_start3A_606 : memref<8192xf32, #tpu.memory_space<vmem>>) target_semaphore(%arg14 : memref<!tpu.dma_semaphore, #tpu.memory_space<semaphore_mem>>)
      %dma_wait3A_608 = arith.constant 0 : i32
      %dma_wait3A_609 = tpu.memref_slice %arg2[%dma_wait3A_608] : memref<20971520xf32, #tpu.memory_space<hbm>> -> memref<40960xf32, #tpu.memory_space<hbm>>
      %dma_wait3A_610 = arith.constant 0 : i32
      %dma_wait3A_611 = tpu.memref_slice %arg2[%dma_wait3A_610] : memref<20971520xf32, #tpu.memory_space<hbm>> -> memref<40960xf32, #tpu.memory_space<hbm>>
      tpu.wait_dma2 semaphore(%arg13 : memref<!tpu.dma_semaphore, #tpu.memory_space<semaphore_mem>>) src(%dma_wait3A_611 : memref<40960xf32, #tpu.memory_space<hbm>>) dst(%arg6 : memref<40960xf32, #tpu.memory_space<vmem>>)
      %gt3A = arith.constant 0 : i32
      %gt3A_612 = arith.cmpi sgt, %scan3A_548, %gt3A : i32
      %convert_element_type3A = arith.extui %gt3A_612 : i1 to i32
      %cond3A = arith.constant 0 : i32
      %cond3A_613 = arith.cmpi ne, %convert_element_type3A, %cond3A : i32
      scf.if %cond3A_613 {
        %dma_wait3A_740 = arith.constant 0 : i32
        %dma_wait3A_741 = tpu.memref_slice %arg4[%dma_wait3A_740] : memref<3145728xf32, #tpu.memory_space<hbm>> -> memref<6144xf32, #tpu.memory_space<hbm>>
        %dma_wait3A_742 = arith.constant 0 : i32
        %dma_wait3A_743 = tpu.memref_slice %arg4[%dma_wait3A_742] : memref<3145728xf32, #tpu.memory_space<hbm>> -> memref<6144xf32, #tpu.memory_space<hbm>>
        tpu.wait_dma2 semaphore(%arg15 : memref<!tpu.dma_semaphore, #tpu.memory_space<semaphore_mem>>) src(%dma_wait3A_743 : memref<6144xf32, #tpu.memory_space<hbm>>) dst(%arg8 : memref<6144xf32, #tpu.memory_space<vmem>>)
        %dma_wait3A_744 = arith.constant 0 : i32
        %dma_wait3A_745 = tpu.memref_slice %arg5[%dma_wait3A_744] : memref<3145728xi32, #tpu.memory_space<hbm>> -> memref<6144xi32, #tpu.memory_space<hbm>>
        %dma_wait3A_746 = arith.constant 0 : i32
        %dma_wait3A_747 = tpu.memref_slice %arg5[%dma_wait3A_746] : memref<3145728xi32, #tpu.memory_space<hbm>> -> memref<6144xi32, #tpu.memory_space<hbm>>
        tpu.wait_dma2 semaphore(%arg15 : memref<!tpu.dma_semaphore, #tpu.memory_space<semaphore_mem>>) src(%dma_wait3A_747 : memref<6144xi32, #tpu.memory_space<hbm>>) dst(%arg10 : memref<6144xi32, #tpu.memory_space<vmem>>)
      } else {
      }
      %mul3A_614 = arith.constant 32768 : i32
      %mul3A_615 = arith.muli %add3A, %mul3A_614 : i32
      %mul3A_616 = arith.constant 2048 : i32
      %mul3A_617 = arith.muli %mul3A_550, %mul3A_616 : i32
      %add3A_618 = arith.addi %mul3A_615, %mul3A_617 : i32
      %parallel_loop3A = arith.constant 0 : i32
      %parallel_loop3A_619 = arith.constant 128 : i32
      %parallel_loop3A_620 = arith.constant 1 : i32
      scf.for %parallel_loop3A_740 = %parallel_loop3A to %parallel_loop3A_619 step %parallel_loop3A_620  : i32 {
        %parallel_loop3A_741 = arith.constant 16 : i32
        %parallel_loop3A_742 = arith.muli %parallel_loop3A_740, %parallel_loop3A_741 : i32
        %parallel_loop3A_743 = arith.constant 3 : i32
        %parallel_loop3A_744 = arith.shrsi %parallel_loop3A_740, %parallel_loop3A_743 : i32
        %parallel_loop3A_745 = arith.constant 512 : i32
        %parallel_loop3A_746 = arith.muli %parallel_loop3A_744, %parallel_loop3A_745 : i32
        %parallel_loop3A_747 = arith.constant 7 : i32
        %parallel_loop3A_748 = arith.andi %parallel_loop3A_740, %parallel_loop3A_747 : i32
        %parallel_loop3A_749 = arith.constant 16 : i32
        %parallel_loop3A_750 = arith.muli %parallel_loop3A_748, %parallel_loop3A_749 : i32
        %parallel_loop3A_751 = arith.addi %parallel_loop3A_746, %parallel_loop3A_750 : i32
        %parallel_loop3A_752 = arith.constant 0 : i32
        %parallel_loop3A_753 = arith.addi %parallel_loop3A_752, %parallel_loop3A_751 : i32
        %parallel_loop3A_754 = arith.index_cast %parallel_loop3A_753 : i32 to index
        %parallel_loop3A_755 = tpu.vector_load %arg6[%parallel_loop3A_754] {strides = array<i32>} : memref<40960xf32, #tpu.memory_space<vmem>>, vector<16xf32>,
        %parallel_loop3A_756 = arith.addf %parallel_loop3A_755, %get3A_377 : vector<16xf32>
        %parallel_loop3A_757 = vector.bitcast %parallel_loop3A_756 : vector<16xf32> to vector<16xi32>
        %parallel_loop3A_758 = arith.constant 32768 : i32
        %parallel_loop3A_759 = vector.broadcast %parallel_loop3A_758 : i32 to vector<16xi32>
        %parallel_loop3A_760 = arith.addi %parallel_loop3A_757, %parallel_loop3A_759 : vector<16xi32>
        %parallel_loop3A_761 = arith.constant -65536 : i32
        %parallel_loop3A_762 = vector.broadcast %parallel_loop3A_761 : i32 to vector<16xi32>
        %parallel_loop3A_763 = arith.andi %parallel_loop3A_760, %parallel_loop3A_762 : vector<16xi32>
        %parallel_loop3A_764 = vector.bitcast %parallel_loop3A_763 : vector<16xi32> to vector<16xf32>
        %parallel_loop3A_765 = arith.constant 128 : i32
        %parallel_loop3A_766 = arith.addi %parallel_loop3A_765, %parallel_loop3A_751 : i32
        %parallel_loop3A_767 = arith.index_cast %parallel_loop3A_766 : i32 to index
        %parallel_loop3A_768 = tpu.vector_load %arg6[%parallel_loop3A_767] {strides = array<i32>} : memref<40960xf32, #tpu.memory_space<vmem>>, vector<16xf32>,
        %parallel_loop3A_769 = arith.addf %parallel_loop3A_768, %get3A_379 : vector<16xf32>
        %parallel_loop3A_770 = vector.bitcast %parallel_loop3A_769 : vector<16xf32> to vector<16xi32>
        %parallel_loop3A_771 = arith.constant 32768 : i32
        %parallel_loop3A_772 = vector.broadcast %parallel_loop3A_771 : i32 to vector<16xi32>
        %parallel_loop3A_773 = arith.addi %parallel_loop3A_770, %parallel_loop3A_772 : vector<16xi32>
        %parallel_loop3A_774 = arith.constant -65536 : i32
        %parallel_loop3A_775 = vector.broadcast %parallel_loop3A_774 : i32 to vector<16xi32>
        %parallel_loop3A_776 = arith.andi %parallel_loop3A_773, %parallel_loop3A_775 : vector<16xi32>
        %parallel_loop3A_777 = vector.bitcast %parallel_loop3A_776 : vector<16xi32> to vector<16xf32>
        %parallel_loop3A_778 = arith.constant 256 : i32
        %parallel_loop3A_779 = arith.addi %parallel_loop3A_778, %parallel_loop3A_751 : i32
        %parallel_loop3A_780 = arith.index_cast %parallel_loop3A_779 : i32 to index
        %parallel_loop3A_781 = tpu.vector_load %arg6[%parallel_loop3A_780] {strides = array<i32>} : memref<40960xf32, #tpu.memory_space<vmem>>, vector<16xf32>,
        %parallel_loop3A_782 = arith.addf %parallel_loop3A_781, %get3A_381 : vector<16xf32>
        %parallel_loop3A_783 = vector.bitcast %parallel_loop3A_782 : vector<16xf32> to vector<16xi32>
        %parallel_loop3A_784 = arith.constant 32768 : i32
        %parallel_loop3A_785 = vector.broadcast %parallel_loop3A_784 : i32 to vector<16xi32>
        %parallel_loop3A_786 = arith.addi %parallel_loop3A_783, %parallel_loop3A_785 : vector<16xi32>
        %parallel_loop3A_787 = arith.constant -65536 : i32
        %parallel_loop3A_788 = vector.broadcast %parallel_loop3A_787 : i32 to vector<16xi32>
        %parallel_loop3A_789 = arith.andi %parallel_loop3A_786, %parallel_loop3A_788 : vector<16xi32>
        %parallel_loop3A_790 = vector.bitcast %parallel_loop3A_789 : vector<16xi32> to vector<16xf32>
        %parallel_loop3A_791 = arith.constant 384 : i32
        %parallel_loop3A_792 = arith.addi %parallel_loop3A_791, %parallel_loop3A_751 : i32
        %parallel_loop3A_793 = arith.index_cast %parallel_loop3A_792 : i32 to index
        %parallel_loop3A_794 = tpu.vector_load %arg6[%parallel_loop3A_793] {strides = array<i32>} : memref<40960xf32, #tpu.memory_space<vmem>>, vector<16xf32>,
        %parallel_loop3A_795 = arith.addf %parallel_loop3A_794, %get3A_383 : vector<16xf32>
        %parallel_loop3A_796 = vector.bitcast %parallel_loop3A_795 : vector<16xf32> to vector<16xi32>
        %parallel_loop3A_797 = arith.constant 32768 : i32
        %parallel_loop3A_798 = vector.broadcast %parallel_loop3A_797 : i32 to vector<16xi32>
        %parallel_loop3A_799 = arith.addi %parallel_loop3A_796, %parallel_loop3A_798 : vector<16xi32>
        %parallel_loop3A_800 = arith.constant -65536 : i32
        %parallel_loop3A_801 = vector.broadcast %parallel_loop3A_800 : i32 to vector<16xi32>
        %parallel_loop3A_802 = arith.andi %parallel_loop3A_799, %parallel_loop3A_801 : vector<16xi32>
        %parallel_loop3A_803 = vector.bitcast %parallel_loop3A_802 : vector<16xi32> to vector<16xf32>
        %parallel_loop3A_804 = arith.mulf %parallel_loop3A_764, %get3A_417 : vector<16xf32>
        %parallel_loop3A_805 = arith.addf %get3A_457, %parallel_loop3A_804 : vector<16xf32>
        %parallel_loop3A_806 = arith.mulf %parallel_loop3A_777, %get3A_419 : vector<16xf32>
        %parallel_loop3A_807 = arith.addf %parallel_loop3A_805, %parallel_loop3A_806 : vector<16xf32>
        %parallel_loop3A_808 = arith.mulf %parallel_loop3A_790, %get3A_421 : vector<16xf32>
        %parallel_loop3A_809 = arith.addf %parallel_loop3A_807, %parallel_loop3A_808 : vector<16xf32>
        %parallel_loop3A_810 = arith.mulf %parallel_loop3A_803, %get3A_423 : vector<16xf32>
        %parallel_loop3A_811 = arith.addf %parallel_loop3A_809, %parallel_loop3A_810 : vector<16xf32>
        %parallel_loop3A_812 = arith.constant 0.000000e+00 : f32
        %parallel_loop3A_813 = vector.broadcast %parallel_loop3A_812 : f32 to vector<16xf32>
        %parallel_loop3A_814 = arith.maximumf %parallel_loop3A_811, %parallel_loop3A_813 : vector<16xf32>
        %parallel_loop3A_815 = arith.mulf %parallel_loop3A_764, %get3A_425 : vector<16xf32>
        %parallel_loop3A_816 = arith.addf %get3A_459, %parallel_loop3A_815 : vector<16xf32>
        %parallel_loop3A_817 = arith.mulf %parallel_loop3A_777, %get3A_427 : vector<16xf32>
        %parallel_loop3A_818 = arith.addf %parallel_loop3A_816, %parallel_loop3A_817 : vector<16xf32>
        %parallel_loop3A_819 = arith.mulf %parallel_loop3A_790, %get3A_429 : vector<16xf32>
        %parallel_loop3A_820 = arith.addf %parallel_loop3A_818, %parallel_loop3A_819 : vector<16xf32>
        %parallel_loop3A_821 = arith.mulf %parallel_loop3A_803, %get3A_431 : vector<16xf32>
        %parallel_loop3A_822 = arith.addf %parallel_loop3A_820, %parallel_loop3A_821 : vector<16xf32>
        %parallel_loop3A_823 = arith.constant 0.000000e+00 : f32
        %parallel_loop3A_824 = vector.broadcast %parallel_loop3A_823 : f32 to vector<16xf32>
        %parallel_loop3A_825 = arith.maximumf %parallel_loop3A_822, %parallel_loop3A_824 : vector<16xf32>
        %parallel_loop3A_826 = arith.addf %parallel_loop3A_814, %parallel_loop3A_825 : vector<16xf32>
        %parallel_loop3A_827 = arith.mulf %parallel_loop3A_764, %get3A_433 : vector<16xf32>
        %parallel_loop3A_828 = arith.addf %get3A_461, %parallel_loop3A_827 : vector<16xf32>
        %parallel_loop3A_829 = arith.mulf %parallel_loop3A_777, %get3A_435 : vector<16xf32>
        %parallel_loop3A_830 = arith.addf %parallel_loop3A_828, %parallel_loop3A_829 : vector<16xf32>
        %parallel_loop3A_831 = arith.mulf %parallel_loop3A_790, %get3A_437 : vector<16xf32>
        %parallel_loop3A_832 = arith.addf %parallel_loop3A_830, %parallel_loop3A_831 : vector<16xf32>
        %parallel_loop3A_833 = arith.mulf %parallel_loop3A_803, %get3A_439 : vector<16xf32>
        %parallel_loop3A_834 = arith.addf %parallel_loop3A_832, %parallel_loop3A_833 : vector<16xf32>
        %parallel_loop3A_835 = arith.constant 0.000000e+00 : f32
        %parallel_loop3A_836 = vector.broadcast %parallel_loop3A_835 : f32 to vector<16xf32>
        %parallel_loop3A_837 = arith.maximumf %parallel_loop3A_834, %parallel_loop3A_836 : vector<16xf32>
        %parallel_loop3A_838 = arith.addf %parallel_loop3A_826, %parallel_loop3A_837 : vector<16xf32>
        %parallel_loop3A_839 = arith.mulf %parallel_loop3A_764, %get3A_441 : vector<16xf32>
        %parallel_loop3A_840 = arith.addf %get3A_463, %parallel_loop3A_839 : vector<16xf32>
        %parallel_loop3A_841 = arith.mulf %parallel_loop3A_777, %get3A_443 : vector<16xf32>
        %parallel_loop3A_842 = arith.addf %parallel_loop3A_840, %parallel_loop3A_841 : vector<16xf32>
        %parallel_loop3A_843 = arith.mulf %parallel_loop3A_790, %get3A_445 : vector<16xf32>
        %parallel_loop3A_844 = arith.addf %parallel_loop3A_842, %parallel_loop3A_843 : vector<16xf32>
        %parallel_loop3A_845 = arith.mulf %parallel_loop3A_803, %get3A_447 : vector<16xf32>
        %parallel_loop3A_846 = arith.addf %parallel_loop3A_844, %parallel_loop3A_845 : vector<16xf32>
        %parallel_loop3A_847 = arith.constant 0.000000e+00 : f32
        %parallel_loop3A_848 = vector.broadcast %parallel_loop3A_847 : f32 to vector<16xf32>
        %parallel_loop3A_849 = arith.maximumf %parallel_loop3A_846, %parallel_loop3A_848 : vector<16xf32>
        %parallel_loop3A_850 = arith.addf %parallel_loop3A_838, %parallel_loop3A_849 : vector<16xf32>
        %parallel_loop3A_851 = arith.mulf %parallel_loop3A_764, %get3A_449 : vector<16xf32>
        %parallel_loop3A_852 = arith.addf %get3A_465, %parallel_loop3A_851 : vector<16xf32>
        %parallel_loop3A_853 = arith.mulf %parallel_loop3A_777, %get3A_451 : vector<16xf32>
        %parallel_loop3A_854 = arith.addf %parallel_loop3A_852, %parallel_loop3A_853 : vector<16xf32>
        %parallel_loop3A_855 = arith.mulf %parallel_loop3A_790, %get3A_453 : vector<16xf32>
        %parallel_loop3A_856 = arith.addf %parallel_loop3A_854, %parallel_loop3A_855 : vector<16xf32>
        %parallel_loop3A_857 = arith.mulf %parallel_loop3A_803, %get3A_455 : vector<16xf32>
        %parallel_loop3A_858 = arith.addf %parallel_loop3A_856, %parallel_loop3A_857 : vector<16xf32>
        %parallel_loop3A_859 = arith.constant 0.000000e+00 : f32
        %parallel_loop3A_860 = vector.broadcast %parallel_loop3A_859 : f32 to vector<16xf32>
        %parallel_loop3A_861 = arith.maximumf %parallel_loop3A_858, %parallel_loop3A_860 : vector<16xf32>
        %parallel_loop3A_862 = arith.addf %parallel_loop3A_850, %parallel_loop3A_861 : vector<16xf32>
        %parallel_loop3A_863 = arith.constant 8192 : i32
        %parallel_loop3A_864 = arith.addi %parallel_loop3A_863, %parallel_loop3A_751 : i32
        %parallel_loop3A_865 = arith.index_cast %parallel_loop3A_864 : i32 to index
        %parallel_loop3A_866 = tpu.vector_load %arg6[%parallel_loop3A_865] {strides = array<i32>} : memref<40960xf32, #tpu.memory_space<vmem>>, vector<16xf32>,
        %parallel_loop3A_867 = arith.addf %parallel_loop3A_866, %get3A_385 : vector<16xf32>
        %parallel_loop3A_868 = vector.bitcast %parallel_loop3A_867 : vector<16xf32> to vector<16xi32>
        %parallel_loop3A_869 = arith.constant 32768 : i32
        %parallel_loop3A_870 = vector.broadcast %parallel_loop3A_869 : i32 to vector<16xi32>
        %parallel_loop3A_871 = arith.addi %parallel_loop3A_868, %parallel_loop3A_870 : vector<16xi32>
        %parallel_loop3A_872 = arith.constant -65536 : i32
        %parallel_loop3A_873 = vector.broadcast %parallel_loop3A_872 : i32 to vector<16xi32>
        %parallel_loop3A_874 = arith.andi %parallel_loop3A_871, %parallel_loop3A_873 : vector<16xi32>
        %parallel_loop3A_875 = vector.bitcast %parallel_loop3A_874 : vector<16xi32> to vector<16xf32>
        %parallel_loop3A_876 = arith.constant 8320 : i32
        %parallel_loop3A_877 = arith.addi %parallel_loop3A_876, %parallel_loop3A_751 : i32
        %parallel_loop3A_878 = arith.index_cast %parallel_loop3A_877 : i32 to index
        %parallel_loop3A_879 = tpu.vector_load %arg6[%parallel_loop3A_878] {strides = array<i32>} : memref<40960xf32, #tpu.memory_space<vmem>>, vector<16xf32>,
        %parallel_loop3A_880 = arith.addf %parallel_loop3A_879, %get3A_387 : vector<16xf32>
        %parallel_loop3A_881 = vector.bitcast %parallel_loop3A_880 : vector<16xf32> to vector<16xi32>
        %parallel_loop3A_882 = arith.constant 32768 : i32
        %parallel_loop3A_883 = vector.broadcast %parallel_loop3A_882 : i32 to vector<16xi32>
        %parallel_loop3A_884 = arith.addi %parallel_loop3A_881, %parallel_loop3A_883 : vector<16xi32>
        %parallel_loop3A_885 = arith.constant -65536 : i32
        %parallel_loop3A_886 = vector.broadcast %parallel_loop3A_885 : i32 to vector<16xi32>
        %parallel_loop3A_887 = arith.andi %parallel_loop3A_884, %parallel_loop3A_886 : vector<16xi32>
        %parallel_loop3A_888 = vector.bitcast %parallel_loop3A_887 : vector<16xi32> to vector<16xf32>
        %parallel_loop3A_889 = arith.constant 8448 : i32
        %parallel_loop3A_890 = arith.addi %parallel_loop3A_889, %parallel_loop3A_751 : i32
        %parallel_loop3A_891 = arith.index_cast %parallel_loop3A_890 : i32 to index
        %parallel_loop3A_892 = tpu.vector_load %arg6[%parallel_loop3A_891] {strides = array<i32>} : memref<40960xf32, #tpu.memory_space<vmem>>, vector<16xf32>,
        %parallel_loop3A_893 = arith.addf %parallel_loop3A_892, %get3A_389 : vector<16xf32>
        %parallel_loop3A_894 = vector.bitcast %parallel_loop3A_893 : vector<16xf32> to vector<16xi32>
        %parallel_loop3A_895 = arith.constant 32768 : i32
        %parallel_loop3A_896 = vector.broadcast %parallel_loop3A_895 : i32 to vector<16xi32>
        %parallel_loop3A_897 = arith.addi %parallel_loop3A_894, %parallel_loop3A_896 : vector<16xi32>
        %parallel_loop3A_898 = arith.constant -65536 : i32
        %parallel_loop3A_899 = vector.broadcast %parallel_loop3A_898 : i32 to vector<16xi32>
        %parallel_loop3A_900 = arith.andi %parallel_loop3A_897, %parallel_loop3A_899 : vector<16xi32>
        %parallel_loop3A_901 = vector.bitcast %parallel_loop3A_900 : vector<16xi32> to vector<16xf32>
        %parallel_loop3A_902 = arith.constant 8576 : i32
        %parallel_loop3A_903 = arith.addi %parallel_loop3A_902, %parallel_loop3A_751 : i32
        %parallel_loop3A_904 = arith.index_cast %parallel_loop3A_903 : i32 to index
        %parallel_loop3A_905 = tpu.vector_load %arg6[%parallel_loop3A_904] {strides = array<i32>} : memref<40960xf32, #tpu.memory_space<vmem>>, vector<16xf32>,
        %parallel_loop3A_906 = arith.addf %parallel_loop3A_905, %get3A_391 : vector<16xf32>
        %parallel_loop3A_907 = vector.bitcast %parallel_loop3A_906 : vector<16xf32> to vector<16xi32>
        %parallel_loop3A_908 = arith.constant 32768 : i32
        %parallel_loop3A_909 = vector.broadcast %parallel_loop3A_908 : i32 to vector<16xi32>
        %parallel_loop3A_910 = arith.addi %parallel_loop3A_907, %parallel_loop3A_909 : vector<16xi32>
        %parallel_loop3A_911 = arith.constant -65536 : i32
        %parallel_loop3A_912 = vector.broadcast %parallel_loop3A_911 : i32 to vector<16xi32>
        %parallel_loop3A_913 = arith.andi %parallel_loop3A_910, %parallel_loop3A_912 : vector<16xi32>
        %parallel_loop3A_914 = vector.bitcast %parallel_loop3A_913 : vector<16xi32> to vector<16xf32>
        %parallel_loop3A_915 = arith.mulf %parallel_loop3A_875, %get3A_417 : vector<16xf32>
        %parallel_loop3A_916 = arith.addf %get3A_457, %parallel_loop3A_915 : vector<16xf32>
        %parallel_loop3A_917 = arith.mulf %parallel_loop3A_888, %get3A_419 : vector<16xf32>
        %parallel_loop3A_918 = arith.addf %parallel_loop3A_916, %parallel_loop3A_917 : vector<16xf32>
        %parallel_loop3A_919 = arith.mulf %parallel_loop3A_901, %get3A_421 : vector<16xf32>
        %parallel_loop3A_920 = arith.addf %parallel_loop3A_918, %parallel_loop3A_919 : vector<16xf32>
        %parallel_loop3A_921 = arith.mulf %parallel_loop3A_914, %get3A_423 : vector<16xf32>
        %parallel_loop3A_922 = arith.addf %parallel_loop3A_920, %parallel_loop3A_921 : vector<16xf32>
        %parallel_loop3A_923 = arith.constant 0.000000e+00 : f32
        %parallel_loop3A_924 = vector.broadcast %parallel_loop3A_923 : f32 to vector<16xf32>
        %parallel_loop3A_925 = arith.maximumf %parallel_loop3A_922, %parallel_loop3A_924 : vector<16xf32>
        %parallel_loop3A_926 = arith.mulf %parallel_loop3A_875, %get3A_425 : vector<16xf32>
        %parallel_loop3A_927 = arith.addf %get3A_459, %parallel_loop3A_926 : vector<16xf32>
        %parallel_loop3A_928 = arith.mulf %parallel_loop3A_888, %get3A_427 : vector<16xf32>
        %parallel_loop3A_929 = arith.addf %parallel_loop3A_927, %parallel_loop3A_928 : vector<16xf32>
        %parallel_loop3A_930 = arith.mulf %parallel_loop3A_901, %get3A_429 : vector<16xf32>
        %parallel_loop3A_931 = arith.addf %parallel_loop3A_929, %parallel_loop3A_930 : vector<16xf32>
        %parallel_loop3A_932 = arith.mulf %parallel_loop3A_914, %get3A_431 : vector<16xf32>
        %parallel_loop3A_933 = arith.addf %parallel_loop3A_931, %parallel_loop3A_932 : vector<16xf32>
        %parallel_loop3A_934 = arith.constant 0.000000e+00 : f32
        %parallel_loop3A_935 = vector.broadcast %parallel_loop3A_934 : f32 to vector<16xf32>
        %parallel_loop3A_936 = arith.maximumf %parallel_loop3A_933, %parallel_loop3A_935 : vector<16xf32>
        %parallel_loop3A_937 = arith.addf %parallel_loop3A_925, %parallel_loop3A_936 : vector<16xf32>
        %parallel_loop3A_938 = arith.mulf %parallel_loop3A_875, %get3A_433 : vector<16xf32>
        %parallel_loop3A_939 = arith.addf %get3A_461, %parallel_loop3A_938 : vector<16xf32>
        %parallel_loop3A_940 = arith.mulf %parallel_loop3A_888, %get3A_435 : vector<16xf32>
        %parallel_loop3A_941 = arith.addf %parallel_loop3A_939, %parallel_loop3A_940 : vector<16xf32>
        %parallel_loop3A_942 = arith.mulf %parallel_loop3A_901, %get3A_437 : vector<16xf32>
        %parallel_loop3A_943 = arith.addf %parallel_loop3A_941, %parallel_loop3A_942 : vector<16xf32>
        %parallel_loop3A_944 = arith.mulf %parallel_loop3A_914, %get3A_439 : vector<16xf32>
        %parallel_loop3A_945 = arith.addf %parallel_loop3A_943, %parallel_loop3A_944 : vector<16xf32>
        %parallel_loop3A_946 = arith.constant 0.000000e+00 : f32
        %parallel_loop3A_947 = vector.broadcast %parallel_loop3A_946 : f32 to vector<16xf32>
        %parallel_loop3A_948 = arith.maximumf %parallel_loop3A_945, %parallel_loop3A_947 : vector<16xf32>
        %parallel_loop3A_949 = arith.addf %parallel_loop3A_937, %parallel_loop3A_948 : vector<16xf32>
        %parallel_loop3A_950 = arith.mulf %parallel_loop3A_875, %get3A_441 : vector<16xf32>
        %parallel_loop3A_951 = arith.addf %get3A_463, %parallel_loop3A_950 : vector<16xf32>
        %parallel_loop3A_952 = arith.mulf %parallel_loop3A_888, %get3A_443 : vector<16xf32>
        %parallel_loop3A_953 = arith.addf %parallel_loop3A_951, %parallel_loop3A_952 : vector<16xf32>
        %parallel_loop3A_954 = arith.mulf %parallel_loop3A_901, %get3A_445 : vector<16xf32>
        %parallel_loop3A_955 = arith.addf %parallel_loop3A_953, %parallel_loop3A_954 : vector<16xf32>
        %parallel_loop3A_956 = arith.mulf %parallel_loop3A_914, %get3A_447 : vector<16xf32>
        %parallel_loop3A_957 = arith.addf %parallel_loop3A_955, %parallel_loop3A_956 : vector<16xf32>
        %parallel_loop3A_958 = arith.constant 0.000000e+00 : f32
        %parallel_loop3A_959 = vector.broadcast %parallel_loop3A_958 : f32 to vector<16xf32>
        %parallel_loop3A_960 = arith.maximumf %parallel_loop3A_957, %parallel_loop3A_959 : vector<16xf32>
        %parallel_loop3A_961 = arith.addf %parallel_loop3A_949, %parallel_loop3A_960 : vector<16xf32>
        %parallel_loop3A_962 = arith.mulf %parallel_loop3A_875, %get3A_449 : vector<16xf32>
        %parallel_loop3A_963 = arith.addf %get3A_465, %parallel_loop3A_962 : vector<16xf32>
        %parallel_loop3A_964 = arith.mulf %parallel_loop3A_888, %get3A_451 : vector<16xf32>
        %parallel_loop3A_965 = arith.addf %parallel_loop3A_963, %parallel_loop3A_964 : vector<16xf32>
        %parallel_loop3A_966 = arith.mulf %parallel_loop3A_901, %get3A_453 : vector<16xf32>
        %parallel_loop3A_967 = arith.addf %parallel_loop3A_965, %parallel_loop3A_966 : vector<16xf32>
        %parallel_loop3A_968 = arith.mulf %parallel_loop3A_914, %get3A_455 : vector<16xf32>
        %parallel_loop3A_969 = arith.addf %parallel_loop3A_967, %parallel_loop3A_968 : vector<16xf32>
        %parallel_loop3A_970 = arith.constant 0.000000e+00 : f32
        %parallel_loop3A_971 = vector.broadcast %parallel_loop3A_970 : f32 to vector<16xf32>
        %parallel_loop3A_972 = arith.maximumf %parallel_loop3A_969, %parallel_loop3A_971 : vector<16xf32>
        %parallel_loop3A_973 = arith.addf %parallel_loop3A_961, %parallel_loop3A_972 : vector<16xf32>
        %parallel_loop3A_974 = arith.constant 16384 : i32
        %parallel_loop3A_975 = arith.addi %parallel_loop3A_974, %parallel_loop3A_751 : i32
        %parallel_loop3A_976 = arith.index_cast %parallel_loop3A_975 : i32 to index
        %parallel_loop3A_977 = tpu.vector_load %arg6[%parallel_loop3A_976] {strides = array<i32>} : memref<40960xf32, #tpu.memory_space<vmem>>, vector<16xf32>,
        %parallel_loop3A_978 = arith.addf %parallel_loop3A_977, %get3A_393 : vector<16xf32>
        %parallel_loop3A_979 = vector.bitcast %parallel_loop3A_978 : vector<16xf32> to vector<16xi32>
        %parallel_loop3A_980 = arith.constant 32768 : i32
        %parallel_loop3A_981 = vector.broadcast %parallel_loop3A_980 : i32 to vector<16xi32>
        %parallel_loop3A_982 = arith.addi %parallel_loop3A_979, %parallel_loop3A_981 : vector<16xi32>
        %parallel_loop3A_983 = arith.constant -65536 : i32
        %parallel_loop3A_984 = vector.broadcast %parallel_loop3A_983 : i32 to vector<16xi32>
        %parallel_loop3A_985 = arith.andi %parallel_loop3A_982, %parallel_loop3A_984 : vector<16xi32>
        %parallel_loop3A_986 = vector.bitcast %parallel_loop3A_985 : vector<16xi32> to vector<16xf32>
        %parallel_loop3A_987 = arith.constant 16512 : i32
        %parallel_loop3A_988 = arith.addi %parallel_loop3A_987, %parallel_loop3A_751 : i32
        %parallel_loop3A_989 = arith.index_cast %parallel_loop3A_988 : i32 to index
        %parallel_loop3A_990 = tpu.vector_load %arg6[%parallel_loop3A_989] {strides = array<i32>} : memref<40960xf32, #tpu.memory_space<vmem>>, vector<16xf32>,
        %parallel_loop3A_991 = arith.addf %parallel_loop3A_990, %get3A_395 : vector<16xf32>
        %parallel_loop3A_992 = vector.bitcast %parallel_loop3A_991 : vector<16xf32> to vector<16xi32>
        %parallel_loop3A_993 = arith.constant 32768 : i32
        %parallel_loop3A_994 = vector.broadcast %parallel_loop3A_993 : i32 to vector<16xi32>
        %parallel_loop3A_995 = arith.addi %parallel_loop3A_992, %parallel_loop3A_994 : vector<16xi32>
        %parallel_loop3A_996 = arith.constant -65536 : i32
        %parallel_loop3A_997 = vector.broadcast %parallel_loop3A_996 : i32 to vector<16xi32>
        %parallel_loop3A_998 = arith.andi %parallel_loop3A_995, %parallel_loop3A_997 : vector<16xi32>
        %parallel_loop3A_999 = vector.bitcast %parallel_loop3A_998 : vector<16xi32> to vector<16xf32>
        %parallel_loop3A_1000 = arith.constant 16640 : i32
        %parallel_loop3A_1001 = arith.addi %parallel_loop3A_1000, %parallel_loop3A_751 : i32
        %parallel_loop3A_1002 = arith.index_cast %parallel_loop3A_1001 : i32 to index
        %parallel_loop3A_1003 = tpu.vector_load %arg6[%parallel_loop3A_1002] {strides = array<i32>} : memref<40960xf32, #tpu.memory_space<vmem>>, vector<16xf32>,
        %parallel_loop3A_1004 = arith.addf %parallel_loop3A_1003, %get3A_397 : vector<16xf32>
        %parallel_loop3A_1005 = vector.bitcast %parallel_loop3A_1004 : vector<16xf32> to vector<16xi32>
        %parallel_loop3A_1006 = arith.constant 32768 : i32
        %parallel_loop3A_1007 = vector.broadcast %parallel_loop3A_1006 : i32 to vector<16xi32>
        %parallel_loop3A_1008 = arith.addi %parallel_loop3A_1005, %parallel_loop3A_1007 : vector<16xi32>
        %parallel_loop3A_1009 = arith.constant -65536 : i32
        %parallel_loop3A_1010 = vector.broadcast %parallel_loop3A_1009 : i32 to vector<16xi32>
        %parallel_loop3A_1011 = arith.andi %parallel_loop3A_1008, %parallel_loop3A_1010 : vector<16xi32>
        %parallel_loop3A_1012 = vector.bitcast %parallel_loop3A_1011 : vector<16xi32> to vector<16xf32>
        %parallel_loop3A_1013 = arith.constant 16768 : i32
        %parallel_loop3A_1014 = arith.addi %parallel_loop3A_1013, %parallel_loop3A_751 : i32
        %parallel_loop3A_1015 = arith.index_cast %parallel_loop3A_1014 : i32 to index
        %parallel_loop3A_1016 = tpu.vector_load %arg6[%parallel_loop3A_1015] {strides = array<i32>} : memref<40960xf32, #tpu.memory_space<vmem>>, vector<16xf32>,
        %parallel_loop3A_1017 = arith.addf %parallel_loop3A_1016, %get3A_399 : vector<16xf32>
        %parallel_loop3A_1018 = vector.bitcast %parallel_loop3A_1017 : vector<16xf32> to vector<16xi32>
        %parallel_loop3A_1019 = arith.constant 32768 : i32
        %parallel_loop3A_1020 = vector.broadcast %parallel_loop3A_1019 : i32 to vector<16xi32>
        %parallel_loop3A_1021 = arith.addi %parallel_loop3A_1018, %parallel_loop3A_1020 : vector<16xi32>
        %parallel_loop3A_1022 = arith.constant -65536 : i32
        %parallel_loop3A_1023 = vector.broadcast %parallel_loop3A_1022 : i32 to vector<16xi32>
        %parallel_loop3A_1024 = arith.andi %parallel_loop3A_1021, %parallel_loop3A_1023 : vector<16xi32>
        %parallel_loop3A_1025 = vector.bitcast %parallel_loop3A_1024 : vector<16xi32> to vector<16xf32>
        %parallel_loop3A_1026 = arith.mulf %parallel_loop3A_986, %get3A_417 : vector<16xf32>
        %parallel_loop3A_1027 = arith.addf %get3A_457, %parallel_loop3A_1026 : vector<16xf32>
        %parallel_loop3A_1028 = arith.mulf %parallel_loop3A_999, %get3A_419 : vector<16xf32>
        %parallel_loop3A_1029 = arith.addf %parallel_loop3A_1027, %parallel_loop3A_1028 : vector<16xf32>
        %parallel_loop3A_1030 = arith.mulf %parallel_loop3A_1012, %get3A_421 : vector<16xf32>
        %parallel_loop3A_1031 = arith.addf %parallel_loop3A_1029, %parallel_loop3A_1030 : vector<16xf32>
        %parallel_loop3A_1032 = arith.mulf %parallel_loop3A_1025, %get3A_423 : vector<16xf32>
        %parallel_loop3A_1033 = arith.addf %parallel_loop3A_1031, %parallel_loop3A_1032 : vector<16xf32>
        %parallel_loop3A_1034 = arith.constant 0.000000e+00 : f32
        %parallel_loop3A_1035 = vector.broadcast %parallel_loop3A_1034 : f32 to vector<16xf32>
        %parallel_loop3A_1036 = arith.maximumf %parallel_loop3A_1033, %parallel_loop3A_1035 : vector<16xf32>
        %parallel_loop3A_1037 = arith.mulf %parallel_loop3A_986, %get3A_425 : vector<16xf32>
        %parallel_loop3A_1038 = arith.addf %get3A_459, %parallel_loop3A_1037 : vector<16xf32>
        %parallel_loop3A_1039 = arith.mulf %parallel_loop3A_999, %get3A_427 : vector<16xf32>
        %parallel_loop3A_1040 = arith.addf %parallel_loop3A_1038, %parallel_loop3A_1039 : vector<16xf32>
        %parallel_loop3A_1041 = arith.mulf %parallel_loop3A_1012, %get3A_429 : vector<16xf32>
        %parallel_loop3A_1042 = arith.addf %parallel_loop3A_1040, %parallel_loop3A_1041 : vector<16xf32>
        %parallel_loop3A_1043 = arith.mulf %parallel_loop3A_1025, %get3A_431 : vector<16xf32>
        %parallel_loop3A_1044 = arith.addf %parallel_loop3A_1042, %parallel_loop3A_1043 : vector<16xf32>
        %parallel_loop3A_1045 = arith.constant 0.000000e+00 : f32
        %parallel_loop3A_1046 = vector.broadcast %parallel_loop3A_1045 : f32 to vector<16xf32>
        %parallel_loop3A_1047 = arith.maximumf %parallel_loop3A_1044, %parallel_loop3A_1046 : vector<16xf32>
        %parallel_loop3A_1048 = arith.addf %parallel_loop3A_1036, %parallel_loop3A_1047 : vector<16xf32>
        %parallel_loop3A_1049 = arith.mulf %parallel_loop3A_986, %get3A_433 : vector<16xf32>
        %parallel_loop3A_1050 = arith.addf %get3A_461, %parallel_loop3A_1049 : vector<16xf32>
        %parallel_loop3A_1051 = arith.mulf %parallel_loop3A_999, %get3A_435 : vector<16xf32>
        %parallel_loop3A_1052 = arith.addf %parallel_loop3A_1050, %parallel_loop3A_1051 : vector<16xf32>
        %parallel_loop3A_1053 = arith.mulf %parallel_loop3A_1012, %get3A_437 : vector<16xf32>
        %parallel_loop3A_1054 = arith.addf %parallel_loop3A_1052, %parallel_loop3A_1053 : vector<16xf32>
        %parallel_loop3A_1055 = arith.mulf %parallel_loop3A_1025, %get3A_439 : vector<16xf32>
        %parallel_loop3A_1056 = arith.addf %parallel_loop3A_1054, %parallel_loop3A_1055 : vector<16xf32>
        %parallel_loop3A_1057 = arith.constant 0.000000e+00 : f32
        %parallel_loop3A_1058 = vector.broadcast %parallel_loop3A_1057 : f32 to vector<16xf32>
        %parallel_loop3A_1059 = arith.maximumf %parallel_loop3A_1056, %parallel_loop3A_1058 : vector<16xf32>
        %parallel_loop3A_1060 = arith.addf %parallel_loop3A_1048, %parallel_loop3A_1059 : vector<16xf32>
        %parallel_loop3A_1061 = arith.mulf %parallel_loop3A_986, %get3A_441 : vector<16xf32>
        %parallel_loop3A_1062 = arith.addf %get3A_463, %parallel_loop3A_1061 : vector<16xf32>
        %parallel_loop3A_1063 = arith.mulf %parallel_loop3A_999, %get3A_443 : vector<16xf32>
        %parallel_loop3A_1064 = arith.addf %parallel_loop3A_1062, %parallel_loop3A_1063 : vector<16xf32>
        %parallel_loop3A_1065 = arith.mulf %parallel_loop3A_1012, %get3A_445 : vector<16xf32>
        %parallel_loop3A_1066 = arith.addf %parallel_loop3A_1064, %parallel_loop3A_1065 : vector<16xf32>
        %parallel_loop3A_1067 = arith.mulf %parallel_loop3A_1025, %get3A_447 : vector<16xf32>
        %parallel_loop3A_1068 = arith.addf %parallel_loop3A_1066, %parallel_loop3A_1067 : vector<16xf32>
        %parallel_loop3A_1069 = arith.constant 0.000000e+00 : f32
        %parallel_loop3A_1070 = vector.broadcast %parallel_loop3A_1069 : f32 to vector<16xf32>
        %parallel_loop3A_1071 = arith.maximumf %parallel_loop3A_1068, %parallel_loop3A_1070 : vector<16xf32>
        %parallel_loop3A_1072 = arith.addf %parallel_loop3A_1060, %parallel_loop3A_1071 : vector<16xf32>
        %parallel_loop3A_1073 = arith.mulf %parallel_loop3A_986, %get3A_449 : vector<16xf32>
        %parallel_loop3A_1074 = arith.addf %get3A_465, %parallel_loop3A_1073 : vector<16xf32>
        %parallel_loop3A_1075 = arith.mulf %parallel_loop3A_999, %get3A_451 : vector<16xf32>
        %parallel_loop3A_1076 = arith.addf %parallel_loop3A_1074, %parallel_loop3A_1075 : vector<16xf32>
        %parallel_loop3A_1077 = arith.mulf %parallel_loop3A_1012, %get3A_453 : vector<16xf32>
        %parallel_loop3A_1078 = arith.addf %parallel_loop3A_1076, %parallel_loop3A_1077 : vector<16xf32>
        %parallel_loop3A_1079 = arith.mulf %parallel_loop3A_1025, %get3A_455 : vector<16xf32>
        %parallel_loop3A_1080 = arith.addf %parallel_loop3A_1078, %parallel_loop3A_1079 : vector<16xf32>
        %parallel_loop3A_1081 = arith.constant 0.000000e+00 : f32
        %parallel_loop3A_1082 = vector.broadcast %parallel_loop3A_1081 : f32 to vector<16xf32>
        %parallel_loop3A_1083 = arith.maximumf %parallel_loop3A_1080, %parallel_loop3A_1082 : vector<16xf32>
        %parallel_loop3A_1084 = arith.addf %parallel_loop3A_1072, %parallel_loop3A_1083 : vector<16xf32>
        %parallel_loop3A_1085 = arith.constant 24576 : i32
        %parallel_loop3A_1086 = arith.addi %parallel_loop3A_1085, %parallel_loop3A_751 : i32
        %parallel_loop3A_1087 = arith.index_cast %parallel_loop3A_1086 : i32 to index
        %parallel_loop3A_1088 = tpu.vector_load %arg6[%parallel_loop3A_1087] {strides = array<i32>} : memref<40960xf32, #tpu.memory_space<vmem>>, vector<16xf32>,
        %parallel_loop3A_1089 = arith.addf %parallel_loop3A_1088, %get3A_401 : vector<16xf32>
        %parallel_loop3A_1090 = vector.bitcast %parallel_loop3A_1089 : vector<16xf32> to vector<16xi32>
        %parallel_loop3A_1091 = arith.constant 32768 : i32
        %parallel_loop3A_1092 = vector.broadcast %parallel_loop3A_1091 : i32 to vector<16xi32>
        %parallel_loop3A_1093 = arith.addi %parallel_loop3A_1090, %parallel_loop3A_1092 : vector<16xi32>
        %parallel_loop3A_1094 = arith.constant -65536 : i32
        %parallel_loop3A_1095 = vector.broadcast %parallel_loop3A_1094 : i32 to vector<16xi32>
        %parallel_loop3A_1096 = arith.andi %parallel_loop3A_1093, %parallel_loop3A_1095 : vector<16xi32>
        %parallel_loop3A_1097 = vector.bitcast %parallel_loop3A_1096 : vector<16xi32> to vector<16xf32>
        %parallel_loop3A_1098 = arith.constant 24704 : i32
        %parallel_loop3A_1099 = arith.addi %parallel_loop3A_1098, %parallel_loop3A_751 : i32
        %parallel_loop3A_1100 = arith.index_cast %parallel_loop3A_1099 : i32 to index
        %parallel_loop3A_1101 = tpu.vector_load %arg6[%parallel_loop3A_1100] {strides = array<i32>} : memref<40960xf32, #tpu.memory_space<vmem>>, vector<16xf32>,
        %parallel_loop3A_1102 = arith.addf %parallel_loop3A_1101, %get3A_403 : vector<16xf32>
        %parallel_loop3A_1103 = vector.bitcast %parallel_loop3A_1102 : vector<16xf32> to vector<16xi32>
        %parallel_loop3A_1104 = arith.constant 32768 : i32
        %parallel_loop3A_1105 = vector.broadcast %parallel_loop3A_1104 : i32 to vector<16xi32>
        %parallel_loop3A_1106 = arith.addi %parallel_loop3A_1103, %parallel_loop3A_1105 : vector<16xi32>
        %parallel_loop3A_1107 = arith.constant -65536 : i32
        %parallel_loop3A_1108 = vector.broadcast %parallel_loop3A_1107 : i32 to vector<16xi32>
        %parallel_loop3A_1109 = arith.andi %parallel_loop3A_1106, %parallel_loop3A_1108 : vector<16xi32>
        %parallel_loop3A_1110 = vector.bitcast %parallel_loop3A_1109 : vector<16xi32> to vector<16xf32>
        %parallel_loop3A_1111 = arith.constant 24832 : i32
        %parallel_loop3A_1112 = arith.addi %parallel_loop3A_1111, %parallel_loop3A_751 : i32
        %parallel_loop3A_1113 = arith.index_cast %parallel_loop3A_1112 : i32 to index
        %parallel_loop3A_1114 = tpu.vector_load %arg6[%parallel_loop3A_1113] {strides = array<i32>} : memref<40960xf32, #tpu.memory_space<vmem>>, vector<16xf32>,
        %parallel_loop3A_1115 = arith.addf %parallel_loop3A_1114, %get3A_405 : vector<16xf32>
        %parallel_loop3A_1116 = vector.bitcast %parallel_loop3A_1115 : vector<16xf32> to vector<16xi32>
        %parallel_loop3A_1117 = arith.constant 32768 : i32
        %parallel_loop3A_1118 = vector.broadcast %parallel_loop3A_1117 : i32 to vector<16xi32>
        %parallel_loop3A_1119 = arith.addi %parallel_loop3A_1116, %parallel_loop3A_1118 : vector<16xi32>
        %parallel_loop3A_1120 = arith.constant -65536 : i32
        %parallel_loop3A_1121 = vector.broadcast %parallel_loop3A_1120 : i32 to vector<16xi32>
        %parallel_loop3A_1122 = arith.andi %parallel_loop3A_1119, %parallel_loop3A_1121 : vector<16xi32>
        %parallel_loop3A_1123 = vector.bitcast %parallel_loop3A_1122 : vector<16xi32> to vector<16xf32>
        %parallel_loop3A_1124 = arith.constant 24960 : i32
        %parallel_loop3A_1125 = arith.addi %parallel_loop3A_1124, %parallel_loop3A_751 : i32
        %parallel_loop3A_1126 = arith.index_cast %parallel_loop3A_1125 : i32 to index
        %parallel_loop3A_1127 = tpu.vector_load %arg6[%parallel_loop3A_1126] {strides = array<i32>} : memref<40960xf32, #tpu.memory_space<vmem>>, vector<16xf32>,
        %parallel_loop3A_1128 = arith.addf %parallel_loop3A_1127, %get3A_407 : vector<16xf32>
        %parallel_loop3A_1129 = vector.bitcast %parallel_loop3A_1128 : vector<16xf32> to vector<16xi32>
        %parallel_loop3A_1130 = arith.constant 32768 : i32
        %parallel_loop3A_1131 = vector.broadcast %parallel_loop3A_1130 : i32 to vector<16xi32>
        %parallel_loop3A_1132 = arith.addi %parallel_loop3A_1129, %parallel_loop3A_1131 : vector<16xi32>
        %parallel_loop3A_1133 = arith.constant -65536 : i32
        %parallel_loop3A_1134 = vector.broadcast %parallel_loop3A_1133 : i32 to vector<16xi32>
        %parallel_loop3A_1135 = arith.andi %parallel_loop3A_1132, %parallel_loop3A_1134 : vector<16xi32>
        %parallel_loop3A_1136 = vector.bitcast %parallel_loop3A_1135 : vector<16xi32> to vector<16xf32>
        %parallel_loop3A_1137 = arith.mulf %parallel_loop3A_1097, %get3A_417 : vector<16xf32>
        %parallel_loop3A_1138 = arith.addf %get3A_457, %parallel_loop3A_1137 : vector<16xf32>
        %parallel_loop3A_1139 = arith.mulf %parallel_loop3A_1110, %get3A_419 : vector<16xf32>
        %parallel_loop3A_1140 = arith.addf %parallel_loop3A_1138, %parallel_loop3A_1139 : vector<16xf32>
        %parallel_loop3A_1141 = arith.mulf %parallel_loop3A_1123, %get3A_421 : vector<16xf32>
        %parallel_loop3A_1142 = arith.addf %parallel_loop3A_1140, %parallel_loop3A_1141 : vector<16xf32>
        %parallel_loop3A_1143 = arith.mulf %parallel_loop3A_1136, %get3A_423 : vector<16xf32>
        %parallel_loop3A_1144 = arith.addf %parallel_loop3A_1142, %parallel_loop3A_1143 : vector<16xf32>
        %parallel_loop3A_1145 = arith.constant 0.000000e+00 : f32
        %parallel_loop3A_1146 = vector.broadcast %parallel_loop3A_1145 : f32 to vector<16xf32>
        %parallel_loop3A_1147 = arith.maximumf %parallel_loop3A_1144, %parallel_loop3A_1146 : vector<16xf32>
        %parallel_loop3A_1148 = arith.mulf %parallel_loop3A_1097, %get3A_425 : vector<16xf32>
        %parallel_loop3A_1149 = arith.addf %get3A_459, %parallel_loop3A_1148 : vector<16xf32>
        %parallel_loop3A_1150 = arith.mulf %parallel_loop3A_1110, %get3A_427 : vector<16xf32>
        %parallel_loop3A_1151 = arith.addf %parallel_loop3A_1149, %parallel_loop3A_1150 : vector<16xf32>
        %parallel_loop3A_1152 = arith.mulf %parallel_loop3A_1123, %get3A_429 : vector<16xf32>
        %parallel_loop3A_1153 = arith.addf %parallel_loop3A_1151, %parallel_loop3A_1152 : vector<16xf32>
        %parallel_loop3A_1154 = arith.mulf %parallel_loop3A_1136, %get3A_431 : vector<16xf32>
        %parallel_loop3A_1155 = arith.addf %parallel_loop3A_1153, %parallel_loop3A_1154 : vector<16xf32>
        %parallel_loop3A_1156 = arith.constant 0.000000e+00 : f32
        %parallel_loop3A_1157 = vector.broadcast %parallel_loop3A_1156 : f32 to vector<16xf32>
        %parallel_loop3A_1158 = arith.maximumf %parallel_loop3A_1155, %parallel_loop3A_1157 : vector<16xf32>
        %parallel_loop3A_1159 = arith.addf %parallel_loop3A_1147, %parallel_loop3A_1158 : vector<16xf32>
        %parallel_loop3A_1160 = arith.mulf %parallel_loop3A_1097, %get3A_433 : vector<16xf32>
        %parallel_loop3A_1161 = arith.addf %get3A_461, %parallel_loop3A_1160 : vector<16xf32>
        %parallel_loop3A_1162 = arith.mulf %parallel_loop3A_1110, %get3A_435 : vector<16xf32>
        %parallel_loop3A_1163 = arith.addf %parallel_loop3A_1161, %parallel_loop3A_1162 : vector<16xf32>
        %parallel_loop3A_1164 = arith.mulf %parallel_loop3A_1123, %get3A_437 : vector<16xf32>
        %parallel_loop3A_1165 = arith.addf %parallel_loop3A_1163, %parallel_loop3A_1164 : vector<16xf32>
        %parallel_loop3A_1166 = arith.mulf %parallel_loop3A_1136, %get3A_439 : vector<16xf32>
        %parallel_loop3A_1167 = arith.addf %parallel_loop3A_1165, %parallel_loop3A_1166 : vector<16xf32>
        %parallel_loop3A_1168 = arith.constant 0.000000e+00 : f32
        %parallel_loop3A_1169 = vector.broadcast %parallel_loop3A_1168 : f32 to vector<16xf32>
        %parallel_loop3A_1170 = arith.maximumf %parallel_loop3A_1167, %parallel_loop3A_1169 : vector<16xf32>
        %parallel_loop3A_1171 = arith.addf %parallel_loop3A_1159, %parallel_loop3A_1170 : vector<16xf32>
        %parallel_loop3A_1172 = arith.mulf %parallel_loop3A_1097, %get3A_441 : vector<16xf32>
        %parallel_loop3A_1173 = arith.addf %get3A_463, %parallel_loop3A_1172 : vector<16xf32>
        %parallel_loop3A_1174 = arith.mulf %parallel_loop3A_1110, %get3A_443 : vector<16xf32>
        %parallel_loop3A_1175 = arith.addf %parallel_loop3A_1173, %parallel_loop3A_1174 : vector<16xf32>
        %parallel_loop3A_1176 = arith.mulf %parallel_loop3A_1123, %get3A_445 : vector<16xf32>
        %parallel_loop3A_1177 = arith.addf %parallel_loop3A_1175, %parallel_loop3A_1176 : vector<16xf32>
        %parallel_loop3A_1178 = arith.mulf %parallel_loop3A_1136, %get3A_447 : vector<16xf32>
        %parallel_loop3A_1179 = arith.addf %parallel_loop3A_1177, %parallel_loop3A_1178 : vector<16xf32>
        %parallel_loop3A_1180 = arith.constant 0.000000e+00 : f32
        %parallel_loop3A_1181 = vector.broadcast %parallel_loop3A_1180 : f32 to vector<16xf32>
        %parallel_loop3A_1182 = arith.maximumf %parallel_loop3A_1179, %parallel_loop3A_1181 : vector<16xf32>
        %parallel_loop3A_1183 = arith.addf %parallel_loop3A_1171, %parallel_loop3A_1182 : vector<16xf32>
        %parallel_loop3A_1184 = arith.mulf %parallel_loop3A_1097, %get3A_449 : vector<16xf32>
        %parallel_loop3A_1185 = arith.addf %get3A_465, %parallel_loop3A_1184 : vector<16xf32>
        %parallel_loop3A_1186 = arith.mulf %parallel_loop3A_1110, %get3A_451 : vector<16xf32>
        %parallel_loop3A_1187 = arith.addf %parallel_loop3A_1185, %parallel_loop3A_1186 : vector<16xf32>
        %parallel_loop3A_1188 = arith.mulf %parallel_loop3A_1123, %get3A_453 : vector<16xf32>
        %parallel_loop3A_1189 = arith.addf %parallel_loop3A_1187, %parallel_loop3A_1188 : vector<16xf32>
        %parallel_loop3A_1190 = arith.mulf %parallel_loop3A_1136, %get3A_455 : vector<16xf32>
        %parallel_loop3A_1191 = arith.addf %parallel_loop3A_1189, %parallel_loop3A_1190 : vector<16xf32>
        %parallel_loop3A_1192 = arith.constant 0.000000e+00 : f32
        %parallel_loop3A_1193 = vector.broadcast %parallel_loop3A_1192 : f32 to vector<16xf32>
        %parallel_loop3A_1194 = arith.maximumf %parallel_loop3A_1191, %parallel_loop3A_1193 : vector<16xf32>
        %parallel_loop3A_1195 = arith.addf %parallel_loop3A_1183, %parallel_loop3A_1194 : vector<16xf32>
        %parallel_loop3A_1196 = arith.constant 32768 : i32
        %parallel_loop3A_1197 = arith.addi %parallel_loop3A_1196, %parallel_loop3A_751 : i32
        %parallel_loop3A_1198 = arith.index_cast %parallel_loop3A_1197 : i32 to index
        %parallel_loop3A_1199 = tpu.vector_load %arg6[%parallel_loop3A_1198] {strides = array<i32>} : memref<40960xf32, #tpu.memory_space<vmem>>, vector<16xf32>,
        %parallel_loop3A_1200 = arith.addf %parallel_loop3A_1199, %get3A_409 : vector<16xf32>
        %parallel_loop3A_1201 = vector.bitcast %parallel_loop3A_1200 : vector<16xf32> to vector<16xi32>
        %parallel_loop3A_1202 = arith.constant 32768 : i32
        %parallel_loop3A_1203 = vector.broadcast %parallel_loop3A_1202 : i32 to vector<16xi32>
        %parallel_loop3A_1204 = arith.addi %parallel_loop3A_1201, %parallel_loop3A_1203 : vector<16xi32>
        %parallel_loop3A_1205 = arith.constant -65536 : i32
        %parallel_loop3A_1206 = vector.broadcast %parallel_loop3A_1205 : i32 to vector<16xi32>
        %parallel_loop3A_1207 = arith.andi %parallel_loop3A_1204, %parallel_loop3A_1206 : vector<16xi32>
        %parallel_loop3A_1208 = vector.bitcast %parallel_loop3A_1207 : vector<16xi32> to vector<16xf32>
        %parallel_loop3A_1209 = arith.constant 32896 : i32
        %parallel_loop3A_1210 = arith.addi %parallel_loop3A_1209, %parallel_loop3A_751 : i32
        %parallel_loop3A_1211 = arith.index_cast %parallel_loop3A_1210 : i32 to index
        %parallel_loop3A_1212 = tpu.vector_load %arg6[%parallel_loop3A_1211] {strides = array<i32>} : memref<40960xf32, #tpu.memory_space<vmem>>, vector<16xf32>,
        %parallel_loop3A_1213 = arith.addf %parallel_loop3A_1212, %get3A_411 : vector<16xf32>
        %parallel_loop3A_1214 = vector.bitcast %parallel_loop3A_1213 : vector<16xf32> to vector<16xi32>
        %parallel_loop3A_1215 = arith.constant 32768 : i32
        %parallel_loop3A_1216 = vector.broadcast %parallel_loop3A_1215 : i32 to vector<16xi32>
        %parallel_loop3A_1217 = arith.addi %parallel_loop3A_1214, %parallel_loop3A_1216 : vector<16xi32>
        %parallel_loop3A_1218 = arith.constant -65536 : i32
        %parallel_loop3A_1219 = vector.broadcast %parallel_loop3A_1218 : i32 to vector<16xi32>
        %parallel_loop3A_1220 = arith.andi %parallel_loop3A_1217, %parallel_loop3A_1219 : vector<16xi32>
        %parallel_loop3A_1221 = vector.bitcast %parallel_loop3A_1220 : vector<16xi32> to vector<16xf32>
        %parallel_loop3A_1222 = arith.constant 33024 : i32
        %parallel_loop3A_1223 = arith.addi %parallel_loop3A_1222, %parallel_loop3A_751 : i32
        %parallel_loop3A_1224 = arith.index_cast %parallel_loop3A_1223 : i32 to index
        %parallel_loop3A_1225 = tpu.vector_load %arg6[%parallel_loop3A_1224] {strides = array<i32>} : memref<40960xf32, #tpu.memory_space<vmem>>, vector<16xf32>,
        %parallel_loop3A_1226 = arith.addf %parallel_loop3A_1225, %get3A_413 : vector<16xf32>
        %parallel_loop3A_1227 = vector.bitcast %parallel_loop3A_1226 : vector<16xf32> to vector<16xi32>
        %parallel_loop3A_1228 = arith.constant 32768 : i32
        %parallel_loop3A_1229 = vector.broadcast %parallel_loop3A_1228 : i32 to vector<16xi32>
        %parallel_loop3A_1230 = arith.addi %parallel_loop3A_1227, %parallel_loop3A_1229 : vector<16xi32>
        %parallel_loop3A_1231 = arith.constant -65536 : i32
        %parallel_loop3A_1232 = vector.broadcast %parallel_loop3A_1231 : i32 to vector<16xi32>
        %parallel_loop3A_1233 = arith.andi %parallel_loop3A_1230, %parallel_loop3A_1232 : vector<16xi32>
        %parallel_loop3A_1234 = vector.bitcast %parallel_loop3A_1233 : vector<16xi32> to vector<16xf32>
        %parallel_loop3A_1235 = arith.constant 33152 : i32
        %parallel_loop3A_1236 = arith.addi %parallel_loop3A_1235, %parallel_loop3A_751 : i32
        %parallel_loop3A_1237 = arith.index_cast %parallel_loop3A_1236 : i32 to index
        %parallel_loop3A_1238 = tpu.vector_load %arg6[%parallel_loop3A_1237] {strides = array<i32>} : memref<40960xf32, #tpu.memory_space<vmem>>, vector<16xf32>,
        %parallel_loop3A_1239 = arith.addf %parallel_loop3A_1238, %get3A_415 : vector<16xf32>
        %parallel_loop3A_1240 = vector.bitcast %parallel_loop3A_1239 : vector<16xf32> to vector<16xi32>
        %parallel_loop3A_1241 = arith.constant 32768 : i32
        %parallel_loop3A_1242 = vector.broadcast %parallel_loop3A_1241 : i32 to vector<16xi32>
        %parallel_loop3A_1243 = arith.addi %parallel_loop3A_1240, %parallel_loop3A_1242 : vector<16xi32>
        %parallel_loop3A_1244 = arith.constant -65536 : i32
        %parallel_loop3A_1245 = vector.broadcast %parallel_loop3A_1244 : i32 to vector<16xi32>
        %parallel_loop3A_1246 = arith.andi %parallel_loop3A_1243, %parallel_loop3A_1245 : vector<16xi32>
        %parallel_loop3A_1247 = vector.bitcast %parallel_loop3A_1246 : vector<16xi32> to vector<16xf32>
        %parallel_loop3A_1248 = arith.mulf %parallel_loop3A_1208, %get3A_417 : vector<16xf32>
        %parallel_loop3A_1249 = arith.addf %get3A_457, %parallel_loop3A_1248 : vector<16xf32>
        %parallel_loop3A_1250 = arith.mulf %parallel_loop3A_1221, %get3A_419 : vector<16xf32>
        %parallel_loop3A_1251 = arith.addf %parallel_loop3A_1249, %parallel_loop3A_1250 : vector<16xf32>
        %parallel_loop3A_1252 = arith.mulf %parallel_loop3A_1234, %get3A_421 : vector<16xf32>
        %parallel_loop3A_1253 = arith.addf %parallel_loop3A_1251, %parallel_loop3A_1252 : vector<16xf32>
        %parallel_loop3A_1254 = arith.mulf %parallel_loop3A_1247, %get3A_423 : vector<16xf32>
        %parallel_loop3A_1255 = arith.addf %parallel_loop3A_1253, %parallel_loop3A_1254 : vector<16xf32>
        %parallel_loop3A_1256 = arith.constant 0.000000e+00 : f32
        %parallel_loop3A_1257 = vector.broadcast %parallel_loop3A_1256 : f32 to vector<16xf32>
        %parallel_loop3A_1258 = arith.maximumf %parallel_loop3A_1255, %parallel_loop3A_1257 : vector<16xf32>
        %parallel_loop3A_1259 = arith.mulf %parallel_loop3A_1208, %get3A_425 : vector<16xf32>
        %parallel_loop3A_1260 = arith.addf %get3A_459, %parallel_loop3A_1259 : vector<16xf32>
        %parallel_loop3A_1261 = arith.mulf %parallel_loop3A_1221, %get3A_427 : vector<16xf32>
        %parallel_loop3A_1262 = arith.addf %parallel_loop3A_1260, %parallel_loop3A_1261 : vector<16xf32>
        %parallel_loop3A_1263 = arith.mulf %parallel_loop3A_1234, %get3A_429 : vector<16xf32>
        %parallel_loop3A_1264 = arith.addf %parallel_loop3A_1262, %parallel_loop3A_1263 : vector<16xf32>
        %parallel_loop3A_1265 = arith.mulf %parallel_loop3A_1247, %get3A_431 : vector<16xf32>
        %parallel_loop3A_1266 = arith.addf %parallel_loop3A_1264, %parallel_loop3A_1265 : vector<16xf32>
        %parallel_loop3A_1267 = arith.constant 0.000000e+00 : f32
        %parallel_loop3A_1268 = vector.broadcast %parallel_loop3A_1267 : f32 to vector<16xf32>
        %parallel_loop3A_1269 = arith.maximumf %parallel_loop3A_1266, %parallel_loop3A_1268 : vector<16xf32>
        %parallel_loop3A_1270 = arith.addf %parallel_loop3A_1258, %parallel_loop3A_1269 : vector<16xf32>
        %parallel_loop3A_1271 = arith.mulf %parallel_loop3A_1208, %get3A_433 : vector<16xf32>
        %parallel_loop3A_1272 = arith.addf %get3A_461, %parallel_loop3A_1271 : vector<16xf32>
        %parallel_loop3A_1273 = arith.mulf %parallel_loop3A_1221, %get3A_435 : vector<16xf32>
        %parallel_loop3A_1274 = arith.addf %parallel_loop3A_1272, %parallel_loop3A_1273 : vector<16xf32>
        %parallel_loop3A_1275 = arith.mulf %parallel_loop3A_1234, %get3A_437 : vector<16xf32>
        %parallel_loop3A_1276 = arith.addf %parallel_loop3A_1274, %parallel_loop3A_1275 : vector<16xf32>
        %parallel_loop3A_1277 = arith.mulf %parallel_loop3A_1247, %get3A_439 : vector<16xf32>
        %parallel_loop3A_1278 = arith.addf %parallel_loop3A_1276, %parallel_loop3A_1277 : vector<16xf32>
        %parallel_loop3A_1279 = arith.constant 0.000000e+00 : f32
        %parallel_loop3A_1280 = vector.broadcast %parallel_loop3A_1279 : f32 to vector<16xf32>
        %parallel_loop3A_1281 = arith.maximumf %parallel_loop3A_1278, %parallel_loop3A_1280 : vector<16xf32>
        %parallel_loop3A_1282 = arith.addf %parallel_loop3A_1270, %parallel_loop3A_1281 : vector<16xf32>
        %parallel_loop3A_1283 = arith.mulf %parallel_loop3A_1208, %get3A_441 : vector<16xf32>
        %parallel_loop3A_1284 = arith.addf %get3A_463, %parallel_loop3A_1283 : vector<16xf32>
        %parallel_loop3A_1285 = arith.mulf %parallel_loop3A_1221, %get3A_443 : vector<16xf32>
        %parallel_loop3A_1286 = arith.addf %parallel_loop3A_1284, %parallel_loop3A_1285 : vector<16xf32>
        %parallel_loop3A_1287 = arith.mulf %parallel_loop3A_1234, %get3A_445 : vector<16xf32>
        %parallel_loop3A_1288 = arith.addf %parallel_loop3A_1286, %parallel_loop3A_1287 : vector<16xf32>
        %parallel_loop3A_1289 = arith.mulf %parallel_loop3A_1247, %get3A_447 : vector<16xf32>
        %parallel_loop3A_1290 = arith.addf %parallel_loop3A_1288, %parallel_loop3A_1289 : vector<16xf32>
        %parallel_loop3A_1291 = arith.constant 0.000000e+00 : f32
        %parallel_loop3A_1292 = vector.broadcast %parallel_loop3A_1291 : f32 to vector<16xf32>
        %parallel_loop3A_1293 = arith.maximumf %parallel_loop3A_1290, %parallel_loop3A_1292 : vector<16xf32>
        %parallel_loop3A_1294 = arith.addf %parallel_loop3A_1282, %parallel_loop3A_1293 : vector<16xf32>
        %parallel_loop3A_1295 = arith.mulf %parallel_loop3A_1208, %get3A_449 : vector<16xf32>
        %parallel_loop3A_1296 = arith.addf %get3A_465, %parallel_loop3A_1295 : vector<16xf32>
        %parallel_loop3A_1297 = arith.mulf %parallel_loop3A_1221, %get3A_451 : vector<16xf32>
        %parallel_loop3A_1298 = arith.addf %parallel_loop3A_1296, %parallel_loop3A_1297 : vector<16xf32>
        %parallel_loop3A_1299 = arith.mulf %parallel_loop3A_1234, %get3A_453 : vector<16xf32>
        %parallel_loop3A_1300 = arith.addf %parallel_loop3A_1298, %parallel_loop3A_1299 : vector<16xf32>
        %parallel_loop3A_1301 = arith.mulf %parallel_loop3A_1247, %get3A_455 : vector<16xf32>
        %parallel_loop3A_1302 = arith.addf %parallel_loop3A_1300, %parallel_loop3A_1301 : vector<16xf32>
        %parallel_loop3A_1303 = arith.constant 0.000000e+00 : f32
        %parallel_loop3A_1304 = vector.broadcast %parallel_loop3A_1303 : f32 to vector<16xf32>
        %parallel_loop3A_1305 = arith.maximumf %parallel_loop3A_1302, %parallel_loop3A_1304 : vector<16xf32>
        %parallel_loop3A_1306 = arith.addf %parallel_loop3A_1294, %parallel_loop3A_1305 : vector<16xf32>
        %parallel_loop3A_1307 = arith.cmpf oge, %parallel_loop3A_1195, %parallel_loop3A_1306 : vector<16xf32>
        %parallel_loop3A_1308 = arith.select %parallel_loop3A_1307, %parallel_loop3A_1195, %parallel_loop3A_1306 : vector<16xi1>, vector<16xf32>
        %parallel_loop3A_1309 = arith.select %parallel_loop3A_1307, %broadcast_in_dim3A_472, %broadcast_in_dim3A_474 : vector<16xi1>, vector<16xi32>
        %parallel_loop3A_1310 = arith.select %parallel_loop3A_1307, %parallel_loop3A_1306, %parallel_loop3A_1195 : vector<16xi1>, vector<16xf32>
        %parallel_loop3A_1311 = arith.select %parallel_loop3A_1307, %broadcast_in_dim3A_474, %broadcast_in_dim3A_472 : vector<16xi1>, vector<16xi32>
        %parallel_loop3A_1312 = arith.cmpf oge, %parallel_loop3A_1084, %parallel_loop3A_1308 : vector<16xf32>
        %parallel_loop3A_1313 = arith.select %parallel_loop3A_1312, %parallel_loop3A_1084, %parallel_loop3A_1308 : vector<16xi1>, vector<16xf32>
        %parallel_loop3A_1314 = arith.select %parallel_loop3A_1312, %broadcast_in_dim3A_470, %parallel_loop3A_1309 : vector<16xi1>, vector<16xi32>
        %parallel_loop3A_1315 = arith.select %parallel_loop3A_1312, %parallel_loop3A_1308, %parallel_loop3A_1084 : vector<16xi1>, vector<16xf32>
        %parallel_loop3A_1316 = arith.select %parallel_loop3A_1312, %parallel_loop3A_1309, %broadcast_in_dim3A_470 : vector<16xi1>, vector<16xi32>
        %parallel_loop3A_1317 = arith.cmpf oge, %parallel_loop3A_973, %parallel_loop3A_1313 : vector<16xf32>
        %parallel_loop3A_1318 = arith.select %parallel_loop3A_1317, %parallel_loop3A_973, %parallel_loop3A_1313 : vector<16xi1>, vector<16xf32>
        %parallel_loop3A_1319 = arith.select %parallel_loop3A_1317, %broadcast_in_dim3A_468, %parallel_loop3A_1314 : vector<16xi1>, vector<16xi32>
        %parallel_loop3A_1320 = arith.select %parallel_loop3A_1317, %parallel_loop3A_1313, %parallel_loop3A_973 : vector<16xi1>, vector<16xf32>
        %parallel_loop3A_1321 = arith.select %parallel_loop3A_1317, %parallel_loop3A_1314, %broadcast_in_dim3A_468 : vector<16xi1>, vector<16xi32>
        %parallel_loop3A_1322 = arith.cmpf oge, %parallel_loop3A_862, %parallel_loop3A_1318 : vector<16xf32>
        %parallel_loop3A_1323 = arith.select %parallel_loop3A_1322, %parallel_loop3A_862, %parallel_loop3A_1318 : vector<16xi1>, vector<16xf32>
        %parallel_loop3A_1324 = arith.select %parallel_loop3A_1322, %broadcast_in_dim3A_466, %parallel_loop3A_1319 : vector<16xi1>, vector<16xi32>
        %parallel_loop3A_1325 = arith.select %parallel_loop3A_1322, %parallel_loop3A_1318, %parallel_loop3A_862 : vector<16xi1>, vector<16xf32>
        %parallel_loop3A_1326 = arith.select %parallel_loop3A_1322, %parallel_loop3A_1319, %broadcast_in_dim3A_466 : vector<16xi1>, vector<16xi32>
        %parallel_loop3A_1327 = arith.cmpf oge, %parallel_loop3A_1315, %parallel_loop3A_1310 : vector<16xf32>
        %parallel_loop3A_1328 = arith.select %parallel_loop3A_1327, %parallel_loop3A_1315, %parallel_loop3A_1310 : vector<16xi1>, vector<16xf32>
        %parallel_loop3A_1329 = arith.select %parallel_loop3A_1327, %parallel_loop3A_1316, %parallel_loop3A_1311 : vector<16xi1>, vector<16xi32>
        %parallel_loop3A_1330 = arith.select %parallel_loop3A_1327, %parallel_loop3A_1310, %parallel_loop3A_1315 : vector<16xi1>, vector<16xf32>
        %parallel_loop3A_1331 = arith.select %parallel_loop3A_1327, %parallel_loop3A_1311, %parallel_loop3A_1316 : vector<16xi1>, vector<16xi32>
        %parallel_loop3A_1332 = arith.cmpf oge, %parallel_loop3A_1320, %parallel_loop3A_1328 : vector<16xf32>
        %parallel_loop3A_1333 = arith.select %parallel_loop3A_1332, %parallel_loop3A_1320, %parallel_loop3A_1328 : vector<16xi1>, vector<16xf32>
        %parallel_loop3A_1334 = arith.select %parallel_loop3A_1332, %parallel_loop3A_1321, %parallel_loop3A_1329 : vector<16xi1>, vector<16xi32>
        %parallel_loop3A_1335 = arith.select %parallel_loop3A_1332, %parallel_loop3A_1328, %parallel_loop3A_1320 : vector<16xi1>, vector<16xf32>
        %parallel_loop3A_1336 = arith.select %parallel_loop3A_1332, %parallel_loop3A_1329, %parallel_loop3A_1321 : vector<16xi1>, vector<16xi32>
        %parallel_loop3A_1337 = arith.cmpf oge, %parallel_loop3A_1325, %parallel_loop3A_1333 : vector<16xf32>
        %parallel_loop3A_1338 = arith.select %parallel_loop3A_1337, %parallel_loop3A_1325, %parallel_loop3A_1333 : vector<16xi1>, vector<16xf32>
        %parallel_loop3A_1339 = arith.select %parallel_loop3A_1337, %parallel_loop3A_1326, %parallel_loop3A_1334 : vector<16xi1>, vector<16xi32>
        %parallel_loop3A_1340 = arith.select %parallel_loop3A_1337, %parallel_loop3A_1333, %parallel_loop3A_1325 : vector<16xi1>, vector<16xf32>
        %parallel_loop3A_1341 = arith.select %parallel_loop3A_1337, %parallel_loop3A_1334, %parallel_loop3A_1326 : vector<16xi1>, vector<16xi32>
        %parallel_loop3A_1342 = arith.cmpf oge, %parallel_loop3A_1335, %parallel_loop3A_1330 : vector<16xf32>
        %parallel_loop3A_1343 = arith.select %parallel_loop3A_1342, %parallel_loop3A_1335, %parallel_loop3A_1330 : vector<16xi1>, vector<16xf32>
        %parallel_loop3A_1344 = arith.select %parallel_loop3A_1342, %parallel_loop3A_1336, %parallel_loop3A_1331 : vector<16xi1>, vector<16xi32>
        %parallel_loop3A_1345 = arith.cmpf oge, %parallel_loop3A_1340, %parallel_loop3A_1343 : vector<16xf32>
        %parallel_loop3A_1346 = arith.select %parallel_loop3A_1345, %parallel_loop3A_1340, %parallel_loop3A_1343 : vector<16xi1>, vector<16xf32>
        %parallel_loop3A_1347 = arith.select %parallel_loop3A_1345, %parallel_loop3A_1341, %parallel_loop3A_1344 : vector<16xi1>, vector<16xi32>
        %parallel_loop3A_1348 = arith.constant 0 : i32
        %parallel_loop3A_1349 = arith.addi %parallel_loop3A_1348, %parallel_loop3A_742 : i32
        %parallel_loop3A_1350 = arith.index_cast %parallel_loop3A_1349 : i32 to index
        %parallel_loop3A_1351 = tpu.vector_load %arg8[%parallel_loop3A_1350] {strides = array<i32>} : memref<6144xf32, #tpu.memory_space<vmem>>, vector<16xf32>,
        tpu.vector_store %arg8[%parallel_loop3A_1350], %parallel_loop3A_1323 {strides = array<i32>} : memref<6144xf32, #tpu.memory_space<vmem>>, vector<16xf32>,
        %parallel_loop3A_1352 = arith.constant 0 : i32
        %parallel_loop3A_1353 = arith.addi %parallel_loop3A_1352, %parallel_loop3A_742 : i32
        %parallel_loop3A_1354 = arith.index_cast %parallel_loop3A_1353 : i32 to index
        %parallel_loop3A_1355 = tpu.vector_load %arg10[%parallel_loop3A_1354] {strides = array<i32>} : memref<6144xi32, #tpu.memory_space<vmem>>, vector<16xi32>,
        tpu.vector_store %arg10[%parallel_loop3A_1354], %parallel_loop3A_1324 {strides = array<i32>} : memref<6144xi32, #tpu.memory_space<vmem>>, vector<16xi32>,
        %parallel_loop3A_1356 = arith.constant 2048 : i32
        %parallel_loop3A_1357 = arith.addi %parallel_loop3A_1356, %parallel_loop3A_742 : i32
        %parallel_loop3A_1358 = arith.index_cast %parallel_loop3A_1357 : i32 to index
        %parallel_loop3A_1359 = tpu.vector_load %arg8[%parallel_loop3A_1358] {strides = array<i32>} : memref<6144xf32, #tpu.memory_space<vmem>>, vector<16xf32>,
        tpu.vector_store %arg8[%parallel_loop3A_1358], %parallel_loop3A_1338 {strides = array<i32>} : memref<6144xf32, #tpu.memory_space<vmem>>, vector<16xf32>,
        %parallel_loop3A_1360 = arith.constant 2048 : i32
        %parallel_loop3A_1361 = arith.addi %parallel_loop3A_1360, %parallel_loop3A_742 : i32
        %parallel_loop3A_1362 = arith.index_cast %parallel_loop3A_1361 : i32 to index
        %parallel_loop3A_1363 = tpu.vector_load %arg10[%parallel_loop3A_1362] {strides = array<i32>} : memref<6144xi32, #tpu.memory_space<vmem>>, vector<16xi32>,
        tpu.vector_store %arg10[%parallel_loop3A_1362], %parallel_loop3A_1339 {strides = array<i32>} : memref<6144xi32, #tpu.memory_space<vmem>>, vector<16xi32>,
        %parallel_loop3A_1364 = arith.constant 4096 : i32
        %parallel_loop3A_1365 = arith.addi %parallel_loop3A_1364, %parallel_loop3A_742 : i32
        %parallel_loop3A_1366 = arith.index_cast %parallel_loop3A_1365 : i32 to index
        %parallel_loop3A_1367 = tpu.vector_load %arg8[%parallel_loop3A_1366] {strides = array<i32>} : memref<6144xf32, #tpu.memory_space<vmem>>, vector<16xf32>,
        tpu.vector_store %arg8[%parallel_loop3A_1366], %parallel_loop3A_1346 {strides = array<i32>} : memref<6144xf32, #tpu.memory_space<vmem>>, vector<16xf32>,
        %parallel_loop3A_1368 = arith.constant 4096 : i32
        %parallel_loop3A_1369 = arith.addi %parallel_loop3A_1368, %parallel_loop3A_742 : i32
        %parallel_loop3A_1370 = arith.index_cast %parallel_loop3A_1369 : i32 to index
        %parallel_loop3A_1371 = tpu.vector_load %arg10[%parallel_loop3A_1370] {strides = array<i32>} : memref<6144xi32, #tpu.memory_space<vmem>>, vector<16xi32>,
        tpu.vector_store %arg10[%parallel_loop3A_1370], %parallel_loop3A_1347 {strides = array<i32>} : memref<6144xi32, #tpu.memory_space<vmem>>, vector<16xi32>,
      } {sc.loop_unroll_factor = 1 : i64, sc.parallel_access}
      %add3A_621 = arith.constant 0 : i32
      %add3A_622 = arith.addi %add3A_621, %add3A_618 : i32
      %dma_start3A_623 = arith.constant 0 : i32
      %dma_start3A_624 = tpu.memref_slice %arg8[%dma_start3A_623] : memref<6144xf32, #tpu.memory_space<vmem>> -> memref<2048xf32, #tpu.memory_space<vmem>>
      %dma_start3A_625 = tpu.memref_slice %arg4[%add3A_622] : memref<3145728xf32, #tpu.memory_space<hbm>> -> memref<2048xf32, #tpu.memory_space<hbm>>
      %dma_start3A_626 = tpu.memref_slice %arg4[%add3A_622] : memref<3145728xf32, #tpu.memory_space<hbm>> -> memref<2048xf32, #tpu.memory_space<hbm>>
      %dma_start3A_627 = arith.constant 0 : i32
      %dma_start3A_628 = tpu.memref_slice %arg8[%dma_start3A_627] : memref<6144xf32, #tpu.memory_space<vmem>> -> memref<2048xf32, #tpu.memory_space<vmem>>
      tpu.enqueue_dma source(%dma_start3A_628 : memref<2048xf32, #tpu.memory_space<vmem>>) target(%dma_start3A_626 : memref<2048xf32, #tpu.memory_space<hbm>>) target_semaphore(%arg15 : memref<!tpu.dma_semaphore, #tpu.memory_space<semaphore_mem>>)
      %add3A_629 = arith.constant 0 : i32
      %add3A_630 = arith.addi %add3A_629, %add3A_618 : i32
      %dma_start3A_631 = arith.constant 0 : i32
      %dma_start3A_632 = tpu.memref_slice %arg10[%dma_start3A_631] : memref<6144xi32, #tpu.memory_space<vmem>> -> memref<2048xi32, #tpu.memory_space<vmem>>
      %dma_start3A_633 = tpu.memref_slice %arg5[%add3A_630] : memref<3145728xi32, #tpu.memory_space<hbm>> -> memref<2048xi32, #tpu.memory_space<hbm>>
      %dma_start3A_634 = tpu.memref_slice %arg5[%add3A_630] : memref<3145728xi32, #tpu.memory_space<hbm>> -> memref<2048xi32, #tpu.memory_space<hbm>>
      %dma_start3A_635 = arith.constant 0 : i32
      %dma_start3A_636 = tpu.memref_slice %arg10[%dma_start3A_635] : memref<6144xi32, #tpu.memory_space<vmem>> -> memref<2048xi32, #tpu.memory_space<vmem>>
      tpu.enqueue_dma source(%dma_start3A_636 : memref<2048xi32, #tpu.memory_space<vmem>>) target(%dma_start3A_634 : memref<2048xi32, #tpu.memory_space<hbm>>) target_semaphore(%arg15 : memref<!tpu.dma_semaphore, #tpu.memory_space<semaphore_mem>>)
      %add3A_637 = arith.constant 1048576 : i32
      %add3A_638 = arith.addi %add3A_637, %add3A_618 : i32
      %dma_start3A_639 = arith.constant 2048 : i32
      %dma_start3A_640 = tpu.memref_slice %arg8[%dma_start3A_639] : memref<6144xf32, #tpu.memory_space<vmem>> -> memref<2048xf32, #tpu.memory_space<vmem>>
      %dma_start3A_641 = tpu.memref_slice %arg4[%add3A_638] : memref<3145728xf32, #tpu.memory_space<hbm>> -> memref<2048xf32, #tpu.memory_space<hbm>>
      %dma_start3A_642 = tpu.memref_slice %arg4[%add3A_638] : memref<3145728xf32, #tpu.memory_space<hbm>> -> memref<2048xf32, #tpu.memory_space<hbm>>
      %dma_start3A_643 = arith.constant 2048 : i32
      %dma_start3A_644 = tpu.memref_slice %arg8[%dma_start3A_643] : memref<6144xf32, #tpu.memory_space<vmem>> -> memref<2048xf32, #tpu.memory_space<vmem>>
      tpu.enqueue_dma source(%dma_start3A_644 : memref<2048xf32, #tpu.memory_space<vmem>>) target(%dma_start3A_642 : memref<2048xf32, #tpu.memory_space<hbm>>) target_semaphore(%arg15 : memref<!tpu.dma_semaphore, #tpu.memory_space<semaphore_mem>>)
      %add3A_645 = arith.constant 1048576 : i32
      %add3A_646 = arith.addi %add3A_645, %add3A_618 : i32
      %dma_start3A_647 = arith.constant 2048 : i32
      %dma_start3A_648 = tpu.memref_slice %arg10[%dma_start3A_647] : memref<6144xi32, #tpu.memory_space<vmem>> -> memref<2048xi32, #tpu.memory_space<vmem>>
      %dma_start3A_649 = tpu.memref_slice %arg5[%add3A_646] : memref<3145728xi32, #tpu.memory_space<hbm>> -> memref<2048xi32, #tpu.memory_space<hbm>>
      %dma_start3A_650 = tpu.memref_slice %arg5[%add3A_646] : memref<3145728xi32, #tpu.memory_space<hbm>> -> memref<2048xi32, #tpu.memory_space<hbm>>
      %dma_start3A_651 = arith.constant 2048 : i32
      %dma_start3A_652 = tpu.memref_slice %arg10[%dma_start3A_651] : memref<6144xi32, #tpu.memory_space<vmem>> -> memref<2048xi32, #tpu.memory_space<vmem>>
      tpu.enqueue_dma source(%dma_start3A_652 : memref<2048xi32, #tpu.memory_space<vmem>>) target(%dma_start3A_650 : memref<2048xi32, #tpu.memory_space<hbm>>) target_semaphore(%arg15 : memref<!tpu.dma_semaphore, #tpu.memory_space<semaphore_mem>>)
      %add3A_653 = arith.constant 2097152 : i32
      %add3A_654 = arith.addi %add3A_653, %add3A_618 : i32
      %dma_start3A_655 = arith.constant 4096 : i32
      %dma_start3A_656 = tpu.memref_slice %arg8[%dma_start3A_655] : memref<6144xf32, #tpu.memory_space<vmem>> -> memref<2048xf32, #tpu.memory_space<vmem>>
      %dma_start3A_657 = tpu.memref_slice %arg4[%add3A_654] : memref<3145728xf32, #tpu.memory_space<hbm>> -> memref<2048xf32, #tpu.memory_space<hbm>>
      %dma_start3A_658 = tpu.memref_slice %arg4[%add3A_654] : memref<3145728xf32, #tpu.memory_space<hbm>> -> memref<2048xf32, #tpu.memory_space<hbm>>
      %dma_start3A_659 = arith.constant 4096 : i32
      %dma_start3A_660 = tpu.memref_slice %arg8[%dma_start3A_659] : memref<6144xf32, #tpu.memory_space<vmem>> -> memref<2048xf32, #tpu.memory_space<vmem>>
      tpu.enqueue_dma source(%dma_start3A_660 : memref<2048xf32, #tpu.memory_space<vmem>>) target(%dma_start3A_658 : memref<2048xf32, #tpu.memory_space<hbm>>) target_semaphore(%arg15 : memref<!tpu.dma_semaphore, #tpu.memory_space<semaphore_mem>>)
      %add3A_661 = arith.constant 2097152 : i32
      %add3A_662 = arith.addi %add3A_661, %add3A_618 : i32
      %dma_start3A_663 = arith.constant 4096 : i32
      %dma_start3A_664 = tpu.memref_slice %arg10[%dma_start3A_663] : memref<6144xi32, #tpu.memory_space<vmem>> -> memref<2048xi32, #tpu.memory_space<vmem>>
      %dma_start3A_665 = tpu.memref_slice %arg5[%add3A_662] : memref<3145728xi32, #tpu.memory_space<hbm>> -> memref<2048xi32, #tpu.memory_space<hbm>>
      %dma_start3A_666 = tpu.memref_slice %arg5[%add3A_662] : memref<3145728xi32, #tpu.memory_space<hbm>> -> memref<2048xi32, #tpu.memory_space<hbm>>
      %dma_start3A_667 = arith.constant 4096 : i32
      %dma_start3A_668 = tpu.memref_slice %arg10[%dma_start3A_667] : memref<6144xi32, #tpu.memory_space<vmem>> -> memref<2048xi32, #tpu.memory_space<vmem>>
      tpu.enqueue_dma source(%dma_start3A_668 : memref<2048xi32, #tpu.memory_space<vmem>>) target(%dma_start3A_666 : memref<2048xi32, #tpu.memory_space<hbm>>) target_semaphore(%arg15 : memref<!tpu.dma_semaphore, #tpu.memory_space<semaphore_mem>>)
      %lt3A = arith.constant 7 : i32
      %lt3A_669 = arith.cmpi slt, %scan3A_548, %lt3A : i32
      %convert_element_type3A_670 = arith.extui %lt3A_669 : i1 to i32
      %cond3A_671 = arith.constant 0 : i32
      %cond3A_672 = arith.cmpi ne, %convert_element_type3A_670, %cond3A_671 : i32
      scf.if %cond3A_672 {
        %add3A_740 = arith.constant 2 : i32
        %add3A_741 = arith.addi %mul3A_550, %add3A_740 : i32
        %mul3A_742 = arith.constant 256 : i32
        %mul3A_743 = arith.muli %add3A, %mul3A_742 : i32
        %mul3A_744 = arith.constant 16 : i32
        %mul3A_745 = arith.muli %add3A_741, %mul3A_744 : i32
        %add3A_746 = arith.addi %mul3A_743, %mul3A_745 : i32
        %mul3A_747 = arith.constant 512 : i32
        %mul3A_748 = arith.muli %add3A_746, %mul3A_747 : i32
        %add3A_749 = arith.constant 0 : i32
        %add3A_750 = arith.addi %add3A_749, %mul3A_748 : i32
        %dma_start3A_751 = arith.constant 0 : i32
        %dma_start3A_752 = tpu.memref_slice %arg6[%dma_start3A_751] : memref<40960xf32, #tpu.memory_space<vmem>> -> memref<8192xf32, #tpu.memory_space<vmem>>
        %dma_start3A_753 = tpu.memref_slice %arg2[%add3A_750] : memref<20971520xf32, #tpu.memory_space<hbm>> -> memref<8192xf32, #tpu.memory_space<hbm>>
        %dma_start3A_754 = arith.constant 0 : i32
        %dma_start3A_755 = tpu.memref_slice %arg6[%dma_start3A_754] : memref<40960xf32, #tpu.memory_space<vmem>> -> memref<8192xf32, #tpu.memory_space<vmem>>
        %dma_start3A_756 = tpu.memref_slice %arg2[%add3A_750] : memref<20971520xf32, #tpu.memory_space<hbm>> -> memref<8192xf32, #tpu.memory_space<hbm>>
        tpu.enqueue_dma source(%dma_start3A_756 : memref<8192xf32, #tpu.memory_space<hbm>>) target(%dma_start3A_755 : memref<8192xf32, #tpu.memory_space<vmem>>) target_semaphore(%arg13 : memref<!tpu.dma_semaphore, #tpu.memory_space<semaphore_mem>>)
        %mul3A_757 = arith.constant 512 : i32
        %mul3A_758 = arith.muli %add3A_746, %mul3A_757 : i32
        %add3A_759 = arith.constant 4194304 : i32
        %add3A_760 = arith.addi %add3A_759, %mul3A_758 : i32
        %dma_start3A_761 = arith.constant 8192 : i32
        %dma_start3A_762 = tpu.memref_slice %arg6[%dma_start3A_761] : memref<40960xf32, #tpu.memory_space<vmem>> -> memref<8192xf32, #tpu.memory_space<vmem>>
        %dma_start3A_763 = tpu.memref_slice %arg2[%add3A_760] : memref<20971520xf32, #tpu.memory_space<hbm>> -> memref<8192xf32, #tpu.memory_space<hbm>>
        %dma_start3A_764 = arith.constant 8192 : i32
        %dma_start3A_765 = tpu.memref_slice %arg6[%dma_start3A_764] : memref<40960xf32, #tpu.memory_space<vmem>> -> memref<8192xf32, #tpu.memory_space<vmem>>
        %dma_start3A_766 = tpu.memref_slice %arg2[%add3A_760] : memref<20971520xf32, #tpu.memory_space<hbm>> -> memref<8192xf32, #tpu.memory_space<hbm>>
        tpu.enqueue_dma source(%dma_start3A_766 : memref<8192xf32, #tpu.memory_space<hbm>>) target(%dma_start3A_765 : memref<8192xf32, #tpu.memory_space<vmem>>) target_semaphore(%arg13 : memref<!tpu.dma_semaphore, #tpu.memory_space<semaphore_mem>>)
        %mul3A_767 = arith.constant 512 : i32
        %mul3A_768 = arith.muli %add3A_746, %mul3A_767 : i32
        %add3A_769 = arith.constant 8388608 : i32
        %add3A_770 = arith.addi %add3A_769, %mul3A_768 : i32
        %dma_start3A_771 = arith.constant 16384 : i32
        %dma_start3A_772 = tpu.memref_slice %arg6[%dma_start3A_771] : memref<40960xf32, #tpu.memory_space<vmem>> -> memref<8192xf32, #tpu.memory_space<vmem>>
        %dma_start3A_773 = tpu.memref_slice %arg2[%add3A_770] : memref<20971520xf32, #tpu.memory_space<hbm>> -> memref<8192xf32, #tpu.memory_space<hbm>>
        %dma_start3A_774 = arith.constant 16384 : i32
        %dma_start3A_775 = tpu.memref_slice %arg6[%dma_start3A_774] : memref<40960xf32, #tpu.memory_space<vmem>> -> memref<8192xf32, #tpu.memory_space<vmem>>
        %dma_start3A_776 = tpu.memref_slice %arg2[%add3A_770] : memref<20971520xf32, #tpu.memory_space<hbm>> -> memref<8192xf32, #tpu.memory_space<hbm>>
        tpu.enqueue_dma source(%dma_start3A_776 : memref<8192xf32, #tpu.memory_space<hbm>>) target(%dma_start3A_775 : memref<8192xf32, #tpu.memory_space<vmem>>) target_semaphore(%arg13 : memref<!tpu.dma_semaphore, #tpu.memory_space<semaphore_mem>>)
        %mul3A_777 = arith.constant 512 : i32
        %mul3A_778 = arith.muli %add3A_746, %mul3A_777 : i32
        %add3A_779 = arith.constant 12582912 : i32
        %add3A_780 = arith.addi %add3A_779, %mul3A_778 : i32
        %dma_start3A_781 = arith.constant 24576 : i32
        %dma_start3A_782 = tpu.memref_slice %arg6[%dma_start3A_781] : memref<40960xf32, #tpu.memory_space<vmem>> -> memref<8192xf32, #tpu.memory_space<vmem>>
        %dma_start3A_783 = tpu.memref_slice %arg2[%add3A_780] : memref<20971520xf32, #tpu.memory_space<hbm>> -> memref<8192xf32, #tpu.memory_space<hbm>>
        %dma_start3A_784 = arith.constant 24576 : i32
        %dma_start3A_785 = tpu.memref_slice %arg6[%dma_start3A_784] : memref<40960xf32, #tpu.memory_space<vmem>> -> memref<8192xf32, #tpu.memory_space<vmem>>
        %dma_start3A_786 = tpu.memref_slice %arg2[%add3A_780] : memref<20971520xf32, #tpu.memory_space<hbm>> -> memref<8192xf32, #tpu.memory_space<hbm>>
        tpu.enqueue_dma source(%dma_start3A_786 : memref<8192xf32, #tpu.memory_space<hbm>>) target(%dma_start3A_785 : memref<8192xf32, #tpu.memory_space<vmem>>) target_semaphore(%arg13 : memref<!tpu.dma_semaphore, #tpu.memory_space<semaphore_mem>>)
        %mul3A_787 = arith.constant 512 : i32
        %mul3A_788 = arith.muli %add3A_746, %mul3A_787 : i32
        %add3A_789 = arith.constant 16777216 : i32
        %add3A_790 = arith.addi %add3A_789, %mul3A_788 : i32
        %dma_start3A_791 = arith.constant 32768 : i32
        %dma_start3A_792 = tpu.memref_slice %arg6[%dma_start3A_791] : memref<40960xf32, #tpu.memory_space<vmem>> -> memref<8192xf32, #tpu.memory_space<vmem>>
        %dma_start3A_793 = tpu.memref_slice %arg2[%add3A_790] : memref<20971520xf32, #tpu.memory_space<hbm>> -> memref<8192xf32, #tpu.memory_space<hbm>>
        %dma_start3A_794 = arith.constant 32768 : i32
        %dma_start3A_795 = tpu.memref_slice %arg6[%dma_start3A_794] : memref<40960xf32, #tpu.memory_space<vmem>> -> memref<8192xf32, #tpu.memory_space<vmem>>
        %dma_start3A_796 = tpu.memref_slice %arg2[%add3A_790] : memref<20971520xf32, #tpu.memory_space<hbm>> -> memref<8192xf32, #tpu.memory_space<hbm>>
        tpu.enqueue_dma source(%dma_start3A_796 : memref<8192xf32, #tpu.memory_space<hbm>>) target(%dma_start3A_795 : memref<8192xf32, #tpu.memory_space<vmem>>) target_semaphore(%arg13 : memref<!tpu.dma_semaphore, #tpu.memory_space<semaphore_mem>>)
      } else {
      }
      %dma_wait3A_673 = arith.constant 0 : i32
      %dma_wait3A_674 = tpu.memref_slice %arg2[%dma_wait3A_673] : memref<20971520xf32, #tpu.memory_space<hbm>> -> memref<40960xf32, #tpu.memory_space<hbm>>
      %dma_wait3A_675 = arith.constant 0 : i32
      %dma_wait3A_676 = tpu.memref_slice %arg2[%dma_wait3A_675] : memref<20971520xf32, #tpu.memory_space<hbm>> -> memref<40960xf32, #tpu.memory_space<hbm>>
      tpu.wait_dma2 semaphore(%arg14 : memref<!tpu.dma_semaphore, #tpu.memory_space<semaphore_mem>>) src(%dma_wait3A_676 : memref<40960xf32, #tpu.memory_space<hbm>>) dst(%arg7 : memref<40960xf32, #tpu.memory_space<vmem>>)
      %gt3A_677 = arith.constant 0 : i32
      %gt3A_678 = arith.cmpi sgt, %scan3A_548, %gt3A_677 : i32
      %convert_element_type3A_679 = arith.extui %gt3A_678 : i1 to i32
      %cond3A_680 = arith.constant 0 : i32
      %cond3A_681 = arith.cmpi ne, %convert_element_type3A_679, %cond3A_680 : i32
      scf.if %cond3A_681 {
        %dma_wait3A_740 = arith.constant 0 : i32
        %dma_wait3A_741 = tpu.memref_slice %arg4[%dma_wait3A_740] : memref<3145728xf32, #tpu.memory_space<hbm>> -> memref<6144xf32, #tpu.memory_space<hbm>>
        %dma_wait3A_742 = arith.constant 0 : i32
        %dma_wait3A_743 = tpu.memref_slice %arg4[%dma_wait3A_742] : memref<3145728xf32, #tpu.memory_space<hbm>> -> memref<6144xf32, #tpu.memory_space<hbm>>
        tpu.wait_dma2 semaphore(%arg16 : memref<!tpu.dma_semaphore, #tpu.memory_space<semaphore_mem>>) src(%dma_wait3A_743 : memref<6144xf32, #tpu.memory_space<hbm>>) dst(%arg9 : memref<6144xf32, #tpu.memory_space<vmem>>)
        %dma_wait3A_744 = arith.constant 0 : i32
        %dma_wait3A_745 = tpu.memref_slice %arg5[%dma_wait3A_744] : memref<3145728xi32, #tpu.memory_space<hbm>> -> memref<6144xi32, #tpu.memory_space<hbm>>
        %dma_wait3A_746 = arith.constant 0 : i32
        %dma_wait3A_747 = tpu.memref_slice %arg5[%dma_wait3A_746] : memref<3145728xi32, #tpu.memory_space<hbm>> -> memref<6144xi32, #tpu.memory_space<hbm>>
        tpu.wait_dma2 semaphore(%arg16 : memref<!tpu.dma_semaphore, #tpu.memory_space<semaphore_mem>>) src(%dma_wait3A_747 : memref<6144xi32, #tpu.memory_space<hbm>>) dst(%arg11 : memref<6144xi32, #tpu.memory_space<vmem>>)
      } else {
      }
      %add3A_682 = arith.constant 1 : i32
      %add3A_683 = arith.addi %mul3A_550, %add3A_682 : i32
      %mul3A_684 = arith.constant 32768 : i32
      %mul3A_685 = arith.muli %add3A, %mul3A_684 : i32
      %mul3A_686 = arith.constant 2048 : i32
      %mul3A_687 = arith.muli %add3A_683, %mul3A_686 : i32
      %add3A_688 = arith.addi %mul3A_685, %mul3A_687 : i32
      %parallel_loop3A_689 = arith.constant 0 : i32
      %parallel_loop3A_690 = arith.constant 128 : i32
      %parallel_loop3A_691 = arith.constant 1 : i32
      scf.for %parallel_loop3A_740 = %parallel_loop3A_689 to %parallel_loop3A_690 step %parallel_loop3A_691  : i32 {
        %parallel_loop3A_741 = arith.constant 16 : i32
        %parallel_loop3A_742 = arith.muli %parallel_loop3A_740, %parallel_loop3A_741 : i32
        %parallel_loop3A_743 = arith.constant 3 : i32
        %parallel_loop3A_744 = arith.shrsi %parallel_loop3A_740, %parallel_loop3A_743 : i32
        %parallel_loop3A_745 = arith.constant 512 : i32
        %parallel_loop3A_746 = arith.muli %parallel_loop3A_744, %parallel_loop3A_745 : i32
        %parallel_loop3A_747 = arith.constant 7 : i32
        %parallel_loop3A_748 = arith.andi %parallel_loop3A_740, %parallel_loop3A_747 : i32
        %parallel_loop3A_749 = arith.constant 16 : i32
        %parallel_loop3A_750 = arith.muli %parallel_loop3A_748, %parallel_loop3A_749 : i32
        %parallel_loop3A_751 = arith.addi %parallel_loop3A_746, %parallel_loop3A_750 : i32
        %parallel_loop3A_752 = arith.constant 0 : i32
        %parallel_loop3A_753 = arith.addi %parallel_loop3A_752, %parallel_loop3A_751 : i32
        %parallel_loop3A_754 = arith.index_cast %parallel_loop3A_753 : i32 to index
        %parallel_loop3A_755 = tpu.vector_load %arg7[%parallel_loop3A_754] {strides = array<i32>} : memref<40960xf32, #tpu.memory_space<vmem>>, vector<16xf32>,
        %parallel_loop3A_756 = arith.addf %parallel_loop3A_755, %get3A_377 : vector<16xf32>
        %parallel_loop3A_757 = vector.bitcast %parallel_loop3A_756 : vector<16xf32> to vector<16xi32>
        %parallel_loop3A_758 = arith.constant 32768 : i32
        %parallel_loop3A_759 = vector.broadcast %parallel_loop3A_758 : i32 to vector<16xi32>
        %parallel_loop3A_760 = arith.addi %parallel_loop3A_757, %parallel_loop3A_759 : vector<16xi32>
        %parallel_loop3A_761 = arith.constant -65536 : i32
        %parallel_loop3A_762 = vector.broadcast %parallel_loop3A_761 : i32 to vector<16xi32>
        %parallel_loop3A_763 = arith.andi %parallel_loop3A_760, %parallel_loop3A_762 : vector<16xi32>
        %parallel_loop3A_764 = vector.bitcast %parallel_loop3A_763 : vector<16xi32> to vector<16xf32>
        %parallel_loop3A_765 = arith.constant 128 : i32
        %parallel_loop3A_766 = arith.addi %parallel_loop3A_765, %parallel_loop3A_751 : i32
        %parallel_loop3A_767 = arith.index_cast %parallel_loop3A_766 : i32 to index
        %parallel_loop3A_768 = tpu.vector_load %arg7[%parallel_loop3A_767] {strides = array<i32>} : memref<40960xf32, #tpu.memory_space<vmem>>, vector<16xf32>,
        %parallel_loop3A_769 = arith.addf %parallel_loop3A_768, %get3A_379 : vector<16xf32>
        %parallel_loop3A_770 = vector.bitcast %parallel_loop3A_769 : vector<16xf32> to vector<16xi32>
        %parallel_loop3A_771 = arith.constant 32768 : i32
        %parallel_loop3A_772 = vector.broadcast %parallel_loop3A_771 : i32 to vector<16xi32>
        %parallel_loop3A_773 = arith.addi %parallel_loop3A_770, %parallel_loop3A_772 : vector<16xi32>
        %parallel_loop3A_774 = arith.constant -65536 : i32
        %parallel_loop3A_775 = vector.broadcast %parallel_loop3A_774 : i32 to vector<16xi32>
        %parallel_loop3A_776 = arith.andi %parallel_loop3A_773, %parallel_loop3A_775 : vector<16xi32>
        %parallel_loop3A_777 = vector.bitcast %parallel_loop3A_776 : vector<16xi32> to vector<16xf32>
        %parallel_loop3A_778 = arith.constant 256 : i32
        %parallel_loop3A_779 = arith.addi %parallel_loop3A_778, %parallel_loop3A_751 : i32
        %parallel_loop3A_780 = arith.index_cast %parallel_loop3A_779 : i32 to index
        %parallel_loop3A_781 = tpu.vector_load %arg7[%parallel_loop3A_780] {strides = array<i32>} : memref<40960xf32, #tpu.memory_space<vmem>>, vector<16xf32>,
        %parallel_loop3A_782 = arith.addf %parallel_loop3A_781, %get3A_381 : vector<16xf32>
        %parallel_loop3A_783 = vector.bitcast %parallel_loop3A_782 : vector<16xf32> to vector<16xi32>
        %parallel_loop3A_784 = arith.constant 32768 : i32
        %parallel_loop3A_785 = vector.broadcast %parallel_loop3A_784 : i32 to vector<16xi32>
        %parallel_loop3A_786 = arith.addi %parallel_loop3A_783, %parallel_loop3A_785 : vector<16xi32>
        %parallel_loop3A_787 = arith.constant -65536 : i32
        %parallel_loop3A_788 = vector.broadcast %parallel_loop3A_787 : i32 to vector<16xi32>
        %parallel_loop3A_789 = arith.andi %parallel_loop3A_786, %parallel_loop3A_788 : vector<16xi32>
        %parallel_loop3A_790 = vector.bitcast %parallel_loop3A_789 : vector<16xi32> to vector<16xf32>
        %parallel_loop3A_791 = arith.constant 384 : i32
        %parallel_loop3A_792 = arith.addi %parallel_loop3A_791, %parallel_loop3A_751 : i32
        %parallel_loop3A_793 = arith.index_cast %parallel_loop3A_792 : i32 to index
        %parallel_loop3A_794 = tpu.vector_load %arg7[%parallel_loop3A_793] {strides = array<i32>} : memref<40960xf32, #tpu.memory_space<vmem>>, vector<16xf32>,
        %parallel_loop3A_795 = arith.addf %parallel_loop3A_794, %get3A_383 : vector<16xf32>
        %parallel_loop3A_796 = vector.bitcast %parallel_loop3A_795 : vector<16xf32> to vector<16xi32>
        %parallel_loop3A_797 = arith.constant 32768 : i32
        %parallel_loop3A_798 = vector.broadcast %parallel_loop3A_797 : i32 to vector<16xi32>
        %parallel_loop3A_799 = arith.addi %parallel_loop3A_796, %parallel_loop3A_798 : vector<16xi32>
        %parallel_loop3A_800 = arith.constant -65536 : i32
        %parallel_loop3A_801 = vector.broadcast %parallel_loop3A_800 : i32 to vector<16xi32>
        %parallel_loop3A_802 = arith.andi %parallel_loop3A_799, %parallel_loop3A_801 : vector<16xi32>
        %parallel_loop3A_803 = vector.bitcast %parallel_loop3A_802 : vector<16xi32> to vector<16xf32>
        %parallel_loop3A_804 = arith.mulf %parallel_loop3A_764, %get3A_417 : vector<16xf32>
        %parallel_loop3A_805 = arith.addf %get3A_457, %parallel_loop3A_804 : vector<16xf32>
        %parallel_loop3A_806 = arith.mulf %parallel_loop3A_777, %get3A_419 : vector<16xf32>
        %parallel_loop3A_807 = arith.addf %parallel_loop3A_805, %parallel_loop3A_806 : vector<16xf32>
        %parallel_loop3A_808 = arith.mulf %parallel_loop3A_790, %get3A_421 : vector<16xf32>
        %parallel_loop3A_809 = arith.addf %parallel_loop3A_807, %parallel_loop3A_808 : vector<16xf32>
        %parallel_loop3A_810 = arith.mulf %parallel_loop3A_803, %get3A_423 : vector<16xf32>
        %parallel_loop3A_811 = arith.addf %parallel_loop3A_809, %parallel_loop3A_810 : vector<16xf32>
        %parallel_loop3A_812 = arith.constant 0.000000e+00 : f32
        %parallel_loop3A_813 = vector.broadcast %parallel_loop3A_812 : f32 to vector<16xf32>
        %parallel_loop3A_814 = arith.maximumf %parallel_loop3A_811, %parallel_loop3A_813 : vector<16xf32>
        %parallel_loop3A_815 = arith.mulf %parallel_loop3A_764, %get3A_425 : vector<16xf32>
        %parallel_loop3A_816 = arith.addf %get3A_459, %parallel_loop3A_815 : vector<16xf32>
        %parallel_loop3A_817 = arith.mulf %parallel_loop3A_777, %get3A_427 : vector<16xf32>
        %parallel_loop3A_818 = arith.addf %parallel_loop3A_816, %parallel_loop3A_817 : vector<16xf32>
        %parallel_loop3A_819 = arith.mulf %parallel_loop3A_790, %get3A_429 : vector<16xf32>
        %parallel_loop3A_820 = arith.addf %parallel_loop3A_818, %parallel_loop3A_819 : vector<16xf32>
        %parallel_loop3A_821 = arith.mulf %parallel_loop3A_803, %get3A_431 : vector<16xf32>
        %parallel_loop3A_822 = arith.addf %parallel_loop3A_820, %parallel_loop3A_821 : vector<16xf32>
        %parallel_loop3A_823 = arith.constant 0.000000e+00 : f32
        %parallel_loop3A_824 = vector.broadcast %parallel_loop3A_823 : f32 to vector<16xf32>
        %parallel_loop3A_825 = arith.maximumf %parallel_loop3A_822, %parallel_loop3A_824 : vector<16xf32>
        %parallel_loop3A_826 = arith.addf %parallel_loop3A_814, %parallel_loop3A_825 : vector<16xf32>
        %parallel_loop3A_827 = arith.mulf %parallel_loop3A_764, %get3A_433 : vector<16xf32>
        %parallel_loop3A_828 = arith.addf %get3A_461, %parallel_loop3A_827 : vector<16xf32>
        %parallel_loop3A_829 = arith.mulf %parallel_loop3A_777, %get3A_435 : vector<16xf32>
        %parallel_loop3A_830 = arith.addf %parallel_loop3A_828, %parallel_loop3A_829 : vector<16xf32>
        %parallel_loop3A_831 = arith.mulf %parallel_loop3A_790, %get3A_437 : vector<16xf32>
        %parallel_loop3A_832 = arith.addf %parallel_loop3A_830, %parallel_loop3A_831 : vector<16xf32>
        %parallel_loop3A_833 = arith.mulf %parallel_loop3A_803, %get3A_439 : vector<16xf32>
        %parallel_loop3A_834 = arith.addf %parallel_loop3A_832, %parallel_loop3A_833 : vector<16xf32>
        %parallel_loop3A_835 = arith.constant 0.000000e+00 : f32
        %parallel_loop3A_836 = vector.broadcast %parallel_loop3A_835 : f32 to vector<16xf32>
        %parallel_loop3A_837 = arith.maximumf %parallel_loop3A_834, %parallel_loop3A_836 : vector<16xf32>
        %parallel_loop3A_838 = arith.addf %parallel_loop3A_826, %parallel_loop3A_837 : vector<16xf32>
        %parallel_loop3A_839 = arith.mulf %parallel_loop3A_764, %get3A_441 : vector<16xf32>
        %parallel_loop3A_840 = arith.addf %get3A_463, %parallel_loop3A_839 : vector<16xf32>
        %parallel_loop3A_841 = arith.mulf %parallel_loop3A_777, %get3A_443 : vector<16xf32>
        %parallel_loop3A_842 = arith.addf %parallel_loop3A_840, %parallel_loop3A_841 : vector<16xf32>
        %parallel_loop3A_843 = arith.mulf %parallel_loop3A_790, %get3A_445 : vector<16xf32>
        %parallel_loop3A_844 = arith.addf %parallel_loop3A_842, %parallel_loop3A_843 : vector<16xf32>
        %parallel_loop3A_845 = arith.mulf %parallel_loop3A_803, %get3A_447 : vector<16xf32>
        %parallel_loop3A_846 = arith.addf %parallel_loop3A_844, %parallel_loop3A_845 : vector<16xf32>
        %parallel_loop3A_847 = arith.constant 0.000000e+00 : f32
        %parallel_loop3A_848 = vector.broadcast %parallel_loop3A_847 : f32 to vector<16xf32>
        %parallel_loop3A_849 = arith.maximumf %parallel_loop3A_846, %parallel_loop3A_848 : vector<16xf32>
        %parallel_loop3A_850 = arith.addf %parallel_loop3A_838, %parallel_loop3A_849 : vector<16xf32>
        %parallel_loop3A_851 = arith.mulf %parallel_loop3A_764, %get3A_449 : vector<16xf32>
        %parallel_loop3A_852 = arith.addf %get3A_465, %parallel_loop3A_851 : vector<16xf32>
        %parallel_loop3A_853 = arith.mulf %parallel_loop3A_777, %get3A_451 : vector<16xf32>
        %parallel_loop3A_854 = arith.addf %parallel_loop3A_852, %parallel_loop3A_853 : vector<16xf32>
        %parallel_loop3A_855 = arith.mulf %parallel_loop3A_790, %get3A_453 : vector<16xf32>
        %parallel_loop3A_856 = arith.addf %parallel_loop3A_854, %parallel_loop3A_855 : vector<16xf32>
        %parallel_loop3A_857 = arith.mulf %parallel_loop3A_803, %get3A_455 : vector<16xf32>
        %parallel_loop3A_858 = arith.addf %parallel_loop3A_856, %parallel_loop3A_857 : vector<16xf32>
        %parallel_loop3A_859 = arith.constant 0.000000e+00 : f32
        %parallel_loop3A_860 = vector.broadcast %parallel_loop3A_859 : f32 to vector<16xf32>
        %parallel_loop3A_861 = arith.maximumf %parallel_loop3A_858, %parallel_loop3A_860 : vector<16xf32>
        %parallel_loop3A_862 = arith.addf %parallel_loop3A_850, %parallel_loop3A_861 : vector<16xf32>
        %parallel_loop3A_863 = arith.constant 8192 : i32
        %parallel_loop3A_864 = arith.addi %parallel_loop3A_863, %parallel_loop3A_751 : i32
        %parallel_loop3A_865 = arith.index_cast %parallel_loop3A_864 : i32 to index
        %parallel_loop3A_866 = tpu.vector_load %arg7[%parallel_loop3A_865] {strides = array<i32>} : memref<40960xf32, #tpu.memory_space<vmem>>, vector<16xf32>,
        %parallel_loop3A_867 = arith.addf %parallel_loop3A_866, %get3A_385 : vector<16xf32>
        %parallel_loop3A_868 = vector.bitcast %parallel_loop3A_867 : vector<16xf32> to vector<16xi32>
        %parallel_loop3A_869 = arith.constant 32768 : i32
        %parallel_loop3A_870 = vector.broadcast %parallel_loop3A_869 : i32 to vector<16xi32>
        %parallel_loop3A_871 = arith.addi %parallel_loop3A_868, %parallel_loop3A_870 : vector<16xi32>
        %parallel_loop3A_872 = arith.constant -65536 : i32
        %parallel_loop3A_873 = vector.broadcast %parallel_loop3A_872 : i32 to vector<16xi32>
        %parallel_loop3A_874 = arith.andi %parallel_loop3A_871, %parallel_loop3A_873 : vector<16xi32>
        %parallel_loop3A_875 = vector.bitcast %parallel_loop3A_874 : vector<16xi32> to vector<16xf32>
        %parallel_loop3A_876 = arith.constant 8320 : i32
        %parallel_loop3A_877 = arith.addi %parallel_loop3A_876, %parallel_loop3A_751 : i32
        %parallel_loop3A_878 = arith.index_cast %parallel_loop3A_877 : i32 to index
        %parallel_loop3A_879 = tpu.vector_load %arg7[%parallel_loop3A_878] {strides = array<i32>} : memref<40960xf32, #tpu.memory_space<vmem>>, vector<16xf32>,
        %parallel_loop3A_880 = arith.addf %parallel_loop3A_879, %get3A_387 : vector<16xf32>
        %parallel_loop3A_881 = vector.bitcast %parallel_loop3A_880 : vector<16xf32> to vector<16xi32>
        %parallel_loop3A_882 = arith.constant 32768 : i32
        %parallel_loop3A_883 = vector.broadcast %parallel_loop3A_882 : i32 to vector<16xi32>
        %parallel_loop3A_884 = arith.addi %parallel_loop3A_881, %parallel_loop3A_883 : vector<16xi32>
        %parallel_loop3A_885 = arith.constant -65536 : i32
        %parallel_loop3A_886 = vector.broadcast %parallel_loop3A_885 : i32 to vector<16xi32>
        %parallel_loop3A_887 = arith.andi %parallel_loop3A_884, %parallel_loop3A_886 : vector<16xi32>
        %parallel_loop3A_888 = vector.bitcast %parallel_loop3A_887 : vector<16xi32> to vector<16xf32>
        %parallel_loop3A_889 = arith.constant 8448 : i32
        %parallel_loop3A_890 = arith.addi %parallel_loop3A_889, %parallel_loop3A_751 : i32
        %parallel_loop3A_891 = arith.index_cast %parallel_loop3A_890 : i32 to index
        %parallel_loop3A_892 = tpu.vector_load %arg7[%parallel_loop3A_891] {strides = array<i32>} : memref<40960xf32, #tpu.memory_space<vmem>>, vector<16xf32>,
        %parallel_loop3A_893 = arith.addf %parallel_loop3A_892, %get3A_389 : vector<16xf32>
        %parallel_loop3A_894 = vector.bitcast %parallel_loop3A_893 : vector<16xf32> to vector<16xi32>
        %parallel_loop3A_895 = arith.constant 32768 : i32
        %parallel_loop3A_896 = vector.broadcast %parallel_loop3A_895 : i32 to vector<16xi32>
        %parallel_loop3A_897 = arith.addi %parallel_loop3A_894, %parallel_loop3A_896 : vector<16xi32>
        %parallel_loop3A_898 = arith.constant -65536 : i32
        %parallel_loop3A_899 = vector.broadcast %parallel_loop3A_898 : i32 to vector<16xi32>
        %parallel_loop3A_900 = arith.andi %parallel_loop3A_897, %parallel_loop3A_899 : vector<16xi32>
        %parallel_loop3A_901 = vector.bitcast %parallel_loop3A_900 : vector<16xi32> to vector<16xf32>
        %parallel_loop3A_902 = arith.constant 8576 : i32
        %parallel_loop3A_903 = arith.addi %parallel_loop3A_902, %parallel_loop3A_751 : i32
        %parallel_loop3A_904 = arith.index_cast %parallel_loop3A_903 : i32 to index
        %parallel_loop3A_905 = tpu.vector_load %arg7[%parallel_loop3A_904] {strides = array<i32>} : memref<40960xf32, #tpu.memory_space<vmem>>, vector<16xf32>,
        %parallel_loop3A_906 = arith.addf %parallel_loop3A_905, %get3A_391 : vector<16xf32>
        %parallel_loop3A_907 = vector.bitcast %parallel_loop3A_906 : vector<16xf32> to vector<16xi32>
        %parallel_loop3A_908 = arith.constant 32768 : i32
        %parallel_loop3A_909 = vector.broadcast %parallel_loop3A_908 : i32 to vector<16xi32>
        %parallel_loop3A_910 = arith.addi %parallel_loop3A_907, %parallel_loop3A_909 : vector<16xi32>
        %parallel_loop3A_911 = arith.constant -65536 : i32
        %parallel_loop3A_912 = vector.broadcast %parallel_loop3A_911 : i32 to vector<16xi32>
        %parallel_loop3A_913 = arith.andi %parallel_loop3A_910, %parallel_loop3A_912 : vector<16xi32>
        %parallel_loop3A_914 = vector.bitcast %parallel_loop3A_913 : vector<16xi32> to vector<16xf32>
        %parallel_loop3A_915 = arith.mulf %parallel_loop3A_875, %get3A_417 : vector<16xf32>
        %parallel_loop3A_916 = arith.addf %get3A_457, %parallel_loop3A_915 : vector<16xf32>
        %parallel_loop3A_917 = arith.mulf %parallel_loop3A_888, %get3A_419 : vector<16xf32>
        %parallel_loop3A_918 = arith.addf %parallel_loop3A_916, %parallel_loop3A_917 : vector<16xf32>
        %parallel_loop3A_919 = arith.mulf %parallel_loop3A_901, %get3A_421 : vector<16xf32>
        %parallel_loop3A_920 = arith.addf %parallel_loop3A_918, %parallel_loop3A_919 : vector<16xf32>
        %parallel_loop3A_921 = arith.mulf %parallel_loop3A_914, %get3A_423 : vector<16xf32>
        %parallel_loop3A_922 = arith.addf %parallel_loop3A_920, %parallel_loop3A_921 : vector<16xf32>
        %parallel_loop3A_923 = arith.constant 0.000000e+00 : f32
        %parallel_loop3A_924 = vector.broadcast %parallel_loop3A_923 : f32 to vector<16xf32>
        %parallel_loop3A_925 = arith.maximumf %parallel_loop3A_922, %parallel_loop3A_924 : vector<16xf32>
        %parallel_loop3A_926 = arith.mulf %parallel_loop3A_875, %get3A_425 : vector<16xf32>
        %parallel_loop3A_927 = arith.addf %get3A_459, %parallel_loop3A_926 : vector<16xf32>
        %parallel_loop3A_928 = arith.mulf %parallel_loop3A_888, %get3A_427 : vector<16xf32>
        %parallel_loop3A_929 = arith.addf %parallel_loop3A_927, %parallel_loop3A_928 : vector<16xf32>
        %parallel_loop3A_930 = arith.mulf %parallel_loop3A_901, %get3A_429 : vector<16xf32>
        %parallel_loop3A_931 = arith.addf %parallel_loop3A_929, %parallel_loop3A_930 : vector<16xf32>
        %parallel_loop3A_932 = arith.mulf %parallel_loop3A_914, %get3A_431 : vector<16xf32>
        %parallel_loop3A_933 = arith.addf %parallel_loop3A_931, %parallel_loop3A_932 : vector<16xf32>
        %parallel_loop3A_934 = arith.constant 0.000000e+00 : f32
        %parallel_loop3A_935 = vector.broadcast %parallel_loop3A_934 : f32 to vector<16xf32>
        %parallel_loop3A_936 = arith.maximumf %parallel_loop3A_933, %parallel_loop3A_935 : vector<16xf32>
        %parallel_loop3A_937 = arith.addf %parallel_loop3A_925, %parallel_loop3A_936 : vector<16xf32>
        %parallel_loop3A_938 = arith.mulf %parallel_loop3A_875, %get3A_433 : vector<16xf32>
        %parallel_loop3A_939 = arith.addf %get3A_461, %parallel_loop3A_938 : vector<16xf32>
        %parallel_loop3A_940 = arith.mulf %parallel_loop3A_888, %get3A_435 : vector<16xf32>
        %parallel_loop3A_941 = arith.addf %parallel_loop3A_939, %parallel_loop3A_940 : vector<16xf32>
        %parallel_loop3A_942 = arith.mulf %parallel_loop3A_901, %get3A_437 : vector<16xf32>
        %parallel_loop3A_943 = arith.addf %parallel_loop3A_941, %parallel_loop3A_942 : vector<16xf32>
        %parallel_loop3A_944 = arith.mulf %parallel_loop3A_914, %get3A_439 : vector<16xf32>
        %parallel_loop3A_945 = arith.addf %parallel_loop3A_943, %parallel_loop3A_944 : vector<16xf32>
        %parallel_loop3A_946 = arith.constant 0.000000e+00 : f32
        %parallel_loop3A_947 = vector.broadcast %parallel_loop3A_946 : f32 to vector<16xf32>
        %parallel_loop3A_948 = arith.maximumf %parallel_loop3A_945, %parallel_loop3A_947 : vector<16xf32>
        %parallel_loop3A_949 = arith.addf %parallel_loop3A_937, %parallel_loop3A_948 : vector<16xf32>
        %parallel_loop3A_950 = arith.mulf %parallel_loop3A_875, %get3A_441 : vector<16xf32>
        %parallel_loop3A_951 = arith.addf %get3A_463, %parallel_loop3A_950 : vector<16xf32>
        %parallel_loop3A_952 = arith.mulf %parallel_loop3A_888, %get3A_443 : vector<16xf32>
        %parallel_loop3A_953 = arith.addf %parallel_loop3A_951, %parallel_loop3A_952 : vector<16xf32>
        %parallel_loop3A_954 = arith.mulf %parallel_loop3A_901, %get3A_445 : vector<16xf32>
        %parallel_loop3A_955 = arith.addf %parallel_loop3A_953, %parallel_loop3A_954 : vector<16xf32>
        %parallel_loop3A_956 = arith.mulf %parallel_loop3A_914, %get3A_447 : vector<16xf32>
        %parallel_loop3A_957 = arith.addf %parallel_loop3A_955, %parallel_loop3A_956 : vector<16xf32>
        %parallel_loop3A_958 = arith.constant 0.000000e+00 : f32
        %parallel_loop3A_959 = vector.broadcast %parallel_loop3A_958 : f32 to vector<16xf32>
        %parallel_loop3A_960 = arith.maximumf %parallel_loop3A_957, %parallel_loop3A_959 : vector<16xf32>
        %parallel_loop3A_961 = arith.addf %parallel_loop3A_949, %parallel_loop3A_960 : vector<16xf32>
        %parallel_loop3A_962 = arith.mulf %parallel_loop3A_875, %get3A_449 : vector<16xf32>
        %parallel_loop3A_963 = arith.addf %get3A_465, %parallel_loop3A_962 : vector<16xf32>
        %parallel_loop3A_964 = arith.mulf %parallel_loop3A_888, %get3A_451 : vector<16xf32>
        %parallel_loop3A_965 = arith.addf %parallel_loop3A_963, %parallel_loop3A_964 : vector<16xf32>
        %parallel_loop3A_966 = arith.mulf %parallel_loop3A_901, %get3A_453 : vector<16xf32>
        %parallel_loop3A_967 = arith.addf %parallel_loop3A_965, %parallel_loop3A_966 : vector<16xf32>
        %parallel_loop3A_968 = arith.mulf %parallel_loop3A_914, %get3A_455 : vector<16xf32>
        %parallel_loop3A_969 = arith.addf %parallel_loop3A_967, %parallel_loop3A_968 : vector<16xf32>
        %parallel_loop3A_970 = arith.constant 0.000000e+00 : f32
        %parallel_loop3A_971 = vector.broadcast %parallel_loop3A_970 : f32 to vector<16xf32>
        %parallel_loop3A_972 = arith.maximumf %parallel_loop3A_969, %parallel_loop3A_971 : vector<16xf32>
        %parallel_loop3A_973 = arith.addf %parallel_loop3A_961, %parallel_loop3A_972 : vector<16xf32>
        %parallel_loop3A_974 = arith.constant 16384 : i32
        %parallel_loop3A_975 = arith.addi %parallel_loop3A_974, %parallel_loop3A_751 : i32
        %parallel_loop3A_976 = arith.index_cast %parallel_loop3A_975 : i32 to index
        %parallel_loop3A_977 = tpu.vector_load %arg7[%parallel_loop3A_976] {strides = array<i32>} : memref<40960xf32, #tpu.memory_space<vmem>>, vector<16xf32>,
        %parallel_loop3A_978 = arith.addf %parallel_loop3A_977, %get3A_393 : vector<16xf32>
        %parallel_loop3A_979 = vector.bitcast %parallel_loop3A_978 : vector<16xf32> to vector<16xi32>
        %parallel_loop3A_980 = arith.constant 32768 : i32
        %parallel_loop3A_981 = vector.broadcast %parallel_loop3A_980 : i32 to vector<16xi32>
        %parallel_loop3A_982 = arith.addi %parallel_loop3A_979, %parallel_loop3A_981 : vector<16xi32>
        %parallel_loop3A_983 = arith.constant -65536 : i32
        %parallel_loop3A_984 = vector.broadcast %parallel_loop3A_983 : i32 to vector<16xi32>
        %parallel_loop3A_985 = arith.andi %parallel_loop3A_982, %parallel_loop3A_984 : vector<16xi32>
        %parallel_loop3A_986 = vector.bitcast %parallel_loop3A_985 : vector<16xi32> to vector<16xf32>
        %parallel_loop3A_987 = arith.constant 16512 : i32
        %parallel_loop3A_988 = arith.addi %parallel_loop3A_987, %parallel_loop3A_751 : i32
        %parallel_loop3A_989 = arith.index_cast %parallel_loop3A_988 : i32 to index
        %parallel_loop3A_990 = tpu.vector_load %arg7[%parallel_loop3A_989] {strides = array<i32>} : memref<40960xf32, #tpu.memory_space<vmem>>, vector<16xf32>,
        %parallel_loop3A_991 = arith.addf %parallel_loop3A_990, %get3A_395 : vector<16xf32>
        %parallel_loop3A_992 = vector.bitcast %parallel_loop3A_991 : vector<16xf32> to vector<16xi32>
        %parallel_loop3A_993 = arith.constant 32768 : i32
        %parallel_loop3A_994 = vector.broadcast %parallel_loop3A_993 : i32 to vector<16xi32>
        %parallel_loop3A_995 = arith.addi %parallel_loop3A_992, %parallel_loop3A_994 : vector<16xi32>
        %parallel_loop3A_996 = arith.constant -65536 : i32
        %parallel_loop3A_997 = vector.broadcast %parallel_loop3A_996 : i32 to vector<16xi32>
        %parallel_loop3A_998 = arith.andi %parallel_loop3A_995, %parallel_loop3A_997 : vector<16xi32>
        %parallel_loop3A_999 = vector.bitcast %parallel_loop3A_998 : vector<16xi32> to vector<16xf32>
        %parallel_loop3A_1000 = arith.constant 16640 : i32
        %parallel_loop3A_1001 = arith.addi %parallel_loop3A_1000, %parallel_loop3A_751 : i32
        %parallel_loop3A_1002 = arith.index_cast %parallel_loop3A_1001 : i32 to index
        %parallel_loop3A_1003 = tpu.vector_load %arg7[%parallel_loop3A_1002] {strides = array<i32>} : memref<40960xf32, #tpu.memory_space<vmem>>, vector<16xf32>,
        %parallel_loop3A_1004 = arith.addf %parallel_loop3A_1003, %get3A_397 : vector<16xf32>
        %parallel_loop3A_1005 = vector.bitcast %parallel_loop3A_1004 : vector<16xf32> to vector<16xi32>
        %parallel_loop3A_1006 = arith.constant 32768 : i32
        %parallel_loop3A_1007 = vector.broadcast %parallel_loop3A_1006 : i32 to vector<16xi32>
        %parallel_loop3A_1008 = arith.addi %parallel_loop3A_1005, %parallel_loop3A_1007 : vector<16xi32>
        %parallel_loop3A_1009 = arith.constant -65536 : i32
        %parallel_loop3A_1010 = vector.broadcast %parallel_loop3A_1009 : i32 to vector<16xi32>
        %parallel_loop3A_1011 = arith.andi %parallel_loop3A_1008, %parallel_loop3A_1010 : vector<16xi32>
        %parallel_loop3A_1012 = vector.bitcast %parallel_loop3A_1011 : vector<16xi32> to vector<16xf32>
        %parallel_loop3A_1013 = arith.constant 16768 : i32
        %parallel_loop3A_1014 = arith.addi %parallel_loop3A_1013, %parallel_loop3A_751 : i32
        %parallel_loop3A_1015 = arith.index_cast %parallel_loop3A_1014 : i32 to index
        %parallel_loop3A_1016 = tpu.vector_load %arg7[%parallel_loop3A_1015] {strides = array<i32>} : memref<40960xf32, #tpu.memory_space<vmem>>, vector<16xf32>,
        %parallel_loop3A_1017 = arith.addf %parallel_loop3A_1016, %get3A_399 : vector<16xf32>
        %parallel_loop3A_1018 = vector.bitcast %parallel_loop3A_1017 : vector<16xf32> to vector<16xi32>
        %parallel_loop3A_1019 = arith.constant 32768 : i32
        %parallel_loop3A_1020 = vector.broadcast %parallel_loop3A_1019 : i32 to vector<16xi32>
        %parallel_loop3A_1021 = arith.addi %parallel_loop3A_1018, %parallel_loop3A_1020 : vector<16xi32>
        %parallel_loop3A_1022 = arith.constant -65536 : i32
        %parallel_loop3A_1023 = vector.broadcast %parallel_loop3A_1022 : i32 to vector<16xi32>
        %parallel_loop3A_1024 = arith.andi %parallel_loop3A_1021, %parallel_loop3A_1023 : vector<16xi32>
        %parallel_loop3A_1025 = vector.bitcast %parallel_loop3A_1024 : vector<16xi32> to vector<16xf32>
        %parallel_loop3A_1026 = arith.mulf %parallel_loop3A_986, %get3A_417 : vector<16xf32>
        %parallel_loop3A_1027 = arith.addf %get3A_457, %parallel_loop3A_1026 : vector<16xf32>
        %parallel_loop3A_1028 = arith.mulf %parallel_loop3A_999, %get3A_419 : vector<16xf32>
        %parallel_loop3A_1029 = arith.addf %parallel_loop3A_1027, %parallel_loop3A_1028 : vector<16xf32>
        %parallel_loop3A_1030 = arith.mulf %parallel_loop3A_1012, %get3A_421 : vector<16xf32>
        %parallel_loop3A_1031 = arith.addf %parallel_loop3A_1029, %parallel_loop3A_1030 : vector<16xf32>
        %parallel_loop3A_1032 = arith.mulf %parallel_loop3A_1025, %get3A_423 : vector<16xf32>
        %parallel_loop3A_1033 = arith.addf %parallel_loop3A_1031, %parallel_loop3A_1032 : vector<16xf32>
        %parallel_loop3A_1034 = arith.constant 0.000000e+00 : f32
        %parallel_loop3A_1035 = vector.broadcast %parallel_loop3A_1034 : f32 to vector<16xf32>
        %parallel_loop3A_1036 = arith.maximumf %parallel_loop3A_1033, %parallel_loop3A_1035 : vector<16xf32>
        %parallel_loop3A_1037 = arith.mulf %parallel_loop3A_986, %get3A_425 : vector<16xf32>
        %parallel_loop3A_1038 = arith.addf %get3A_459, %parallel_loop3A_1037 : vector<16xf32>
        %parallel_loop3A_1039 = arith.mulf %parallel_loop3A_999, %get3A_427 : vector<16xf32>
        %parallel_loop3A_1040 = arith.addf %parallel_loop3A_1038, %parallel_loop3A_1039 : vector<16xf32>
        %parallel_loop3A_1041 = arith.mulf %parallel_loop3A_1012, %get3A_429 : vector<16xf32>
        %parallel_loop3A_1042 = arith.addf %parallel_loop3A_1040, %parallel_loop3A_1041 : vector<16xf32>
        %parallel_loop3A_1043 = arith.mulf %parallel_loop3A_1025, %get3A_431 : vector<16xf32>
        %parallel_loop3A_1044 = arith.addf %parallel_loop3A_1042, %parallel_loop3A_1043 : vector<16xf32>
        %parallel_loop3A_1045 = arith.constant 0.000000e+00 : f32
        %parallel_loop3A_1046 = vector.broadcast %parallel_loop3A_1045 : f32 to vector<16xf32>
        %parallel_loop3A_1047 = arith.maximumf %parallel_loop3A_1044, %parallel_loop3A_1046 : vector<16xf32>
        %parallel_loop3A_1048 = arith.addf %parallel_loop3A_1036, %parallel_loop3A_1047 : vector<16xf32>
        %parallel_loop3A_1049 = arith.mulf %parallel_loop3A_986, %get3A_433 : vector<16xf32>
        %parallel_loop3A_1050 = arith.addf %get3A_461, %parallel_loop3A_1049 : vector<16xf32>
        %parallel_loop3A_1051 = arith.mulf %parallel_loop3A_999, %get3A_435 : vector<16xf32>
        %parallel_loop3A_1052 = arith.addf %parallel_loop3A_1050, %parallel_loop3A_1051 : vector<16xf32>
        %parallel_loop3A_1053 = arith.mulf %parallel_loop3A_1012, %get3A_437 : vector<16xf32>
        %parallel_loop3A_1054 = arith.addf %parallel_loop3A_1052, %parallel_loop3A_1053 : vector<16xf32>
        %parallel_loop3A_1055 = arith.mulf %parallel_loop3A_1025, %get3A_439 : vector<16xf32>
        %parallel_loop3A_1056 = arith.addf %parallel_loop3A_1054, %parallel_loop3A_1055 : vector<16xf32>
        %parallel_loop3A_1057 = arith.constant 0.000000e+00 : f32
        %parallel_loop3A_1058 = vector.broadcast %parallel_loop3A_1057 : f32 to vector<16xf32>
        %parallel_loop3A_1059 = arith.maximumf %parallel_loop3A_1056, %parallel_loop3A_1058 : vector<16xf32>
        %parallel_loop3A_1060 = arith.addf %parallel_loop3A_1048, %parallel_loop3A_1059 : vector<16xf32>
        %parallel_loop3A_1061 = arith.mulf %parallel_loop3A_986, %get3A_441 : vector<16xf32>
        %parallel_loop3A_1062 = arith.addf %get3A_463, %parallel_loop3A_1061 : vector<16xf32>
        %parallel_loop3A_1063 = arith.mulf %parallel_loop3A_999, %get3A_443 : vector<16xf32>
        %parallel_loop3A_1064 = arith.addf %parallel_loop3A_1062, %parallel_loop3A_1063 : vector<16xf32>
        %parallel_loop3A_1065 = arith.mulf %parallel_loop3A_1012, %get3A_445 : vector<16xf32>
        %parallel_loop3A_1066 = arith.addf %parallel_loop3A_1064, %parallel_loop3A_1065 : vector<16xf32>
        %parallel_loop3A_1067 = arith.mulf %parallel_loop3A_1025, %get3A_447 : vector<16xf32>
        %parallel_loop3A_1068 = arith.addf %parallel_loop3A_1066, %parallel_loop3A_1067 : vector<16xf32>
        %parallel_loop3A_1069 = arith.constant 0.000000e+00 : f32
        %parallel_loop3A_1070 = vector.broadcast %parallel_loop3A_1069 : f32 to vector<16xf32>
        %parallel_loop3A_1071 = arith.maximumf %parallel_loop3A_1068, %parallel_loop3A_1070 : vector<16xf32>
        %parallel_loop3A_1072 = arith.addf %parallel_loop3A_1060, %parallel_loop3A_1071 : vector<16xf32>
        %parallel_loop3A_1073 = arith.mulf %parallel_loop3A_986, %get3A_449 : vector<16xf32>
        %parallel_loop3A_1074 = arith.addf %get3A_465, %parallel_loop3A_1073 : vector<16xf32>
        %parallel_loop3A_1075 = arith.mulf %parallel_loop3A_999, %get3A_451 : vector<16xf32>
        %parallel_loop3A_1076 = arith.addf %parallel_loop3A_1074, %parallel_loop3A_1075 : vector<16xf32>
        %parallel_loop3A_1077 = arith.mulf %parallel_loop3A_1012, %get3A_453 : vector<16xf32>
        %parallel_loop3A_1078 = arith.addf %parallel_loop3A_1076, %parallel_loop3A_1077 : vector<16xf32>
        %parallel_loop3A_1079 = arith.mulf %parallel_loop3A_1025, %get3A_455 : vector<16xf32>
        %parallel_loop3A_1080 = arith.addf %parallel_loop3A_1078, %parallel_loop3A_1079 : vector<16xf32>
        %parallel_loop3A_1081 = arith.constant 0.000000e+00 : f32
        %parallel_loop3A_1082 = vector.broadcast %parallel_loop3A_1081 : f32 to vector<16xf32>
        %parallel_loop3A_1083 = arith.maximumf %parallel_loop3A_1080, %parallel_loop3A_1082 : vector<16xf32>
        %parallel_loop3A_1084 = arith.addf %parallel_loop3A_1072, %parallel_loop3A_1083 : vector<16xf32>
        %parallel_loop3A_1085 = arith.constant 24576 : i32
        %parallel_loop3A_1086 = arith.addi %parallel_loop3A_1085, %parallel_loop3A_751 : i32
        %parallel_loop3A_1087 = arith.index_cast %parallel_loop3A_1086 : i32 to index
        %parallel_loop3A_1088 = tpu.vector_load %arg7[%parallel_loop3A_1087] {strides = array<i32>} : memref<40960xf32, #tpu.memory_space<vmem>>, vector<16xf32>,
        %parallel_loop3A_1089 = arith.addf %parallel_loop3A_1088, %get3A_401 : vector<16xf32>
        %parallel_loop3A_1090 = vector.bitcast %parallel_loop3A_1089 : vector<16xf32> to vector<16xi32>
        %parallel_loop3A_1091 = arith.constant 32768 : i32
        %parallel_loop3A_1092 = vector.broadcast %parallel_loop3A_1091 : i32 to vector<16xi32>
        %parallel_loop3A_1093 = arith.addi %parallel_loop3A_1090, %parallel_loop3A_1092 : vector<16xi32>
        %parallel_loop3A_1094 = arith.constant -65536 : i32
        %parallel_loop3A_1095 = vector.broadcast %parallel_loop3A_1094 : i32 to vector<16xi32>
        %parallel_loop3A_1096 = arith.andi %parallel_loop3A_1093, %parallel_loop3A_1095 : vector<16xi32>
        %parallel_loop3A_1097 = vector.bitcast %parallel_loop3A_1096 : vector<16xi32> to vector<16xf32>
        %parallel_loop3A_1098 = arith.constant 24704 : i32
        %parallel_loop3A_1099 = arith.addi %parallel_loop3A_1098, %parallel_loop3A_751 : i32
        %parallel_loop3A_1100 = arith.index_cast %parallel_loop3A_1099 : i32 to index
        %parallel_loop3A_1101 = tpu.vector_load %arg7[%parallel_loop3A_1100] {strides = array<i32>} : memref<40960xf32, #tpu.memory_space<vmem>>, vector<16xf32>,
        %parallel_loop3A_1102 = arith.addf %parallel_loop3A_1101, %get3A_403 : vector<16xf32>
        %parallel_loop3A_1103 = vector.bitcast %parallel_loop3A_1102 : vector<16xf32> to vector<16xi32>
        %parallel_loop3A_1104 = arith.constant 32768 : i32
        %parallel_loop3A_1105 = vector.broadcast %parallel_loop3A_1104 : i32 to vector<16xi32>
        %parallel_loop3A_1106 = arith.addi %parallel_loop3A_1103, %parallel_loop3A_1105 : vector<16xi32>
        %parallel_loop3A_1107 = arith.constant -65536 : i32
        %parallel_loop3A_1108 = vector.broadcast %parallel_loop3A_1107 : i32 to vector<16xi32>
        %parallel_loop3A_1109 = arith.andi %parallel_loop3A_1106, %parallel_loop3A_1108 : vector<16xi32>
        %parallel_loop3A_1110 = vector.bitcast %parallel_loop3A_1109 : vector<16xi32> to vector<16xf32>
        %parallel_loop3A_1111 = arith.constant 24832 : i32
        %parallel_loop3A_1112 = arith.addi %parallel_loop3A_1111, %parallel_loop3A_751 : i32
        %parallel_loop3A_1113 = arith.index_cast %parallel_loop3A_1112 : i32 to index
        %parallel_loop3A_1114 = tpu.vector_load %arg7[%parallel_loop3A_1113] {strides = array<i32>} : memref<40960xf32, #tpu.memory_space<vmem>>, vector<16xf32>,
        %parallel_loop3A_1115 = arith.addf %parallel_loop3A_1114, %get3A_405 : vector<16xf32>
        %parallel_loop3A_1116 = vector.bitcast %parallel_loop3A_1115 : vector<16xf32> to vector<16xi32>
        %parallel_loop3A_1117 = arith.constant 32768 : i32
        %parallel_loop3A_1118 = vector.broadcast %parallel_loop3A_1117 : i32 to vector<16xi32>
        %parallel_loop3A_1119 = arith.addi %parallel_loop3A_1116, %parallel_loop3A_1118 : vector<16xi32>
        %parallel_loop3A_1120 = arith.constant -65536 : i32
        %parallel_loop3A_1121 = vector.broadcast %parallel_loop3A_1120 : i32 to vector<16xi32>
        %parallel_loop3A_1122 = arith.andi %parallel_loop3A_1119, %parallel_loop3A_1121 : vector<16xi32>
        %parallel_loop3A_1123 = vector.bitcast %parallel_loop3A_1122 : vector<16xi32> to vector<16xf32>
        %parallel_loop3A_1124 = arith.constant 24960 : i32
        %parallel_loop3A_1125 = arith.addi %parallel_loop3A_1124, %parallel_loop3A_751 : i32
        %parallel_loop3A_1126 = arith.index_cast %parallel_loop3A_1125 : i32 to index
        %parallel_loop3A_1127 = tpu.vector_load %arg7[%parallel_loop3A_1126] {strides = array<i32>} : memref<40960xf32, #tpu.memory_space<vmem>>, vector<16xf32>,
        %parallel_loop3A_1128 = arith.addf %parallel_loop3A_1127, %get3A_407 : vector<16xf32>
        %parallel_loop3A_1129 = vector.bitcast %parallel_loop3A_1128 : vector<16xf32> to vector<16xi32>
        %parallel_loop3A_1130 = arith.constant 32768 : i32
        %parallel_loop3A_1131 = vector.broadcast %parallel_loop3A_1130 : i32 to vector<16xi32>
        %parallel_loop3A_1132 = arith.addi %parallel_loop3A_1129, %parallel_loop3A_1131 : vector<16xi32>
        %parallel_loop3A_1133 = arith.constant -65536 : i32
        %parallel_loop3A_1134 = vector.broadcast %parallel_loop3A_1133 : i32 to vector<16xi32>
        %parallel_loop3A_1135 = arith.andi %parallel_loop3A_1132, %parallel_loop3A_1134 : vector<16xi32>
        %parallel_loop3A_1136 = vector.bitcast %parallel_loop3A_1135 : vector<16xi32> to vector<16xf32>
        %parallel_loop3A_1137 = arith.mulf %parallel_loop3A_1097, %get3A_417 : vector<16xf32>
        %parallel_loop3A_1138 = arith.addf %get3A_457, %parallel_loop3A_1137 : vector<16xf32>
        %parallel_loop3A_1139 = arith.mulf %parallel_loop3A_1110, %get3A_419 : vector<16xf32>
        %parallel_loop3A_1140 = arith.addf %parallel_loop3A_1138, %parallel_loop3A_1139 : vector<16xf32>
        %parallel_loop3A_1141 = arith.mulf %parallel_loop3A_1123, %get3A_421 : vector<16xf32>
        %parallel_loop3A_1142 = arith.addf %parallel_loop3A_1140, %parallel_loop3A_1141 : vector<16xf32>
        %parallel_loop3A_1143 = arith.mulf %parallel_loop3A_1136, %get3A_423 : vector<16xf32>
        %parallel_loop3A_1144 = arith.addf %parallel_loop3A_1142, %parallel_loop3A_1143 : vector<16xf32>
        %parallel_loop3A_1145 = arith.constant 0.000000e+00 : f32
        %parallel_loop3A_1146 = vector.broadcast %parallel_loop3A_1145 : f32 to vector<16xf32>
        %parallel_loop3A_1147 = arith.maximumf %parallel_loop3A_1144, %parallel_loop3A_1146 : vector<16xf32>
        %parallel_loop3A_1148 = arith.mulf %parallel_loop3A_1097, %get3A_425 : vector<16xf32>
        %parallel_loop3A_1149 = arith.addf %get3A_459, %parallel_loop3A_1148 : vector<16xf32>
        %parallel_loop3A_1150 = arith.mulf %parallel_loop3A_1110, %get3A_427 : vector<16xf32>
        %parallel_loop3A_1151 = arith.addf %parallel_loop3A_1149, %parallel_loop3A_1150 : vector<16xf32>
        %parallel_loop3A_1152 = arith.mulf %parallel_loop3A_1123, %get3A_429 : vector<16xf32>
        %parallel_loop3A_1153 = arith.addf %parallel_loop3A_1151, %parallel_loop3A_1152 : vector<16xf32>
        %parallel_loop3A_1154 = arith.mulf %parallel_loop3A_1136, %get3A_431 : vector<16xf32>
        %parallel_loop3A_1155 = arith.addf %parallel_loop3A_1153, %parallel_loop3A_1154 : vector<16xf32>
        %parallel_loop3A_1156 = arith.constant 0.000000e+00 : f32
        %parallel_loop3A_1157 = vector.broadcast %parallel_loop3A_1156 : f32 to vector<16xf32>
        %parallel_loop3A_1158 = arith.maximumf %parallel_loop3A_1155, %parallel_loop3A_1157 : vector<16xf32>
        %parallel_loop3A_1159 = arith.addf %parallel_loop3A_1147, %parallel_loop3A_1158 : vector<16xf32>
        %parallel_loop3A_1160 = arith.mulf %parallel_loop3A_1097, %get3A_433 : vector<16xf32>
        %parallel_loop3A_1161 = arith.addf %get3A_461, %parallel_loop3A_1160 : vector<16xf32>
        %parallel_loop3A_1162 = arith.mulf %parallel_loop3A_1110, %get3A_435 : vector<16xf32>
        %parallel_loop3A_1163 = arith.addf %parallel_loop3A_1161, %parallel_loop3A_1162 : vector<16xf32>
        %parallel_loop3A_1164 = arith.mulf %parallel_loop3A_1123, %get3A_437 : vector<16xf32>
        %parallel_loop3A_1165 = arith.addf %parallel_loop3A_1163, %parallel_loop3A_1164 : vector<16xf32>
        %parallel_loop3A_1166 = arith.mulf %parallel_loop3A_1136, %get3A_439 : vector<16xf32>
        %parallel_loop3A_1167 = arith.addf %parallel_loop3A_1165, %parallel_loop3A_1166 : vector<16xf32>
        %parallel_loop3A_1168 = arith.constant 0.000000e+00 : f32
        %parallel_loop3A_1169 = vector.broadcast %parallel_loop3A_1168 : f32 to vector<16xf32>
        %parallel_loop3A_1170 = arith.maximumf %parallel_loop3A_1167, %parallel_loop3A_1169 : vector<16xf32>
        %parallel_loop3A_1171 = arith.addf %parallel_loop3A_1159, %parallel_loop3A_1170 : vector<16xf32>
        %parallel_loop3A_1172 = arith.mulf %parallel_loop3A_1097, %get3A_441 : vector<16xf32>
        %parallel_loop3A_1173 = arith.addf %get3A_463, %parallel_loop3A_1172 : vector<16xf32>
        %parallel_loop3A_1174 = arith.mulf %parallel_loop3A_1110, %get3A_443 : vector<16xf32>
        %parallel_loop3A_1175 = arith.addf %parallel_loop3A_1173, %parallel_loop3A_1174 : vector<16xf32>
        %parallel_loop3A_1176 = arith.mulf %parallel_loop3A_1123, %get3A_445 : vector<16xf32>
        %parallel_loop3A_1177 = arith.addf %parallel_loop3A_1175, %parallel_loop3A_1176 : vector<16xf32>
        %parallel_loop3A_1178 = arith.mulf %parallel_loop3A_1136, %get3A_447 : vector<16xf32>
        %parallel_loop3A_1179 = arith.addf %parallel_loop3A_1177, %parallel_loop3A_1178 : vector<16xf32>
        %parallel_loop3A_1180 = arith.constant 0.000000e+00 : f32
        %parallel_loop3A_1181 = vector.broadcast %parallel_loop3A_1180 : f32 to vector<16xf32>
        %parallel_loop3A_1182 = arith.maximumf %parallel_loop3A_1179, %parallel_loop3A_1181 : vector<16xf32>
        %parallel_loop3A_1183 = arith.addf %parallel_loop3A_1171, %parallel_loop3A_1182 : vector<16xf32>
        %parallel_loop3A_1184 = arith.mulf %parallel_loop3A_1097, %get3A_449 : vector<16xf32>
        %parallel_loop3A_1185 = arith.addf %get3A_465, %parallel_loop3A_1184 : vector<16xf32>
        %parallel_loop3A_1186 = arith.mulf %parallel_loop3A_1110, %get3A_451 : vector<16xf32>
        %parallel_loop3A_1187 = arith.addf %parallel_loop3A_1185, %parallel_loop3A_1186 : vector<16xf32>
        %parallel_loop3A_1188 = arith.mulf %parallel_loop3A_1123, %get3A_453 : vector<16xf32>
        %parallel_loop3A_1189 = arith.addf %parallel_loop3A_1187, %parallel_loop3A_1188 : vector<16xf32>
        %parallel_loop3A_1190 = arith.mulf %parallel_loop3A_1136, %get3A_455 : vector<16xf32>
        %parallel_loop3A_1191 = arith.addf %parallel_loop3A_1189, %parallel_loop3A_1190 : vector<16xf32>
        %parallel_loop3A_1192 = arith.constant 0.000000e+00 : f32
        %parallel_loop3A_1193 = vector.broadcast %parallel_loop3A_1192 : f32 to vector<16xf32>
        %parallel_loop3A_1194 = arith.maximumf %parallel_loop3A_1191, %parallel_loop3A_1193 : vector<16xf32>
        %parallel_loop3A_1195 = arith.addf %parallel_loop3A_1183, %parallel_loop3A_1194 : vector<16xf32>
        %parallel_loop3A_1196 = arith.constant 32768 : i32
        %parallel_loop3A_1197 = arith.addi %parallel_loop3A_1196, %parallel_loop3A_751 : i32
        %parallel_loop3A_1198 = arith.index_cast %parallel_loop3A_1197 : i32 to index
        %parallel_loop3A_1199 = tpu.vector_load %arg7[%parallel_loop3A_1198] {strides = array<i32>} : memref<40960xf32, #tpu.memory_space<vmem>>, vector<16xf32>,
        %parallel_loop3A_1200 = arith.addf %parallel_loop3A_1199, %get3A_409 : vector<16xf32>
        %parallel_loop3A_1201 = vector.bitcast %parallel_loop3A_1200 : vector<16xf32> to vector<16xi32>
        %parallel_loop3A_1202 = arith.constant 32768 : i32
        %parallel_loop3A_1203 = vector.broadcast %parallel_loop3A_1202 : i32 to vector<16xi32>
        %parallel_loop3A_1204 = arith.addi %parallel_loop3A_1201, %parallel_loop3A_1203 : vector<16xi32>
        %parallel_loop3A_1205 = arith.constant -65536 : i32
        %parallel_loop3A_1206 = vector.broadcast %parallel_loop3A_1205 : i32 to vector<16xi32>
        %parallel_loop3A_1207 = arith.andi %parallel_loop3A_1204, %parallel_loop3A_1206 : vector<16xi32>
        %parallel_loop3A_1208 = vector.bitcast %parallel_loop3A_1207 : vector<16xi32> to vector<16xf32>
        %parallel_loop3A_1209 = arith.constant 32896 : i32
        %parallel_loop3A_1210 = arith.addi %parallel_loop3A_1209, %parallel_loop3A_751 : i32
        %parallel_loop3A_1211 = arith.index_cast %parallel_loop3A_1210 : i32 to index
        %parallel_loop3A_1212 = tpu.vector_load %arg7[%parallel_loop3A_1211] {strides = array<i32>} : memref<40960xf32, #tpu.memory_space<vmem>>, vector<16xf32>,
        %parallel_loop3A_1213 = arith.addf %parallel_loop3A_1212, %get3A_411 : vector<16xf32>
        %parallel_loop3A_1214 = vector.bitcast %parallel_loop3A_1213 : vector<16xf32> to vector<16xi32>
        %parallel_loop3A_1215 = arith.constant 32768 : i32
        %parallel_loop3A_1216 = vector.broadcast %parallel_loop3A_1215 : i32 to vector<16xi32>
        %parallel_loop3A_1217 = arith.addi %parallel_loop3A_1214, %parallel_loop3A_1216 : vector<16xi32>
        %parallel_loop3A_1218 = arith.constant -65536 : i32
        %parallel_loop3A_1219 = vector.broadcast %parallel_loop3A_1218 : i32 to vector<16xi32>
        %parallel_loop3A_1220 = arith.andi %parallel_loop3A_1217, %parallel_loop3A_1219 : vector<16xi32>
        %parallel_loop3A_1221 = vector.bitcast %parallel_loop3A_1220 : vector<16xi32> to vector<16xf32>
        %parallel_loop3A_1222 = arith.constant 33024 : i32
        %parallel_loop3A_1223 = arith.addi %parallel_loop3A_1222, %parallel_loop3A_751 : i32
        %parallel_loop3A_1224 = arith.index_cast %parallel_loop3A_1223 : i32 to index
        %parallel_loop3A_1225 = tpu.vector_load %arg7[%parallel_loop3A_1224] {strides = array<i32>} : memref<40960xf32, #tpu.memory_space<vmem>>, vector<16xf32>,
        %parallel_loop3A_1226 = arith.addf %parallel_loop3A_1225, %get3A_413 : vector<16xf32>
        %parallel_loop3A_1227 = vector.bitcast %parallel_loop3A_1226 : vector<16xf32> to vector<16xi32>
        %parallel_loop3A_1228 = arith.constant 32768 : i32
        %parallel_loop3A_1229 = vector.broadcast %parallel_loop3A_1228 : i32 to vector<16xi32>
        %parallel_loop3A_1230 = arith.addi %parallel_loop3A_1227, %parallel_loop3A_1229 : vector<16xi32>
        %parallel_loop3A_1231 = arith.constant -65536 : i32
        %parallel_loop3A_1232 = vector.broadcast %parallel_loop3A_1231 : i32 to vector<16xi32>
        %parallel_loop3A_1233 = arith.andi %parallel_loop3A_1230, %parallel_loop3A_1232 : vector<16xi32>
        %parallel_loop3A_1234 = vector.bitcast %parallel_loop3A_1233 : vector<16xi32> to vector<16xf32>
        %parallel_loop3A_1235 = arith.constant 33152 : i32
        %parallel_loop3A_1236 = arith.addi %parallel_loop3A_1235, %parallel_loop3A_751 : i32
        %parallel_loop3A_1237 = arith.index_cast %parallel_loop3A_1236 : i32 to index
        %parallel_loop3A_1238 = tpu.vector_load %arg7[%parallel_loop3A_1237] {strides = array<i32>} : memref<40960xf32, #tpu.memory_space<vmem>>, vector<16xf32>,
        %parallel_loop3A_1239 = arith.addf %parallel_loop3A_1238, %get3A_415 : vector<16xf32>
        %parallel_loop3A_1240 = vector.bitcast %parallel_loop3A_1239 : vector<16xf32> to vector<16xi32>
        %parallel_loop3A_1241 = arith.constant 32768 : i32
        %parallel_loop3A_1242 = vector.broadcast %parallel_loop3A_1241 : i32 to vector<16xi32>
        %parallel_loop3A_1243 = arith.addi %parallel_loop3A_1240, %parallel_loop3A_1242 : vector<16xi32>
        %parallel_loop3A_1244 = arith.constant -65536 : i32
        %parallel_loop3A_1245 = vector.broadcast %parallel_loop3A_1244 : i32 to vector<16xi32>
        %parallel_loop3A_1246 = arith.andi %parallel_loop3A_1243, %parallel_loop3A_1245 : vector<16xi32>
        %parallel_loop3A_1247 = vector.bitcast %parallel_loop3A_1246 : vector<16xi32> to vector<16xf32>
        %parallel_loop3A_1248 = arith.mulf %parallel_loop3A_1208, %get3A_417 : vector<16xf32>
        %parallel_loop3A_1249 = arith.addf %get3A_457, %parallel_loop3A_1248 : vector<16xf32>
        %parallel_loop3A_1250 = arith.mulf %parallel_loop3A_1221, %get3A_419 : vector<16xf32>
        %parallel_loop3A_1251 = arith.addf %parallel_loop3A_1249, %parallel_loop3A_1250 : vector<16xf32>
        %parallel_loop3A_1252 = arith.mulf %parallel_loop3A_1234, %get3A_421 : vector<16xf32>
        %parallel_loop3A_1253 = arith.addf %parallel_loop3A_1251, %parallel_loop3A_1252 : vector<16xf32>
        %parallel_loop3A_1254 = arith.mulf %parallel_loop3A_1247, %get3A_423 : vector<16xf32>
        %parallel_loop3A_1255 = arith.addf %parallel_loop3A_1253, %parallel_loop3A_1254 : vector<16xf32>
        %parallel_loop3A_1256 = arith.constant 0.000000e+00 : f32
        %parallel_loop3A_1257 = vector.broadcast %parallel_loop3A_1256 : f32 to vector<16xf32>
        %parallel_loop3A_1258 = arith.maximumf %parallel_loop3A_1255, %parallel_loop3A_1257 : vector<16xf32>
        %parallel_loop3A_1259 = arith.mulf %parallel_loop3A_1208, %get3A_425 : vector<16xf32>
        %parallel_loop3A_1260 = arith.addf %get3A_459, %parallel_loop3A_1259 : vector<16xf32>
        %parallel_loop3A_1261 = arith.mulf %parallel_loop3A_1221, %get3A_427 : vector<16xf32>
        %parallel_loop3A_1262 = arith.addf %parallel_loop3A_1260, %parallel_loop3A_1261 : vector<16xf32>
        %parallel_loop3A_1263 = arith.mulf %parallel_loop3A_1234, %get3A_429 : vector<16xf32>
        %parallel_loop3A_1264 = arith.addf %parallel_loop3A_1262, %parallel_loop3A_1263 : vector<16xf32>
        %parallel_loop3A_1265 = arith.mulf %parallel_loop3A_1247, %get3A_431 : vector<16xf32>
        %parallel_loop3A_1266 = arith.addf %parallel_loop3A_1264, %parallel_loop3A_1265 : vector<16xf32>
        %parallel_loop3A_1267 = arith.constant 0.000000e+00 : f32
        %parallel_loop3A_1268 = vector.broadcast %parallel_loop3A_1267 : f32 to vector<16xf32>
        %parallel_loop3A_1269 = arith.maximumf %parallel_loop3A_1266, %parallel_loop3A_1268 : vector<16xf32>
        %parallel_loop3A_1270 = arith.addf %parallel_loop3A_1258, %parallel_loop3A_1269 : vector<16xf32>
        %parallel_loop3A_1271 = arith.mulf %parallel_loop3A_1208, %get3A_433 : vector<16xf32>
        %parallel_loop3A_1272 = arith.addf %get3A_461, %parallel_loop3A_1271 : vector<16xf32>
        %parallel_loop3A_1273 = arith.mulf %parallel_loop3A_1221, %get3A_435 : vector<16xf32>
        %parallel_loop3A_1274 = arith.addf %parallel_loop3A_1272, %parallel_loop3A_1273 : vector<16xf32>
        %parallel_loop3A_1275 = arith.mulf %parallel_loop3A_1234, %get3A_437 : vector<16xf32>
        %parallel_loop3A_1276 = arith.addf %parallel_loop3A_1274, %parallel_loop3A_1275 : vector<16xf32>
        %parallel_loop3A_1277 = arith.mulf %parallel_loop3A_1247, %get3A_439 : vector<16xf32>
        %parallel_loop3A_1278 = arith.addf %parallel_loop3A_1276, %parallel_loop3A_1277 : vector<16xf32>
        %parallel_loop3A_1279 = arith.constant 0.000000e+00 : f32
        %parallel_loop3A_1280 = vector.broadcast %parallel_loop3A_1279 : f32 to vector<16xf32>
        %parallel_loop3A_1281 = arith.maximumf %parallel_loop3A_1278, %parallel_loop3A_1280 : vector<16xf32>
        %parallel_loop3A_1282 = arith.addf %parallel_loop3A_1270, %parallel_loop3A_1281 : vector<16xf32>
        %parallel_loop3A_1283 = arith.mulf %parallel_loop3A_1208, %get3A_441 : vector<16xf32>
        %parallel_loop3A_1284 = arith.addf %get3A_463, %parallel_loop3A_1283 : vector<16xf32>
        %parallel_loop3A_1285 = arith.mulf %parallel_loop3A_1221, %get3A_443 : vector<16xf32>
        %parallel_loop3A_1286 = arith.addf %parallel_loop3A_1284, %parallel_loop3A_1285 : vector<16xf32>
        %parallel_loop3A_1287 = arith.mulf %parallel_loop3A_1234, %get3A_445 : vector<16xf32>
        %parallel_loop3A_1288 = arith.addf %parallel_loop3A_1286, %parallel_loop3A_1287 : vector<16xf32>
        %parallel_loop3A_1289 = arith.mulf %parallel_loop3A_1247, %get3A_447 : vector<16xf32>
        %parallel_loop3A_1290 = arith.addf %parallel_loop3A_1288, %parallel_loop3A_1289 : vector<16xf32>
        %parallel_loop3A_1291 = arith.constant 0.000000e+00 : f32
        %parallel_loop3A_1292 = vector.broadcast %parallel_loop3A_1291 : f32 to vector<16xf32>
        %parallel_loop3A_1293 = arith.maximumf %parallel_loop3A_1290, %parallel_loop3A_1292 : vector<16xf32>
        %parallel_loop3A_1294 = arith.addf %parallel_loop3A_1282, %parallel_loop3A_1293 : vector<16xf32>
        %parallel_loop3A_1295 = arith.mulf %parallel_loop3A_1208, %get3A_449 : vector<16xf32>
        %parallel_loop3A_1296 = arith.addf %get3A_465, %parallel_loop3A_1295 : vector<16xf32>
        %parallel_loop3A_1297 = arith.mulf %parallel_loop3A_1221, %get3A_451 : vector<16xf32>
        %parallel_loop3A_1298 = arith.addf %parallel_loop3A_1296, %parallel_loop3A_1297 : vector<16xf32>
        %parallel_loop3A_1299 = arith.mulf %parallel_loop3A_1234, %get3A_453 : vector<16xf32>
        %parallel_loop3A_1300 = arith.addf %parallel_loop3A_1298, %parallel_loop3A_1299 : vector<16xf32>
        %parallel_loop3A_1301 = arith.mulf %parallel_loop3A_1247, %get3A_455 : vector<16xf32>
        %parallel_loop3A_1302 = arith.addf %parallel_loop3A_1300, %parallel_loop3A_1301 : vector<16xf32>
        %parallel_loop3A_1303 = arith.constant 0.000000e+00 : f32
        %parallel_loop3A_1304 = vector.broadcast %parallel_loop3A_1303 : f32 to vector<16xf32>
        %parallel_loop3A_1305 = arith.maximumf %parallel_loop3A_1302, %parallel_loop3A_1304 : vector<16xf32>
        %parallel_loop3A_1306 = arith.addf %parallel_loop3A_1294, %parallel_loop3A_1305 : vector<16xf32>
        %parallel_loop3A_1307 = arith.cmpf oge, %parallel_loop3A_1195, %parallel_loop3A_1306 : vector<16xf32>
        %parallel_loop3A_1308 = arith.select %parallel_loop3A_1307, %parallel_loop3A_1195, %parallel_loop3A_1306 : vector<16xi1>, vector<16xf32>
        %parallel_loop3A_1309 = arith.select %parallel_loop3A_1307, %broadcast_in_dim3A_472, %broadcast_in_dim3A_474 : vector<16xi1>, vector<16xi32>
        %parallel_loop3A_1310 = arith.select %parallel_loop3A_1307, %parallel_loop3A_1306, %parallel_loop3A_1195 : vector<16xi1>, vector<16xf32>
        %parallel_loop3A_1311 = arith.select %parallel_loop3A_1307, %broadcast_in_dim3A_474, %broadcast_in_dim3A_472 : vector<16xi1>, vector<16xi32>
        %parallel_loop3A_1312 = arith.cmpf oge, %parallel_loop3A_1084, %parallel_loop3A_1308 : vector<16xf32>
        %parallel_loop3A_1313 = arith.select %parallel_loop3A_1312, %parallel_loop3A_1084, %parallel_loop3A_1308 : vector<16xi1>, vector<16xf32>
        %parallel_loop3A_1314 = arith.select %parallel_loop3A_1312, %broadcast_in_dim3A_470, %parallel_loop3A_1309 : vector<16xi1>, vector<16xi32>
        %parallel_loop3A_1315 = arith.select %parallel_loop3A_1312, %parallel_loop3A_1308, %parallel_loop3A_1084 : vector<16xi1>, vector<16xf32>
        %parallel_loop3A_1316 = arith.select %parallel_loop3A_1312, %parallel_loop3A_1309, %broadcast_in_dim3A_470 : vector<16xi1>, vector<16xi32>
        %parallel_loop3A_1317 = arith.cmpf oge, %parallel_loop3A_973, %parallel_loop3A_1313 : vector<16xf32>
        %parallel_loop3A_1318 = arith.select %parallel_loop3A_1317, %parallel_loop3A_973, %parallel_loop3A_1313 : vector<16xi1>, vector<16xf32>
        %parallel_loop3A_1319 = arith.select %parallel_loop3A_1317, %broadcast_in_dim3A_468, %parallel_loop3A_1314 : vector<16xi1>, vector<16xi32>
        %parallel_loop3A_1320 = arith.select %parallel_loop3A_1317, %parallel_loop3A_1313, %parallel_loop3A_973 : vector<16xi1>, vector<16xf32>
        %parallel_loop3A_1321 = arith.select %parallel_loop3A_1317, %parallel_loop3A_1314, %broadcast_in_dim3A_468 : vector<16xi1>, vector<16xi32>
        %parallel_loop3A_1322 = arith.cmpf oge, %parallel_loop3A_862, %parallel_loop3A_1318 : vector<16xf32>
        %parallel_loop3A_1323 = arith.select %parallel_loop3A_1322, %parallel_loop3A_862, %parallel_loop3A_1318 : vector<16xi1>, vector<16xf32>
        %parallel_loop3A_1324 = arith.select %parallel_loop3A_1322, %broadcast_in_dim3A_466, %parallel_loop3A_1319 : vector<16xi1>, vector<16xi32>
        %parallel_loop3A_1325 = arith.select %parallel_loop3A_1322, %parallel_loop3A_1318, %parallel_loop3A_862 : vector<16xi1>, vector<16xf32>
        %parallel_loop3A_1326 = arith.select %parallel_loop3A_1322, %parallel_loop3A_1319, %broadcast_in_dim3A_466 : vector<16xi1>, vector<16xi32>
        %parallel_loop3A_1327 = arith.cmpf oge, %parallel_loop3A_1315, %parallel_loop3A_1310 : vector<16xf32>
        %parallel_loop3A_1328 = arith.select %parallel_loop3A_1327, %parallel_loop3A_1315, %parallel_loop3A_1310 : vector<16xi1>, vector<16xf32>
        %parallel_loop3A_1329 = arith.select %parallel_loop3A_1327, %parallel_loop3A_1316, %parallel_loop3A_1311 : vector<16xi1>, vector<16xi32>
        %parallel_loop3A_1330 = arith.select %parallel_loop3A_1327, %parallel_loop3A_1310, %parallel_loop3A_1315 : vector<16xi1>, vector<16xf32>
        %parallel_loop3A_1331 = arith.select %parallel_loop3A_1327, %parallel_loop3A_1311, %parallel_loop3A_1316 : vector<16xi1>, vector<16xi32>
        %parallel_loop3A_1332 = arith.cmpf oge, %parallel_loop3A_1320, %parallel_loop3A_1328 : vector<16xf32>
        %parallel_loop3A_1333 = arith.select %parallel_loop3A_1332, %parallel_loop3A_1320, %parallel_loop3A_1328 : vector<16xi1>, vector<16xf32>
        %parallel_loop3A_1334 = arith.select %parallel_loop3A_1332, %parallel_loop3A_1321, %parallel_loop3A_1329 : vector<16xi1>, vector<16xi32>
        %parallel_loop3A_1335 = arith.select %parallel_loop3A_1332, %parallel_loop3A_1328, %parallel_loop3A_1320 : vector<16xi1>, vector<16xf32>
        %parallel_loop3A_1336 = arith.select %parallel_loop3A_1332, %parallel_loop3A_1329, %parallel_loop3A_1321 : vector<16xi1>, vector<16xi32>
        %parallel_loop3A_1337 = arith.cmpf oge, %parallel_loop3A_1325, %parallel_loop3A_1333 : vector<16xf32>
        %parallel_loop3A_1338 = arith.select %parallel_loop3A_1337, %parallel_loop3A_1325, %parallel_loop3A_1333 : vector<16xi1>, vector<16xf32>
        %parallel_loop3A_1339 = arith.select %parallel_loop3A_1337, %parallel_loop3A_1326, %parallel_loop3A_1334 : vector<16xi1>, vector<16xi32>
        %parallel_loop3A_1340 = arith.select %parallel_loop3A_1337, %parallel_loop3A_1333, %parallel_loop3A_1325 : vector<16xi1>, vector<16xf32>
        %parallel_loop3A_1341 = arith.select %parallel_loop3A_1337, %parallel_loop3A_1334, %parallel_loop3A_1326 : vector<16xi1>, vector<16xi32>
        %parallel_loop3A_1342 = arith.cmpf oge, %parallel_loop3A_1335, %parallel_loop3A_1330 : vector<16xf32>
        %parallel_loop3A_1343 = arith.select %parallel_loop3A_1342, %parallel_loop3A_1335, %parallel_loop3A_1330 : vector<16xi1>, vector<16xf32>
        %parallel_loop3A_1344 = arith.select %parallel_loop3A_1342, %parallel_loop3A_1336, %parallel_loop3A_1331 : vector<16xi1>, vector<16xi32>
        %parallel_loop3A_1345 = arith.cmpf oge, %parallel_loop3A_1340, %parallel_loop3A_1343 : vector<16xf32>
        %parallel_loop3A_1346 = arith.select %parallel_loop3A_1345, %parallel_loop3A_1340, %parallel_loop3A_1343 : vector<16xi1>, vector<16xf32>
        %parallel_loop3A_1347 = arith.select %parallel_loop3A_1345, %parallel_loop3A_1341, %parallel_loop3A_1344 : vector<16xi1>, vector<16xi32>
        %parallel_loop3A_1348 = arith.constant 0 : i32
        %parallel_loop3A_1349 = arith.addi %parallel_loop3A_1348, %parallel_loop3A_742 : i32
        %parallel_loop3A_1350 = arith.index_cast %parallel_loop3A_1349 : i32 to index
        %parallel_loop3A_1351 = tpu.vector_load %arg9[%parallel_loop3A_1350] {strides = array<i32>} : memref<6144xf32, #tpu.memory_space<vmem>>, vector<16xf32>,
        tpu.vector_store %arg9[%parallel_loop3A_1350], %parallel_loop3A_1323 {strides = array<i32>} : memref<6144xf32, #tpu.memory_space<vmem>>, vector<16xf32>,
        %parallel_loop3A_1352 = arith.constant 0 : i32
        %parallel_loop3A_1353 = arith.addi %parallel_loop3A_1352, %parallel_loop3A_742 : i32
        %parallel_loop3A_1354 = arith.index_cast %parallel_loop3A_1353 : i32 to index
        %parallel_loop3A_1355 = tpu.vector_load %arg11[%parallel_loop3A_1354] {strides = array<i32>} : memref<6144xi32, #tpu.memory_space<vmem>>, vector<16xi32>,
        tpu.vector_store %arg11[%parallel_loop3A_1354], %parallel_loop3A_1324 {strides = array<i32>} : memref<6144xi32, #tpu.memory_space<vmem>>, vector<16xi32>,
        %parallel_loop3A_1356 = arith.constant 2048 : i32
        %parallel_loop3A_1357 = arith.addi %parallel_loop3A_1356, %parallel_loop3A_742 : i32
        %parallel_loop3A_1358 = arith.index_cast %parallel_loop3A_1357 : i32 to index
        %parallel_loop3A_1359 = tpu.vector_load %arg9[%parallel_loop3A_1358] {strides = array<i32>} : memref<6144xf32, #tpu.memory_space<vmem>>, vector<16xf32>,
        tpu.vector_store %arg9[%parallel_loop3A_1358], %parallel_loop3A_1338 {strides = array<i32>} : memref<6144xf32, #tpu.memory_space<vmem>>, vector<16xf32>,
        %parallel_loop3A_1360 = arith.constant 2048 : i32
        %parallel_loop3A_1361 = arith.addi %parallel_loop3A_1360, %parallel_loop3A_742 : i32
        %parallel_loop3A_1362 = arith.index_cast %parallel_loop3A_1361 : i32 to index
        %parallel_loop3A_1363 = tpu.vector_load %arg11[%parallel_loop3A_1362] {strides = array<i32>} : memref<6144xi32, #tpu.memory_space<vmem>>, vector<16xi32>,
        tpu.vector_store %arg11[%parallel_loop3A_1362], %parallel_loop3A_1339 {strides = array<i32>} : memref<6144xi32, #tpu.memory_space<vmem>>, vector<16xi32>,
        %parallel_loop3A_1364 = arith.constant 4096 : i32
        %parallel_loop3A_1365 = arith.addi %parallel_loop3A_1364, %parallel_loop3A_742 : i32
        %parallel_loop3A_1366 = arith.index_cast %parallel_loop3A_1365 : i32 to index
        %parallel_loop3A_1367 = tpu.vector_load %arg9[%parallel_loop3A_1366] {strides = array<i32>} : memref<6144xf32, #tpu.memory_space<vmem>>, vector<16xf32>,
        tpu.vector_store %arg9[%parallel_loop3A_1366], %parallel_loop3A_1346 {strides = array<i32>} : memref<6144xf32, #tpu.memory_space<vmem>>, vector<16xf32>,
        %parallel_loop3A_1368 = arith.constant 4096 : i32
        %parallel_loop3A_1369 = arith.addi %parallel_loop3A_1368, %parallel_loop3A_742 : i32
        %parallel_loop3A_1370 = arith.index_cast %parallel_loop3A_1369 : i32 to index
        %parallel_loop3A_1371 = tpu.vector_load %arg11[%parallel_loop3A_1370] {strides = array<i32>} : memref<6144xi32, #tpu.memory_space<vmem>>, vector<16xi32>,
        tpu.vector_store %arg11[%parallel_loop3A_1370], %parallel_loop3A_1347 {strides = array<i32>} : memref<6144xi32, #tpu.memory_space<vmem>>, vector<16xi32>,
      } {sc.loop_unroll_factor = 1 : i64, sc.parallel_access}
      %add3A_692 = arith.constant 0 : i32
      %add3A_693 = arith.addi %add3A_692, %add3A_688 : i32
      %dma_start3A_694 = arith.constant 0 : i32
      %dma_start3A_695 = tpu.memref_slice %arg9[%dma_start3A_694] : memref<6144xf32, #tpu.memory_space<vmem>> -> memref<2048xf32, #tpu.memory_space<vmem>>
      %dma_start3A_696 = tpu.memref_slice %arg4[%add3A_693] : memref<3145728xf32, #tpu.memory_space<hbm>> -> memref<2048xf32, #tpu.memory_space<hbm>>
      %dma_start3A_697 = tpu.memref_slice %arg4[%add3A_693] : memref<3145728xf32, #tpu.memory_space<hbm>> -> memref<2048xf32, #tpu.memory_space<hbm>>
      %dma_start3A_698 = arith.constant 0 : i32
      %dma_start3A_699 = tpu.memref_slice %arg9[%dma_start3A_698] : memref<6144xf32, #tpu.memory_space<vmem>> -> memref<2048xf32, #tpu.memory_space<vmem>>
      tpu.enqueue_dma source(%dma_start3A_699 : memref<2048xf32, #tpu.memory_space<vmem>>) target(%dma_start3A_697 : memref<2048xf32, #tpu.memory_space<hbm>>) target_semaphore(%arg16 : memref<!tpu.dma_semaphore, #tpu.memory_space<semaphore_mem>>)
      %add3A_700 = arith.constant 0 : i32
      %add3A_701 = arith.addi %add3A_700, %add3A_688 : i32
      %dma_start3A_702 = arith.constant 0 : i32
      %dma_start3A_703 = tpu.memref_slice %arg11[%dma_start3A_702] : memref<6144xi32, #tpu.memory_space<vmem>> -> memref<2048xi32, #tpu.memory_space<vmem>>
      %dma_start3A_704 = tpu.memref_slice %arg5[%add3A_701] : memref<3145728xi32, #tpu.memory_space<hbm>> -> memref<2048xi32, #tpu.memory_space<hbm>>
      %dma_start3A_705 = tpu.memref_slice %arg5[%add3A_701] : memref<3145728xi32, #tpu.memory_space<hbm>> -> memref<2048xi32, #tpu.memory_space<hbm>>
      %dma_start3A_706 = arith.constant 0 : i32
      %dma_start3A_707 = tpu.memref_slice %arg11[%dma_start3A_706] : memref<6144xi32, #tpu.memory_space<vmem>> -> memref<2048xi32, #tpu.memory_space<vmem>>
      tpu.enqueue_dma source(%dma_start3A_707 : memref<2048xi32, #tpu.memory_space<vmem>>) target(%dma_start3A_705 : memref<2048xi32, #tpu.memory_space<hbm>>) target_semaphore(%arg16 : memref<!tpu.dma_semaphore, #tpu.memory_space<semaphore_mem>>)
      %add3A_708 = arith.constant 1048576 : i32
      %add3A_709 = arith.addi %add3A_708, %add3A_688 : i32
      %dma_start3A_710 = arith.constant 2048 : i32
      %dma_start3A_711 = tpu.memref_slice %arg9[%dma_start3A_710] : memref<6144xf32, #tpu.memory_space<vmem>> -> memref<2048xf32, #tpu.memory_space<vmem>>
      %dma_start3A_712 = tpu.memref_slice %arg4[%add3A_709] : memref<3145728xf32, #tpu.memory_space<hbm>> -> memref<2048xf32, #tpu.memory_space<hbm>>
      %dma_start3A_713 = tpu.memref_slice %arg4[%add3A_709] : memref<3145728xf32, #tpu.memory_space<hbm>> -> memref<2048xf32, #tpu.memory_space<hbm>>
      %dma_start3A_714 = arith.constant 2048 : i32
      %dma_start3A_715 = tpu.memref_slice %arg9[%dma_start3A_714] : memref<6144xf32, #tpu.memory_space<vmem>> -> memref<2048xf32, #tpu.memory_space<vmem>>
      tpu.enqueue_dma source(%dma_start3A_715 : memref<2048xf32, #tpu.memory_space<vmem>>) target(%dma_start3A_713 : memref<2048xf32, #tpu.memory_space<hbm>>) target_semaphore(%arg16 : memref<!tpu.dma_semaphore, #tpu.memory_space<semaphore_mem>>)
      %add3A_716 = arith.constant 1048576 : i32
      %add3A_717 = arith.addi %add3A_716, %add3A_688 : i32
      %dma_start3A_718 = arith.constant 2048 : i32
      %dma_start3A_719 = tpu.memref_slice %arg11[%dma_start3A_718] : memref<6144xi32, #tpu.memory_space<vmem>> -> memref<2048xi32, #tpu.memory_space<vmem>>
      %dma_start3A_720 = tpu.memref_slice %arg5[%add3A_717] : memref<3145728xi32, #tpu.memory_space<hbm>> -> memref<2048xi32, #tpu.memory_space<hbm>>
      %dma_start3A_721 = tpu.memref_slice %arg5[%add3A_717] : memref<3145728xi32, #tpu.memory_space<hbm>> -> memref<2048xi32, #tpu.memory_space<hbm>>
      %dma_start3A_722 = arith.constant 2048 : i32
      %dma_start3A_723 = tpu.memref_slice %arg11[%dma_start3A_722] : memref<6144xi32, #tpu.memory_space<vmem>> -> memref<2048xi32, #tpu.memory_space<vmem>>
      tpu.enqueue_dma source(%dma_start3A_723 : memref<2048xi32, #tpu.memory_space<vmem>>) target(%dma_start3A_721 : memref<2048xi32, #tpu.memory_space<hbm>>) target_semaphore(%arg16 : memref<!tpu.dma_semaphore, #tpu.memory_space<semaphore_mem>>)
      %add3A_724 = arith.constant 2097152 : i32
      %add3A_725 = arith.addi %add3A_724, %add3A_688 : i32
      %dma_start3A_726 = arith.constant 4096 : i32
      %dma_start3A_727 = tpu.memref_slice %arg9[%dma_start3A_726] : memref<6144xf32, #tpu.memory_space<vmem>> -> memref<2048xf32, #tpu.memory_space<vmem>>
      %dma_start3A_728 = tpu.memref_slice %arg4[%add3A_725] : memref<3145728xf32, #tpu.memory_space<hbm>> -> memref<2048xf32, #tpu.memory_space<hbm>>
      %dma_start3A_729 = tpu.memref_slice %arg4[%add3A_725] : memref<3145728xf32, #tpu.memory_space<hbm>> -> memref<2048xf32, #tpu.memory_space<hbm>>
      %dma_start3A_730 = arith.constant 4096 : i32
      %dma_start3A_731 = tpu.memref_slice %arg9[%dma_start3A_730] : memref<6144xf32, #tpu.memory_space<vmem>> -> memref<2048xf32, #tpu.memory_space<vmem>>
      tpu.enqueue_dma source(%dma_start3A_731 : memref<2048xf32, #tpu.memory_space<vmem>>) target(%dma_start3A_729 : memref<2048xf32, #tpu.memory_space<hbm>>) target_semaphore(%arg16 : memref<!tpu.dma_semaphore, #tpu.memory_space<semaphore_mem>>)
      %add3A_732 = arith.constant 2097152 : i32
      %add3A_733 = arith.addi %add3A_732, %add3A_688 : i32
      %dma_start3A_734 = arith.constant 4096 : i32
      %dma_start3A_735 = tpu.memref_slice %arg11[%dma_start3A_734] : memref<6144xi32, #tpu.memory_space<vmem>> -> memref<2048xi32, #tpu.memory_space<vmem>>
      %dma_start3A_736 = tpu.memref_slice %arg5[%add3A_733] : memref<3145728xi32, #tpu.memory_space<hbm>> -> memref<2048xi32, #tpu.memory_space<hbm>>
      %dma_start3A_737 = tpu.memref_slice %arg5[%add3A_733] : memref<3145728xi32, #tpu.memory_space<hbm>> -> memref<2048xi32, #tpu.memory_space<hbm>>
      %dma_start3A_738 = arith.constant 4096 : i32
      %dma_start3A_739 = tpu.memref_slice %arg11[%dma_start3A_738] : memref<6144xi32, #tpu.memory_space<vmem>> -> memref<2048xi32, #tpu.memory_space<vmem>>
      tpu.enqueue_dma source(%dma_start3A_739 : memref<2048xi32, #tpu.memory_space<vmem>>) target(%dma_start3A_737 : memref<2048xi32, #tpu.memory_space<hbm>>) target_semaphore(%arg16 : memref<!tpu.dma_semaphore, #tpu.memory_space<semaphore_mem>>)
    }
    %scan3A_532 = arith.constant 8 : i32
    %dma_wait3A = arith.constant 0 : i32
    %dma_wait3A_533 = tpu.memref_slice %arg4[%dma_wait3A] : memref<3145728xf32, #tpu.memory_space<hbm>> -> memref<6144xf32, #tpu.memory_space<hbm>>
    %dma_wait3A_534 = arith.constant 0 : i32
    %dma_wait3A_535 = tpu.memref_slice %arg4[%dma_wait3A_534] : memref<3145728xf32, #tpu.memory_space<hbm>> -> memref<6144xf32, #tpu.memory_space<hbm>>
    tpu.wait_dma2 semaphore(%arg15 : memref<!tpu.dma_semaphore, #tpu.memory_space<semaphore_mem>>) src(%dma_wait3A_535 : memref<6144xf32, #tpu.memory_space<hbm>>) dst(%arg8 : memref<6144xf32, #tpu.memory_space<vmem>>)
    %dma_wait3A_536 = arith.constant 0 : i32
    %dma_wait3A_537 = tpu.memref_slice %arg5[%dma_wait3A_536] : memref<3145728xi32, #tpu.memory_space<hbm>> -> memref<6144xi32, #tpu.memory_space<hbm>>
    %dma_wait3A_538 = arith.constant 0 : i32
    %dma_wait3A_539 = tpu.memref_slice %arg5[%dma_wait3A_538] : memref<3145728xi32, #tpu.memory_space<hbm>> -> memref<6144xi32, #tpu.memory_space<hbm>>
    tpu.wait_dma2 semaphore(%arg15 : memref<!tpu.dma_semaphore, #tpu.memory_space<semaphore_mem>>) src(%dma_wait3A_539 : memref<6144xi32, #tpu.memory_space<hbm>>) dst(%arg10 : memref<6144xi32, #tpu.memory_space<vmem>>)
    %dma_wait3A_540 = arith.constant 0 : i32
    %dma_wait3A_541 = tpu.memref_slice %arg4[%dma_wait3A_540] : memref<3145728xf32, #tpu.memory_space<hbm>> -> memref<6144xf32, #tpu.memory_space<hbm>>
    %dma_wait3A_542 = arith.constant 0 : i32
    %dma_wait3A_543 = tpu.memref_slice %arg4[%dma_wait3A_542] : memref<3145728xf32, #tpu.memory_space<hbm>> -> memref<6144xf32, #tpu.memory_space<hbm>>
    tpu.wait_dma2 semaphore(%arg16 : memref<!tpu.dma_semaphore, #tpu.memory_space<semaphore_mem>>) src(%dma_wait3A_543 : memref<6144xf32, #tpu.memory_space<hbm>>) dst(%arg9 : memref<6144xf32, #tpu.memory_space<vmem>>)
    %dma_wait3A_544 = arith.constant 0 : i32
    %dma_wait3A_545 = tpu.memref_slice %arg5[%dma_wait3A_544] : memref<3145728xi32, #tpu.memory_space<hbm>> -> memref<6144xi32, #tpu.memory_space<hbm>>
    %dma_wait3A_546 = arith.constant 0 : i32
    %dma_wait3A_547 = tpu.memref_slice %arg5[%dma_wait3A_546] : memref<3145728xi32, #tpu.memory_space<hbm>> -> memref<6144xi32, #tpu.memory_space<hbm>>
    tpu.wait_dma2 semaphore(%arg16 : memref<!tpu.dma_semaphore, #tpu.memory_space<semaphore_mem>>) src(%dma_wait3A_547 : memref<6144xi32, #tpu.memory_space<hbm>>) dst(%arg11 : memref<6144xi32, #tpu.memory_space<vmem>>)
    return
  }
}

</mosaic_0001>

<sc_bundles>
// kernel: kernel.3.cloned.1.call-start
scs
__scs_entry_jumppad:
0x0: {  	(pc) =	sbr.rel $0x88, $3  }
0x1: {  	(tag) =	ssettag $0x0;
	lr =	simm.s32 $0x1  }
0x2: {  	[smem:$0x3F9D] =	sst lr;
	_ =	strace $0xD0000000  }
0x3: {  	_ = 	snop  }
0x4: {  	_ = 	snop  }
0x5: {  	_ = 	snop  }
0x6: {  	_ = 	snop  }
0x7: {  	_ = 	snop  }
__scs_overlays_trampoline_lowered:
0x8: {  	[smem:$0x3FAC] =	sst s0  }
0x9: {  	[smem:$0x3FAD] =	sst s1  }
0xa: {  	[smem:$0x3FAE] =	sst s2  }
0xb: {  	[smem:$0x3FAF] =	sst s3  }
0xc: {  	[smem:$0x3FB0] =	sst s4  }
0xd: {  	[smem:$0x3FB1] =	sst s5  }
0xe: {  	[smem:$0x3FB2] =	sst s6  }
0xf: {  	[smem:$0x3FB3] =	sst s7  }
0x10: {  	[smem:$0x3FB4] =	sst s8  }
0x11: {  	[smem:$0x3FB5] =	sst s9;
	s0 =	simm.s32 @!p0 $0x0  }
0x12: {  	s1 =	sld [smem:$0x3F9B];
	s0 =	simm.s32 @p0 $0x1  }
0x13: {  	[smem:$0x3FB6] =	sst s0;
	s0 =	simm.s32 @!p1 $0x0  }
0x14: {  	s2 =	sld [smem:$0x3F9A];
	s0 =	simm.s32 @p1 $0x1  }
0x15: {  	[smem:$0x3FB7] =	sst s0;
	s0 =	simm.s32 @!p2 $0x0  }
0x16: {  	s3 =	sld [smem:$0x3FDB];
	s0 =	simm.s32 @p2 $0x1  }
0x17: {  	s4 =	simm.s32 $0x1BF5;
	[smem:$0x3FB9] =	sst s0  }
0x18: {  	s0 =	sld [smem:$0x3F9C];
	_ =	swait.ge [sflag:s4], $0x0  }
0x19: {  	s7 =	sld [smem:$0x3F9D]  }
0x1a: {  	s8 =	sadd.s32 $0xFFFFE003, lr  }
0x1b: {  	s9 =	sadd.s32 $0xFFFFFEF7, lr;
	s5 =	simm.s32 $0xFFFFFFFF;
	p2 =	slt.u32 s8, $0xFFFFF086  }
0x1c: {  	p1 =	slt.u32 s9, $0xF7A;
	s5 =	simm.s32 @!p2 $0x0  }
0x1d: {  	s5 =	simm.s32 @p1 $0x1;
	p0 =	seq.s32 s7, s2  }
0x1e: {  	s7 =	smul.u32 @!p0 $0xF7A, s2;
	p2 =	seq.s32 @!p0 s5, $0x0  }
0x1f: {  	s9 =	smul.u32 $0xF7A, s1;
	s8 =	simm.s32 @!p0 $0x1BF5;
	p2 =	por !p2, p0  }
0x20: {  	[sflag:s8] =	ssyncset.s32 @!p0 $0xFFFFF086;
	s6 =	sadd.s32 @!p0 s3, s7;
	s7 =	simm.s32 @!p0 $0x108  }
0x21: {  	s3 =	sadd.s32 s3, s9;
	s6 =	sadd.s32 @!p0 $0x88, s6;
	s7 =	simm.s32 @p2 $0x1082  }
0x22: {  	[simem:s7], [sflag:s8] =	dma.local @!p0 [hbm:s6], $0xF7A  }
0x23: {  	s9 =	sor.u32 $0xD0000000, s2;
	s6 =	simm.s32 $0x108;
	_ =	swait.ge @!p0 [sflag:s8], $0x0  }
0x24: {  	s3 =	sadd.s32 $0x88, s3;
	s6 =	simm.s32 @!p1 $0x1082;
	[sflag:s4] =	ssyncset.s32 $0xFFFFF086  }
0x25: {  	[simem:s6], [sflag:s4] =	dma.local [hbm:s3], $0xF7A  }
0x26: {  	[smem:$0x3F9D] =	sst s1;
	(tag) =	ssettag s2;
	_ =	strace s9  }
0x27: {  	s1 =	sld [smem:$0x3FAD]  }
0x28: {  	s2 =	sld [smem:$0x3FAE]  }
0x29: {  	s4 =	sld [smem:$0x3FB0]  }
0x2a: {  	p0 =	seq.s32 s5, $0x0;
	s5 =	sld [smem:$0x3FB1]  }
0x2b: {  	s6 =	sld [smem:$0x3FB2]  }
0x2c: {  	s7 =	sld [smem:$0x3FB3]  }
0x2d: {  	s3 =	simm.s32 $0x108;
	s8 =	sld [smem:$0x3FB4]  }
0x2e: {  	s3 =	simm.s32 @!p0 $0x1082;
	s9 =	sld [smem:$0x3FB5]  }
0x2f: {  	lr =	sadd.s32 s0, s3;
	s0 =	sld [smem:$0x3FAC]  }
0x30: {  	s3 =	sld [smem:$0x3FAF]  }
0x31: {  	[smem:$0x3FB8] =	sst s10  }
0x32: {  	s10 =	sld [smem:$0x3FB6];
	_ =	sdelay $0x3  }
0x33: {  	p0 =	seq.s32 s10, $0x1;
	s10 =	sld [smem:$0x3FB8];
	_ =	sdelay $0x3  }
0x34: {  	[smem:$0x3FB8] =	sst s10  }
0x35: {  	s10 =	sld [smem:$0x3FB7];
	_ =	sdelay $0x3  }
0x36: {  	p1 =	seq.s32 s10, $0x1;
	s10 =	sld [smem:$0x3FB8];
	_ =	sdelay $0x3  }
0x37: {  	[smem:$0x3FB8] =	sst s10  }
0x38: {  	s10 =	sld [smem:$0x3FB9]  }
0x39: {  	_ = 	snop;
	(pc) =	sbr.ind lr, $3  }
0x3a: {  	_ = 	snop  }
0x3b: {  	_ = 	snop  }
0x3c: {  	p2 =	seq.s32 s10, $0x1;
	s10 =	sld [smem:$0x3FB8]  }
0x3d: {  	_ =	shalt  }
0x3e: {  	_ =	shalt  }
0x3f: {  	_ =	shalt  }
0x40: {  	_ =	shalt  }
0x41: {  	_ =	shalt  }
0x42: {  	_ =	shalt  }
0x43: {  	_ =	shalt  }
0x44: {  	_ =	shalt  }
0x45: {  	_ =	shalt  }
0x46: {  	_ =	shalt  }
0x47: {  	_ =	shalt  }
0x48: {  	_ =	shalt  }
0x49: {  	_ =	shalt  }
0x4a: {  	_ =	shalt  }
0x4b: {  	_ =	shalt  }
0x4c: {  	_ =	shalt  }
0x4d: {  	_ =	shalt  }
0x4e: {  	_ =	shalt  }
0x4f: {  	_ =	shalt  }
0x50: {  	_ =	shalt  }
0x51: {  	_ =	shalt  }
0x52: {  	_ =	shalt  }
0x53: {  	_ =	shalt  }
0x54: {  	_ =	shalt  }
0x55: {  	_ =	shalt  }
0x56: {  	_ =	shalt  }
0x57: {  	_ =	shalt  }
0x58: {  	_ =	shalt  }
0x59: {  	_ =	shalt  }
0x5a: {  	_ =	shalt  }
0x5b: {  	_ =	shalt  }
0x5c: {  	_ =	shalt  }
0x5d: {  	_ =	shalt  }
0x5e: {  	_ =	shalt  }
0x5f: {  	_ =	shalt  }
0x60: {  	_ =	shalt  }
0x61: {  	_ =	shalt  }
0x62: {  	_ =	shalt  }
0x63: {  	_ =	shalt  }
0x64: {  	_ =	shalt  }
0x65: {  	_ =	shalt  }
0x66: {  	_ =	shalt  }
0x67: {  	_ =	shalt  }
0x68: {  	_ =	shalt  }
0x69: {  	_ =	shalt  }
0x6a: {  	_ =	shalt  }
0x6b: {  	_ =	shalt  }
0x6c: {  	_ =	shalt  }
0x6d: {  	_ =	shalt  }
0x6e: {  	_ =	shalt  }
0x6f: {  	_ =	shalt  }
0x70: {  	_ =	shalt  }
0x71: {  	_ =	shalt  }
0x72: {  	_ =	shalt  }
0x73: {  	_ =	shalt  }
0x74: {  	_ =	shalt  }
0x75: {  	_ =	shalt  }
0x76: {  	_ =	shalt  }
0x77: {  	_ =	shalt  }
0x78: {  	_ =	shalt  }
0x79: {  	_ =	shalt  }
0x7a: {  	_ =	shalt  }
0x7b: {  	_ =	shalt  }
0x7c: {  	_ =	shalt  }
0x7d: {  	_ =	shalt  }
0x7e: {  	_ =	shalt  }
0x7f: {  	_ =	shalt  }
0x80: {  	_ =	shalt  }
0x81: {  	_ =	shalt  }
0x82: {  	_ =	shalt  }
0x83: {  	_ =	shalt  }
0x84: {  	_ =	shalt  }
0x85: {  	_ =	shalt  }
0x86: {  	_ =	shalt  }
0x87: {  	_ =	shalt  }
.Lfunc_end0:
.L_simem_size_0:
called_computation_lowered:
.L_overlay_start_0:
0x88: {  	s2 =	sld [smem:$0x3FD9]  }
0x89: {  	s3 =	sld [smem:$0x3FFE];
	_ =	sdelay $0x1  }
0x8a: {  	s1 =	srdreg.scid  }
0x8b: {  	s0 =	sand.u32 $0x1, s1  }
0x8c: {  	s14 =	sshll.u32 s0, $0xA;
	s2 =	sadd.s32 s3, s2  }
0x8d: {  	s2 =	sadd.s32 s2, s14  }
0x8e: {  	[smem:$0x3FC4] =	sst s2  }
0x8f: {  	_ = 	snop  }
0x90: {  	s2 =	sld [smem:$0x3FD0];
	_ =	sdelay $0x2  }
0x91: {  	s4 =	simm.s32 $0xA;
	s5 =	simm.s32 $0x10;
	s15 =	sld [smem:$0x3FC9]  }
0x92: {  	[smem:s5], [sflag:s4] =	dma.local [hbm:s2], $0x1  }
0x93: {  	_ =	swait.eq [sflag:s4], $0x1  }
0x94: {  	[sflag:s4] =	ssyncset.done $0x0  }
0x95: {  	s16 =	sld [smem:$0x10];
	[sflag:s4] =	ssyncadd.s32 $0xFFFFFFFF  }
0x96: {  	s17 =	sld [smem:$0x11];
	(tm) =	ssettm $0x1  }
0x97: {  	s18 =	sld [smem:$0x3FFB];
	_ =	sdelay $0x3  }
0x98: {  	_ =	strace s18  }
0x99: {  	s5 =	sld [smem:$0x3FFC];
	_ =	sdelay $0x3  }
0x9a: {  	_ =	strace s5  }
0x9b: {  	s5 =	sld [smem:$0x3FFD];
	_ =	sdelay $0x3  }
0x9c: {  	_ =	strace s5  }
0x9d: {  	_ =	strace $0x8FFFFFFF  }
0x9e: {  	s19 =	sld [smem:$0x3FDB];
	_ =	sdelay $0x1  }
0x9f: {  	s6 =	simm.s32 $_scs_section_size  }
0xa0: {  	s7 =	simm.s32 $_size__tile_overlayer_lowered;
	s8 =	simm.s32 $_tile_overlayer_lowered  }
0xa1: {  	s22 =	simm.s32 $0x1BFF;
	s21 =	sshll.u32 s8, $0x1;
	s5 =	sadd.s32 s6, s19  }
0xa2: {  	s9 =	simm.s32 $0x0;
	s20 =	sshll.u32 s7, $0x1;
	s7 =	sadd.s32 s21, s5  }
0xa3: {  	[timem:s9], [sflag:s22] =	dma.local [hbm:s7], s20  }
0xa4: {  	_ =	swait.ge [sflag:s22], s20  }
0xa5: {  	s6 =	ssub.s32 $0x0, s20;
	[sflag:s22] =	ssyncset.done $0x0  }
0xa6: {  	[sflag:s22] =	ssyncadd.s32 s6;
	_ =	sdelay $0x1  }
0xa7: {  	s23 =	simm.s32 $0x1B8B  }
0xa8: {  	_ =	swait.ge [sflag:s23], $0x1  }
0xa9: {  	[sflag:s23] =	ssyncset.done $0x0  }
0xaa: {  	s25 =	simm.s32 $0x1B8E;
	s24 =	sld [smem:$0x3FFE];
	[sflag:s23] =	ssyncadd.s32 $0xFFFFFFFF  }
0xab: {  	s26 =	simm.s32 $execute0_lowered;
	[smem:$0x3FD2] =	sst s25  }
0xac: {  	s7 =	sshll.u32 s26, $0x1;
	_ =	strace $0x80000046;
	[dreg:$0x1] =	wrdreg $0xFFFFFFFF  }
0xad: {  	s28 =	simm.s32 $_size_execute0_lowered;
	s5 =	sadd.s32 s5, s7;
	[dreg:$0x0] =	wrdreg $0x0  }
0xae: {  	s7 =	sshll.u32 s28, $0x1;
	[dreg:$0x2] =	wrdreg s5  }
0xaf: {  	[dreg:$0x3] =	wrdreg s7  }
0xb0: {  	[dreg:$0x4] =	wrdreg $0xC0  }
0xb1: {  	_ =	task [dreg:s9], $0x5FFFF  }
0xb2: {  	[dreg:$0x1] =	wrdreg $0xFFFFFFFF  }
0xb3: {  	[dreg:$0x0] =	wrdreg $0x60  }
0xb4: {  	[dreg:$0x2] =	wrdreg s15  }
0xb5: {  	[dreg:$0x3] =	wrdreg s16  }
0xb6: {  	[dreg:$0x4] =	wrdreg s17  }
0xb7: {  	[dreg:$0x5] =	wrdreg s24  }
0xb8: {  	[dreg:$0x6] =	wrdreg $0x9  }
0xb9: {  	_ =	task.clear_ibuf [dreg:s9], $0x7FFFF;
	_ =	strace $0x90000046  }
0xba: {  	s29 =	simm.s32 $0x9;
	_ =	strace $0x80000048  }
0xbb: {  	_ =	swait.ge [sflag:s29], $0x1  }
0xbc: {  	[sflag:s29] =	ssyncadd.s32 $0xFFFFFFFF  }
0xbd: {  	_ =	strace $0x90000048  }
0xbe: {  	_ =	sfence  }
0xbf: {  	s30 =	sld [smem:$0x0];
	_ =	sdelay $0x2  }
0xc0: {  	s31 =	sshll.u32 s1, $0xD;
	s1 =	sshrl.u32 s1, $0x2  }
0xc1: {  	s3 =	sand.u32 $0x4000, s31;
	s1 =	sadd.s32 s1, s30  }
0xc2: {  	s0 =	sor.u32 s3, s0;
	s1 =	sshll.u32 s1, $0x11  }
0xc3: {  	s0 =	sor.u32 s1, s0  }
0xc4: {  	s0 =	sadd.s32 $0x8F2B, s0  }
0xc5: {  	[sflag:s0] =	ssyncadd.remote.s32 $0x1  }
0xc6: {  	_ =	sfence.sel $0xFFFF  }
0xc7: {  	[dreg:$0x0] =	wrdreg $0xFFFFFFFF;
	(pc) =	sbr.abs _section_cstart, $3  }
0xc8: {  	[dreg:$0x1] =	wrdreg $0xFFFFFFFF  }
0xc9: {  	_ =	task.clear_ibuf [dreg:s9], $0x2FFFF;
	_ =	strace $0x9FFFFFFF  }
0xca: {  	(tm) =	ssettm $0x7FFFFFFF  }
0xcb: {  	_ =	shalt  }
tec
execute0_lowered:
.L_overlay_start_1:
0x0: {  	(tag) =	ssettag $0x1  }
0x1: {  	s1 =	rddreg [dreg:$0x0]  }
0x2: {  	s4 =	rddreg [dreg:$0x2]  }
0x3: {  	s0 =	rddreg [dreg:$0x3]  }
0x4: {  	s2 =	srdreg.scid;
	s3 =	stileid.u32;
	s5 =	simm.s32 $0x0  }
0x5: {  	s28 =	simm.s32 $0x1;
	s29 =	simm.s32 $0x14000;
	s30 =	simm.s32 $0x17000  }
0x6: {  	s31 =	simm.s32 $0x14800;
	s16 =	simm.s32 $0x2;
	s9 =	simm.s32 $0x4  }
0x7: {  	s10 =	simm.s32 $0x15800;
	s11 =	simm.s32 $0x18800;
	s12 =	simm.s32 $0x16000  }
0x8: {  	s15 =	simm.s32 $0x19000;
	s2 =	sand.u32 $0x1, s2;
	s3 =	sshll.u32 s3, $0x1  }
0x9: {  	s17 =	simm.s32 $0x19800;
	s7 =	ssub.s32 $0x2, s2;
	s2 =	sor.u32 s2, s3  }
0xa: {  	s18 =	simm.s32 $0x0;
	[smem:$0x7FF] =	sst s5;
	s8 =	sshll.u32 s2, $0xE  }
0xb: {  	s6 =	sadd.s32 $0x1400, s0;
	_ =	strace $0x80000047;
	s22 =	sadd.s32 s1, s8  }
0xc: {  	s20 =	sshrl.u32 s7, $0x1;
	s23 =	sadd.s32 $0x80000, s22;
	[dreg:$0x5] =	wrdreg s22  }
0xd: {  	s13 =	sshll.u32 s2, $0xF;
	s24 =	sadd.s32 $0x100000, s22;
	[dreg:$0x6] =	wrdreg s23  }
0xe: {  	s21 =	ssub.s32 s7, s20;
	s25 =	sadd.s32 $0x180000, s22;
	[dreg:$0x7] =	wrdreg s24  }
0xf: {  	s8 =	sshll.u32 s2, $0x11;
	s3 =	sadd.s32 $0x200000, s22;
	[dreg:$0x8] =	wrdreg s25  }
0x10: {  	s2 =	simm.s32 $0x18000;
	s26 =	sor.u32 $0x4000, s8;
	[dreg:$0x9] =	wrdreg s3  }
0x11: {  	s7 =	simm.s32 $0x16800;
	s0 =	smax.u32 s21, $0x1;
	[dreg:$0xa] =	wrdreg s26  }
0x12: {  	[dreg:$0xb] =	wrdreg s0;
	s24 =	simm.s32 $0xE000;
	s25 =	simm.s32 $0x10000  }
0x13: {  	v41 =	vimm.s32 $0x4;
	v42 =	vimm.s32 $0x3;
	s26 =	simm.s32 $0x12000;
	s0 =	simm.s32 $0x17800;
	s3 =	simm.s32 $0x15000  }
.LBB2_1:
0x14: {  	[dreg:$0xc] =	wrdreg s18  }
0x15: {  	s14 =	rddreg [dreg:$0x1];
	s19 =	simm.s32 $0x1A000;
	s20 =	simm.s32 $0x5  }
0x16: {  	[tilespmem:s19], [sflag:$0x5] =	stream.linear.gather [hbm4b:s14+s5], $0x300, $0x38;
	[tilespmem:$0x1A300] =	vst v63  }
0x17: {  	_ =	swait.ge [sflag:s20], $0x300  }
0x18: {  	[sflag:s20] =	ssyncset.done $0x0  }
0x19: {  	[sflag:s20] =	ssyncadd.s32 $0xFFFFFD00  }
0x1a: {  	v3 =	vld [tilespmem:$0x1A140]  }
0x1b: {  	v4 =	vld [tilespmem:$0x1A150]  }
0x1c: {  	v5 =	vld [tilespmem:$0x1A160]  }
0x1d: {  	v6 =	vld [tilespmem:$0x1A170]  }
0x1e: {  	v7 =	vld [tilespmem:$0x1A180]  }
0x1f: {  	v22 =	vld [tilespmem:$0x1A0D0]  }
0x20: {  	v48 =	vld [tilespmem:$0x1A000]  }
0x21: {  	v44 =	vld [tilespmem:$0x1A010]  }
0x22: {  	v45 =	vld [tilespmem:$0x1A020]  }
0x23: {  	v46 =	vld [tilespmem:$0x1A030]  }
0x24: {  	v34 =	vld [tilespmem:$0x1A050];
	[tilespmem:$0x1FD30] =	vst v22  }
0x25: {  	v36 =	vld [tilespmem:$0x1A070];
	[tilespmem:$0x1FDD0] =	vst v48  }
0x26: {  	v38 =	vld [tilespmem:$0x1A090];
	[tilespmem:$0x1FDE0] =	vst v44  }
0x27: {  	v47 =	vld [tilespmem:$0x1A0C0];
	[tilespmem:$0x1FDF0] =	vst v45  }
0x28: {  	v49 =	vld [tilespmem:$0x1A0E0];
	[tilespmem:$0x1FE00] =	vst v46  }
0x29: {  	v50 =	vld [tilespmem:$0x1A0F0];
	[tilespmem:$0x1FE10] =	vst v34  }
0x2a: {  	v53 =	vld [tilespmem:$0x1A100];
	[tilespmem:$0x1FE20] =	vst v36  }
0x2b: {  	v54 =	vld [tilespmem:$0x1A110];
	[tilespmem:$0x1FE30] =	vst v38  }
0x2c: {  	v33 =	vld [tilespmem:$0x1A040];
	[tilespmem:$0x1FE40] =	vst v47  }
0x2d: {  	v35 =	vld [tilespmem:$0x1A060];
	[tilespmem:$0x1FE50] =	vst v49  }
0x2e: {  	v37 =	vld [tilespmem:$0x1A080];
	v0 =	vshrl.u32 v3, $0x10;
	[tilespmem:$0x1FE60] =	vst v50  }
0x2f: {  	v39 =	vld [tilespmem:$0x1A0A0];
	v21 =	vshrl.u32 v4, $0x10;
	[tilespmem:$0x1FE70] =	vst v53;
	v20 =	vand.u32 $0x1, v0  }
0x30: {  	v9 =	vld [tilespmem:$0x1A1A0];
	[tilespmem:$0x1FE80] =	vst v54;
	v3 =	vadd.s32 v20, v3;
	v20 =	vand.u32 $0x1, v21  }
0x31: {  	v40 =	vld [tilespmem:$0x1A0B0];
	[tilespmem:$0x1FFB0] =	vst v33;
	v21 =	vshrl.u32 v6, $0x10;
	v4 =	vadd.s32 v20, v4  }
0x32: {  	v8 =	vld [tilespmem:$0x1A190];
	[tilespmem:$0x1FFC0] =	vst v35;
	v3 =	vadd.s32 $0x7FFF, v3;
	v20 =	vshrl.u32 v5, $0x10;
	v4 =	vadd.s32 $0x7FFF, v4  }
0x33: {  	[tilespmem:$0x1FFD0] =	vst v37;
	v3 =	vand.u32 $0xFFFF0000, v3;
	v20 =	vand.u32 $0x1, v20;
	v4 =	vand.u32 $0xFFFF0000, v4  }
0x34: {  	v10 =	vld [tilespmem:$0x1A1B0];
	[tilespmem:$0x1FFE0] =	vst v39;
	v5 =	vadd.s32 v20, v5;
	v20 =	vand.u32 $0x1, v21;
	v21 =	vshrl.u32 v7, $0x10  }
0x35: {  	v11 =	vld [tilespmem:$0x1A1C0];
	[tilespmem:$0x1A140] =	vst v3;
	v5 =	vadd.s32 $0x7FFF, v5;
	v6 =	vadd.s32 v20, v6;
	v20 =	vand.u32 $0x1, v21  }
0x36: {  	[tilespmem:$0x1FFF0] =	vst v40;
	v21 =	vshrl.u32 v9, $0x10;
	v23 =	vld [tilespmem:$0x1A140];
	v5 =	vand.u32 $0xFFFF0000, v5;
	v7 =	vadd.s32 v20, v7  }
0x37: {  	v12 =	vld [tilespmem:$0x1A1D0];
	[tilespmem:$0x1A150] =	vst v4;
	v6 =	vadd.s32 $0x7FFF, v6;
	v20 =	vshrl.u32 v8, $0x10;
	v7 =	vadd.s32 $0x7FFF, v7  }
0x38: {  	v13 =	vld [tilespmem:$0x1A1E0];
	v6 =	vand.u32 $0xFFFF0000, v6;
	v20 =	vand.u32 $0x1, v20;
	[tilespmem:$0x1A160] =	vst v5;
	v7 =	vand.u32 $0xFFFF0000, v7  }
0x39: {  	v14 =	vld [tilespmem:$0x1A1F0];
	v8 =	vadd.s32 v20, v8;
	v20 =	vand.u32 $0x1, v21;
	v21 =	vshrl.u32 v10, $0x10;
	[tilespmem:$0x1A170] =	vst v6  }
0x3a: {  	v32 =	vld [tilespmem:$0x1A160];
	v8 =	vadd.s32 $0x7FFF, v8;
	v9 =	vadd.s32 v20, v9;
	v20 =	vand.u32 $0x1, v21;
	[tilespmem:$0x1A180] =	vst v7  }
0x3b: {  	v52 =	vld [tilespmem:$0x1A170];
	v8 =	vand.u32 $0xFFFF0000, v8;
	v9 =	vadd.s32 $0x7FFF, v9;
	v10 =	vadd.s32 v20, v10;
	[tilespmem:$0x1FED0] =	vst v23  }
0x3c: {  	v20 =	vshrl.u32 v11, $0x10;
	v9 =	vand.u32 $0xFFFF0000, v9;
	v10 =	vadd.s32 $0x7FFF, v10;
	[tilespmem:$0x1A190] =	vst v8  }
0x3d: {  	v30 =	vld [tilespmem:$0x1A180];
	v20 =	vand.u32 $0x1, v20;
	v10 =	vand.u32 $0xFFFF0000, v10;
	[tilespmem:$0x1A1A0] =	vst v9  }
0x3e: {  	v62 =	vshrl.u32 v14, $0x10;
	v21 =	vshrl.u32 v12, $0x10;
	v11 =	vadd.s32 v20, v11;
	[tilespmem:$0x1A1B0] =	vst v10  }
0x3f: {  	v63 =	vand.u32 $0x1, v62;
	v20 =	vand.u32 $0x1, v21;
	v56 =	vadd.s32 $0x7FFF, v11;
	[tilespmem:$0x1FD40] =	vst v32  }
0x40: {  	v15 =	vld [tilespmem:$0x1A200];
	v21 =	vshrl.u32 v13, $0x10;
	v57 =	vadd.s32 v20, v12;
	v3 =	vand.u32 $0xFFFF0000, v56;
	[tilespmem:$0x1FD50] =	vst v52  }
0x41: {  	v16 =	vld [tilespmem:$0x1A210];
	v5 =	vadd.s32 v63, v14;
	v58 =	vand.u32 $0x1, v21;
	v59 =	vadd.s32 $0x7FFF, v57;
	[tilespmem:$0x1A1C0] =	vst v3  }
0x42: {  	v18 =	vld [tilespmem:$0x1A230];
	v5 =	vadd.s32 $0x7FFF, v5;
	v60 =	vadd.s32 v58, v13;
	v4 =	vand.u32 $0xFFFF0000, v59;
	[tilespmem:$0x1FF00] =	vst v30  }
0x43: {  	v31 =	vld [tilespmem:$0x1A190];
	v61 =	vadd.s32 $0x7FFF, v60;
	v60 =	vand.u32 $0xFFFF0000, v5;
	[tilespmem:$0x1A1D0] =	vst v4  }
0x44: {  	v9 =	vld [tilespmem:$0x1A1A0];
	[tilespmem:$0x1A1F0] =	vst v60  }
0x45: {  	v11 =	vshrl.u32 v15, $0x10;
	v55 =	vand.u32 $0xFFFF0000, v61;
	[tilespmem:$0x1FEC0] =	vst v60  }
0x46: {  	v12 =	vshrl.u32 v16, $0x10;
	v6 =	vand.u32 $0x1, v11;
	[tilespmem:$0x1A1E0] =	vst v55  }
0x47: {  	v17 =	vld [tilespmem:$0x1A220];
	v7 =	vand.u32 $0x1, v12;
	v6 =	vadd.s32 v6, v15;
	[tilespmem:$0x1FE90] =	vst v55  }
0x48: {  	v19 =	vld [tilespmem:$0x1A240];
	v14 =	vadd.s32 v7, v16;
	v13 =	vadd.s32 $0x7FFF, v6;
	[tilespmem:$0x1FFA0] =	vst v31  }
0x49: {  	v2 =	vld [tilespmem:$0x1A250];
	v51 =	vshrl.u32 v18, $0x10;
	v15 =	vadd.s32 $0x7FFF, v14;
	v28 =	vand.u32 $0xFFFF0000, v13;
	[tilespmem:$0x1FD60] =	vst v9  }
0x4a: {  	v56 =	vand.u32 $0x1, v51;
	v12 =	vld [tilespmem:$0x1A1B0];
	v29 =	vand.u32 $0xFFFF0000, v15;
	[tilespmem:$0x1A200] =	vst v28  }
0x4b: {  	v58 =	vld [tilespmem:$0x1A120];
	v4 =	vadd.s32 v56, v18;
	[tilespmem:$0x1A210] =	vst v29  }
0x4c: {  	v57 =	vld [tilespmem:$0x1A150];
	v63 =	vadd.s32 $0x7FFF, v4;
	[tilespmem:$0x1FEF0] =	vst v28  }
0x4d: {  	v1 =	vld [tilespmem:$0x1A260];
	v24 =	vand.u32 $0xFFFF0000, v63;
	[tilespmem:$0x1FF10] =	vst v29  }
0x4e: {  	v0 =	vld [tilespmem:$0x1A270];
	v16 =	vshrl.u32 v17, $0x10;
	[tilespmem:$0x1A230] =	vst v24  }
0x4f: {  	v43 =	vand.u32 $0x1, v16;
	[tilespmem:$0x1FDC0] =	vst v12  }
0x50: {  	v59 =	vld [tilespmem:$0x1A130];
	v3 =	vadd.s32 v43, v17;
	[tilespmem:$0x1FEA0] =	vst v58  }
0x51: {  	v18 =	vld [tilespmem:$0x1A280];
	v3 =	vadd.s32 $0x7FFF, v3;
	[tilespmem:$0x1FEE0] =	vst v57  }
0x52: {  	v11 =	vshrl.u32 v2, $0x10;
	v61 =	vshrl.u32 v19, $0x10;
	v62 =	vand.u32 $0xFFFF0000, v3;
	[tilespmem:$0x1FF90] =	vst v24  }
0x53: {  	v14 =	vshrl.u32 v1, $0x10;
	v16 =	vshrl.u32 v0, $0x10;
	v5 =	vand.u32 $0x1, v61;
	[tilespmem:$0x1FD70] =	vst v62  }
0x54: {  	v13 =	vand.u32 $0x1, v11;
	v15 =	vand.u32 $0x1, v14;
	v8 =	vadd.s32 v5, v19;
	[tilespmem:$0x1A220] =	vst v62  }
0x55: {  	v17 =	vand.u32 $0x1, v16;
	v2 =	vadd.s32 v13, v2;
	v10 =	vadd.s32 $0x7FFF, v8;
	[tilespmem:$0x1FEB0] =	vst v59  }
0x56: {  	v1 =	vadd.s32 v15, v1;
	v2 =	vadd.s32 $0x7FFF, v2;
	v32 =	vand.u32 $0xFFFF0000, v10;
	[tilespmem:$0x1FD80] =	vst v18  }
0x57: {  	v51 =	vld [tilespmem:$0x1A1C0];
	v0 =	vadd.s32 v17, v0;
	v1 =	vadd.s32 $0x7FFF, v1;
	v62 =	vand.u32 $0xFFFF0000, v2;
	[tilespmem:$0x1A240] =	vst v32  }
0x58: {  	v0 =	vadd.s32 $0x7FFF, v0;
	v56 =	vand.u32 $0xFFFF0000, v1;
	[tilespmem:$0x1A250] =	vst v62  }
0x59: {  	v27 =	vand.u32 $0xFFFF0000, v0;
	[tilespmem:$0x1A260] =	vst v56  }
0x5a: {  	[tilespmem:$0x1A270] =	vst v27  }
0x5b: {  	v43 =	vld [tilespmem:$0x1A2A0];
	[tilespmem:$0x1FF20] =	vst v32  }
0x5c: {  	v61 =	vld [tilespmem:$0x1A2C0];
	[tilespmem:$0x1FF30] =	vst v51  }
0x5d: {  	[tilespmem:$0x1FF50] =	vst v62  }
0x5e: {  	v52 =	vld [tilespmem:$0x1A1D0];
	[tilespmem:$0x1FF60] =	vst v56  }
0x5f: {  	s21 =	rddreg [dreg:$0x5];
	v19 =	vld [tilespmem:$0x1A290];
	[tilespmem:$0x1FF70] =	vst v27  }
0x60: {  	[tilespmem:$0x1FDA0] =	vst v43;
	v63 =	vld [tilespmem:$0x1A2B0];
	[tilespmem:s5], [sflag:$0x1] =	stream.linear.gather [hbm4b:s21+s5], $0x2000, $0x38  }
0x61: {  	s23 =	simm.s32 $0x2000;
	s22 =	rddreg [dreg:$0x6];
	[tilespmem:$0x1FDB0] =	vst v61  }
0x62: {  	[tilespmem:s23], [sflag:$0x1] =	stream.linear.gather [hbm4b:s22+s5], $0x2000, $0x38;
	[tilespmem:$0x1A300] =	vst v63  }
0x63: {  	s19 =	simm.s32 $0x4000;
	s18 =	rddreg [dreg:$0x7];
	[tilespmem:$0x1FF40] =	vst v52  }
0x64: {  	[tilespmem:s19], [sflag:$0x1] =	stream.linear.gather [hbm4b:s18+s5], $0x2000, $0x38;
	[tilespmem:$0x1A300] =	vst v63  }
0x65: {  	s20 =	rddreg [dreg:$0x8];
	s21 =	simm.s32 $0x6000;
	[tilespmem:$0x1FD90] =	vst v19  }
0x66: {  	[tilespmem:s21], [sflag:$0x1] =	stream.linear.gather [hbm4b:s20+s5], $0x2000, $0x38;
	[tilespmem:$0x1A300] =	vst v63  }
0x67: {  	[tilespmem:$0x1FF80] =	vst v63;
	s22 =	rddreg [dreg:$0x9];
	s23 =	simm.s32 $0x8000;
	s18 =	simm.s32 $0x0  }
0x68: {  	[tilespmem:s23], [sflag:$0x1] =	stream.linear.gather [hbm4b:s22+s5], $0x2000, $0x38;
	[tilespmem:$0x1A300] =	vst v63  }
.LBB2_2:
0x69: {  	s19 =	sshllo.u32 s18, $0x1  }
0x6a: {  	s14 =	sshll.u32 s19, $0xD  }
0x6b: {  	s14 =	sadd.s32 s8, s14  }
0x6c: {  	s14 =	sshrl.u32 s14, $0x3  }
0x6d: {  	s21 =	simm.s32 $0xA000;
	s20 =	sadd.s32 s1, s14;
	s22 =	sor.u32 $0x80000, s14  }
0x6e: {  	[tilespmem:s21], [sflag:$0x2] =	stream.linear.gather [hbm4b:s20+s5], $0x2000, $0x38;
	[tilespmem:$0x1A300] =	vst v63  }
0x6f: {  	s23 =	simm.s32 $0xC000;
	s20 =	sadd.s32 s1, s22;
	s21 =	sor.u32 $0x100000, s14  }
0x70: {  	[tilespmem:s23], [sflag:$0x2] =	stream.linear.gather [hbm4b:s20+s5], $0x2000, $0x38;
	[tilespmem:$0x1A300] =	vst v63  }
0x71: {  	s22 =	sor.u32 $0x180000, s14;
	s20 =	sadd.s32 s1, s21  }
0x72: {  	[tilespmem:s24], [sflag:$0x2] =	stream.linear.gather [hbm4b:s20+s5], $0x2000, $0x38;
	[tilespmem:$0x1A300] =	vst v63  }
0x73: {  	s14 =	sor.u32 $0x200000, s14;
	s20 =	sadd.s32 s1, s22  }
0x74: {  	[tilespmem:s25], [sflag:$0x2] =	stream.linear.gather [hbm4b:s20+s5], $0x2000, $0x38;
	[tilespmem:$0x1A300] =	vst v63  }
0x75: {  	s14 =	sadd.s32 s1, s14  }
0x76: {  	[tilespmem:s26], [sflag:$0x2] =	stream.linear.gather [hbm4b:s14+s5], $0x2000, $0x38;
	[tilespmem:$0x1A300] =	vst v63  }
0x77: {  	_ =	swait.ge [sflag:s28], $0xA000  }
0x78: {  	p0 =	seq.s32 s18, $0x0;
	[sflag:s28] =	ssyncset.done $0x0  }
0x79: {  	s14 =	simm.s32 @!p0 $0x3;
	[sflag:s28] =	ssyncadd.s32 $0xFFFF6000  }
0x7a: {  	_ =	swait.ge @!p0 [sflag:s14], $0x1800  }
0x7b: {  	[sflag:s14] =	ssyncset.done @!p0 $0x0  }
0x7c: {  	[sflag:s14] =	ssyncadd.s32 @!p0 $0xFFFFE800  }
0x7d: {  	s20 =	simm.s32 $0x0;
	_ =	swait.ge @!p0 [sflag:s14], $0x1800  }
0x7e: {  	s23 =	sand.u32 $0x1E00, s20;
	s22 =	sand.u32 $0x70, s20;
	[sflag:s14] =	ssyncset.done @!p0 $0x0  }
0x7f: {  	s23 =	sor.u32 s22, s23;
	[sflag:s14] =	ssyncadd.s32 @!p0 $0xFFFFE800  }
0x80: {  	v0 =	vld [tilespmem:s23+$0x180]  }
0x81: {  	v1 =	vld [tilespmem:s23+$0x100]  }
0x82: {  	v2 =	vld [tilespmem:s23+$0x2180]  }
0x83: {  	v3 =	vld [tilespmem:s23+$0x80]  }
0x84: {  	v4 =	vld [tilespmem:s23+$0x2100]  }
0x85: {  	v5 =	vld [tilespmem:s23+$0x4180]  }
0x86: {  	v6 =	vld [tilespmem:s23+$0x0]  }
0x87: {  	v7 =	vld [tilespmem:s23+$0x2080]  }
0x88: {  	v8 =	vld [tilespmem:s23+$0x4100]  }
0x89: {  	v9 =	vld [tilespmem:s23+$0x6180]  }
0x8a: {  	v10 =	vld [tilespmem:s23+$0x8180]  }
0x8b: {  	v11 =	vld [tilespmem:s23+$0x2000]  }
0x8c: {  	v12 =	vld [tilespmem:s23+$0x4080]  }
0x8d: {  	v13 =	vld [tilespmem:s23+$0x6100]  }
0x8e: {  	v14 =	vld [tilespmem:s23+$0x8100];
	v1 =	vadd.f32 v1, v45;
	v0 =	vadd.f32 v0, v46  }
0x8f: {  	v15 =	vld [tilespmem:s23+$0x4000];
	v3 =	vadd.f32 v3, v44;
	v16 =	vadd.f32 v2, v36  }
0x90: {  	v18 =	vld [tilespmem:s23+$0x8080];
	v4 =	vadd.f32 v4, v35;
	v5 =	vadd.f32 v5, v40  }
0x91: {  	v20 =	vld [tilespmem:s23+$0x8000];
	v6 =	vadd.f32 v6, v48;
	v19 =	vadd.f32 v7, v34  }
0x92: {  	v8 =	vadd.f32 v8, v39;
	v9 =	vadd.f32 v9, v50  }
0x93: {  	v11 =	vadd.f32 v11, v33;
	v10 =	vadd.f32 v10, v59  }
0x94: {  	v12 =	vadd.f32 v12, v38;
	v13 =	vadd.f32 v13, v49  }
0x95: {  	v17 =	vld [tilespmem:s23+$0x6080];
	v15 =	vadd.f32 v15, v37;
	v2 =	vadd.f32 v14, v58  }
0x96: {  	v7 =	vld [tilespmem:s23+$0x6000];
	v18 =	vadd.f32 v18, v54;
	v20 =	vadd.f32 v20, v53;
	v0 =	vadd.s32 $0x8000, v0  }
0x97: {  	[tilespmem:$0x1FC60] =	vst v2;
	v2 =	vld [tilespmem:$0x1FD30];
	v3 =	vadd.s32 $0x8000, v3;
	v1 =	vadd.s32 $0x8000, v1;
	v16 =	vadd.s32 $0x8000, v16  }
0x98: {  	v22 =	vadd.s32 $0x8000, v6;
	v19 =	vadd.s32 $0x8000, v19;
	v15 =	vadd.s32 $0x8000, v15  }
0x99: {  	v18 =	vadd.s32 $0x8000, v18;
	v20 =	vadd.s32 $0x8000, v20;
	v6 =	vand.u32 $0xFFFF0000, v0  }
0x9a: {  	v0 =	vand.u32 $0xFFFF0000, v3;
	v15 =	vand.u32 $0xFFFF0000, v15;
	v18 =	vand.u32 $0xFFFF0000, v18  }
0x9b: {  	v49 =	vmul.f32 v6, v24;
	v3 =	vmul.f32 v0, v62;
	v21 =	vadd.f32 v7, v47  }
0x9c: {  	v53 =	vmul.f32 v0, v57;
	v17 =	vadd.f32 v17, v2;
	v2 =	vadd.s32 $0x8000, v4  }
0x9d: {  	v59 =	vmul.f32 v15, v32;
	v21 =	vadd.s32 $0x8000, v21;
	[tilespmem:$0x1FC30] =	vst v2;
	v2 =	vadd.s32 $0x8000, v5  }
0x9e: {  	v47 =	vand.u32 $0xFFFF0000, v16;
	v21 =	vand.u32 $0xFFFF0000, v21;
	[tilespmem:$0x1FC40] =	vst v2;
	v2 =	vadd.s32 $0x8000, v8  }
0x9f: {  	v8 =	vand.u32 $0xFFFF0000, v1;
	[tilespmem:$0x1FC90] =	vst v2;
	v2 =	vadd.s32 $0x8000, v9;
	v9 =	vadd.s32 $0x8000, v11  }
0xa0: {  	v7 =	vld [tilespmem:$0x1FDB0];
	v11 =	vadd.s32 $0x8000, v12;
	v1 =	vmul.f32 v8, v56;
	v12 =	vmul.f32 v0, v29  }
0xa1: {  	[tilespmem:$0x1FCF0] =	vst v2;
	v2 =	vadd.s32 $0x8000, v10;
	v10 =	vand.u32 $0xFFFF0000, v22;
	v22 =	vmul.f32 v0, v52  }
0xa2: {  	v17 =	vadd.s32 $0x8000, v17;
	v0 =	vmul.f32 v0, v31;
	[tilespmem:$0x1FC50] =	vst v1;
	v1 =	vmul.f32 v47, v27  }
0xa3: {  	v43 =	vld [tilespmem:$0x1FDA0];
	v9 =	vand.u32 $0xFFFF0000, v9;
	v16 =	vmul.f32 v10, v32;
	v24 =	vmul.f32 v10, v28  }
0xa4: {  	v17 =	vand.u32 $0xFFFF0000, v17;
	v26 =	vmul.f32 v9, v32;
	v54 =	vmul.f32 v10, v51  }
0xa5: {  	v14 =	vmovc v56;
	v59 =	vadd.f32 v59, v7;
	v56 =	vmul.f32 v9, v28;
	v61 =	vmul.f32 v10, v23  }
0xa6: {  	v11 =	vand.u32 $0xFFFF0000, v11;
	v10 =	vmul.f32 v10, v30;
	v5 =	vmul.f32 v9, v51  }
0xa7: {  	[tilespmem:$0x1FC10] =	vst v1;
	v1 =	vadd.s32 $0x8000, v13;
	v24 =	vadd.f32 v24, v63;
	v16 =	vadd.f32 v16, v7  }
0xa8: {  	[tilespmem:$0x1FD00] =	vst v2;
	v13 =	vand.u32 $0xFFFF0000, v19;
	v54 =	vadd.f32 v54, v43;
	v26 =	vadd.f32 v26, v7  }
0xa9: {  	v56 =	vadd.f32 v56, v63;
	[tilespmem:$0x1FCD0] =	vst v1;
	v1 =	vmul.f32 v6, v60;
	v19 =	vmul.f32 v13, v62  }
0xaa: {  	v2 =	vmovc v60;
	v25 =	vmul.f32 v13, v29;
	v60 =	vmul.f32 v17, v62;
	v4 =	vadd.f32 v12, v24  }
0xab: {  	v24 =	vmul.f32 v15, v28;
	v16 =	vadd.f32 v3, v16;
	v3 =	vmul.f32 v21, v32  }
0xac: {  	v12 =	vadd.f32 v25, v56;
	v25 =	vld [tilespmem:$0x1FD90];
	[tilespmem:$0x1FC70] =	vst v4;
	v4 =	vadd.f32 v22, v54;
	v54 =	vmul.f32 v9, v23  }
0xad: {  	v20 =	vand.u32 $0xFFFF0000, v20;
	[tilespmem:$0x1FC20] =	vst v1;
	v9 =	vmul.f32 v9, v30;
	v1 =	vmovc v52;
	v52 =	vmul.f32 v11, v62  }
0xae: {  	v22 =	vld [tilespmem:$0x1FD80];
	v3 =	vadd.f32 v3, v7;
	v62 =	vmul.f32 v18, v62;
	v55 =	vmul.f32 v13, v1  }
0xaf: {  	[tilespmem:$0x1FCA0] =	vst v4;
	v4 =	vadd.f32 v19, v26;
	v26 =	vmul.f32 v20, v32;
	v19 =	vadd.f32 v5, v43  }
0xb0: {  	v32 =	vmul.f32 v15, v51;
	v60 =	vadd.f32 v60, v3;
	v59 =	vadd.f32 v52, v59  }
0xb1: {  	v3 =	vmul.f32 v21, v23;
	v10 =	vadd.f32 v10, v25;
	v26 =	vadd.f32 v26, v7  }
0xb2: {  	v52 =	vmul.f32 v21, v28;
	v7 =	vadd.f32 v55, v19;
	v9 =	vadd.f32 v9, v25  }
0xb3: {  	v55 =	vmul.f32 v20, v51;
	v56 =	vadd.f32 v32, v43;
	v61 =	vadd.f32 v61, v22  }
0xb4: {  	v32 =	vmul.f32 v13, v57;
	v52 =	vadd.f32 v52, v63;
	v3 =	vadd.f32 v3, v22  }
0xb5: {  	[tilespmem:$0x1FCC0] =	vst v12;
	v13 =	vmul.f32 v13, v31;
	v12 =	vadd.f32 v0, v10;
	v10 =	vadd.f32 v54, v22  }
0xb6: {  	v0 =	vmul.f32 v15, v23;
	v54 =	vmul.f32 v21, v51;
	v51 =	vadd.f32 v62, v26  }
0xb7: {  	v5 =	vadd.f32 v53, v61;
	v62 =	vadd.f32 v32, v10;
	v10 =	vmul.f32 v11, v1  }
0xb8: {  	v53 =	vmul.f32 v20, v28;
	v32 =	vadd.f32 v13, v9;
	v9 =	vmul.f32 v17, v29  }
0xb9: {  	v0 =	vadd.f32 v0, v22;
	v28 =	vadd.f32 v10, v56;
	v10 =	vmul.f32 v11, v57  }
0xba: {  	v53 =	vadd.f32 v53, v63;
	v13 =	vadd.f32 v9, v52;
	v9 =	vmul.f32 v18, v29  }
0xbb: {  	v54 =	vadd.f32 v54, v43;
	v26 =	vadd.f32 v10, v0  }
0xbc: {  	v0 =	vmul.f32 v17, v1;
	v19 =	vadd.f32 v9, v53;
	v9 =	vmul.f32 v17, v57;
	_ =	sdelay $0x1  }
0xbd: {  	v61 =	vadd.f32 v0, v54;
	v0 =	vmul.f32 v18, v1;
	v1 =	vadd.f32 v9, v3  }
0xbe: {  	v15 =	vmul.f32 v15, v30  }
0xbf: {  	[tilespmem:$0x1FD20] =	vst v1;
	v1 =	vld [tilespmem:$0x1FC30]  }
0xc0: {  	v58 =	vmul.f32 v11, v29;
	v15 =	vadd.f32 v15, v25;
	v11 =	vmul.f32 v11, v31;
	_ =	sdelay $0x1  }
0xc1: {  	v29 =	vadd.f32 v11, v15;
	v11 =	vadd.f32 v55, v43;
	_ =	sdelay $0x1  }
0xc2: {  	v0 =	vadd.f32 v0, v11;
	v11 =	vand.u32 $0xFFFF0000, v1;
	v1 =	vld [tilespmem:$0x1FC40];
	_ =	sdelay $0x4  }
0xc3: {  	v21 =	vmul.f32 v21, v30;
	v52 =	vand.u32 $0xFFFF0000, v1;
	v1 =	vld [tilespmem:$0x1FC50]  }
0xc4: {  	v10 =	vmul.f32 v20, v23  }
0xc5: {  	v15 =	vmul.f32 v17, v31;
	v3 =	vadd.f32 v21, v25  }
0xc6: {  	v10 =	vadd.f32 v10, v22;
	[tilespmem:$0x1FD10] =	vst v0;
	v0 =	vmul.f32 v18, v57  }
0xc7: {  	v17 =	vmul.f32 v20, v30;
	v30 =	vadd.f32 v15, v3  }
0xc8: {  	v3 =	vadd.f32 v0, v10;
	v10 =	vmul.f32 v11, v14;
	v16 =	vadd.f32 v1, v16;
	v1 =	vld [tilespmem:$0x1FC60]  }
0xc9: {  	v24 =	vadd.f32 v24, v63  }
0xca: {  	v63 =	vadd.f32 v10, v4;
	v4 =	vld [tilespmem:$0x1FDC0]  }
0xcb: {  	v24 =	vadd.f32 v58, v24;
	v58 =	vld [tilespmem:$0x1FD70]  }
0xcc: {  	v54 =	vld [tilespmem:$0x1FD50]  }
0xcd: {  	v15 =	vmul.f32 v18, v31;
	v18 =	vadd.s32 $0x8000, v1;
	v1 =	vld [tilespmem:$0x1FC70];
	_ =	sdelay $0x1  }
0xce: {  	v53 =	vld [tilespmem:$0x1FD40];
	v4 =	vmul.f32 v6, v4  }
0xcf: {  	v9 =	vmul.f32 v8, v58  }
0xd0: {  	[tilespmem:$0x1FCB0] =	vst v4;
	v4 =	vld [tilespmem:$0x1FCC0]  }
0xd1: {  	v0 =	vadd.f32 v17, v25;
	v17 =	vadd.f32 v9, v1;
	v1 =	vmul.f32 v6, v54  }
0xd2: {  	v55 =	vld [tilespmem:$0x1FE90]  }
0xd3: {  	v10 =	vmul.f32 v8, v53;
	v9 =	vmul.f32 v11, v58;
	[tilespmem:$0x1FC80] =	vst v1;
	v1 =	vld [tilespmem:$0x1FC90]  }
0xd4: {  	v43 =	vld [tilespmem:$0x1FD60]  }
0xd5: {  	v50 =	vmul.f32 v6, v27;
	v6 =	vadd.f32 v9, v4;
	v4 =	vadd.f32 v10, v5;
	v5 =	vld [tilespmem:$0x1FCD0];
	_ =	sdelay $0x2  }
0xd6: {  	v0 =	vadd.f32 v15, v0;
	v15 =	vmul.f32 v8, v55;
	v21 =	vand.u32 $0xFFFF0000, v1  }
0xd7: {  	v8 =	vmul.f32 v8, v43;
	v1 =	vld [tilespmem:$0x1FCA0];
	v9 =	vmul.f32 v21, v14  }
0xd8: {  	v2 =	vmul.f32 v47, v2;
	v5 =	vand.u32 $0xFFFF0000, v5  }
0xd9: {  	v23 =	vld [tilespmem:$0x1FF90];
	v10 =	vadd.f32 v9, v59;
	v9 =	vadd.f32 v8, v12;
	v8 =	vmul.f32 v5, v14  }
0xda: {  	v20 =	vand.u32 $0xFFFF0000, v18  }
0xdb: {  	[tilespmem:$0x1FCE0] =	vst v2;
	v2 =	vadd.f32 v8, v60;
	v8 =	vmul.f32 v20, v14  }
0xdc: {  	v1 =	vadd.f32 v15, v1;
	v15 =	vmul.f32 v11, v55  }
0xdd: {  	v22 =	vmul.f32 v20, v58;
	v18 =	vadd.f32 v8, v51;
	v8 =	vmul.f32 v5, v58  }
0xde: {  	v57 =	vmul.f32 v47, v23;
	v7 =	vadd.f32 v15, v7;
	v15 =	vmul.f32 v11, v53  }
0xdf: {  	v60 =	vmul.f32 v11, v43;
	v13 =	vadd.f32 v8, v13;
	v8 =	vadd.f32 v22, v19;
	v19 =	vld [tilespmem:$0x1FD00]  }
0xe0: {  	v56 =	vmul.f32 v21, v58;
	v51 =	vmul.f32 v21, v53;
	v11 =	vadd.f32 v15, v62  }
0xe1: {  	v62 =	vmul.f32 v21, v55;
	v15 =	vadd.f32 v60, v32;
	v32 =	vmul.f32 v52, v23  }
0xe2: {  	v14 =	vld [tilespmem:$0x1FCF0];
	v21 =	vmul.f32 v21, v43;
	v23 =	vmul.f32 v5, v55  }
0xe3: {  	v25 =	vmul.f32 v5, v53;
	v12 =	vadd.f32 v56, v24;
	v24 =	vmul.f32 v5, v43;
	v5 =	vld [tilespmem:$0x1FD10]  }
0xe4: {  	v59 =	vand.u32 $0xFFFF0000, v19;
	v19 =	vadd.f32 v21, v29;
	v21 =	vadd.f32 v23, v61;
	v23 =	vld [tilespmem:$0x1FD20];
	_ =	sdelay $0x1  }
0xe5: {  	v22 =	vadd.f32 v51, v26;
	v26 =	vmul.f32 v20, v55  }
0xe6: {  	v31 =	vmul.f32 v52, v27;
	v56 =	vand.u32 $0xFFFF0000, v14  }
0xe7: {  	v14 =	vadd.f32 v62, v28;
	v62 =	vmul.f32 v56, v27;
	v5 =	vadd.f32 v26, v5  }
0xe8: {  	v26 =	vmul.f32 v20, v43;
	v61 =	vmul.f32 v59, v27;
	v23 =	vadd.f32 v25, v23  }
0xe9: {  	s21 =	simm.s32 $0x0;
	s14 =	simm.s32 $0x10;
	v25 =	vmul.f32 v20, v53;
	v20 =	vadd.f32 v24, v30;
	v24 =	vmul.f32 v47, v54  }
.LBB2_3:
0xea: {  	v28 =	vld [tilespmem:$0x1FDC0]  }
0xeb: {  	v29 =	vld [tilespmem:$0x1FEC0];
	v6 =	vadd.f32 v57, v6  }
0xec: {  	v30 =	vld [tilespmem:$0x1FF90];
	v2 =	vadd.f32 v62, v2;
	v18 =	vadd.f32 v61, v18  }
0xed: {  	v61 =	vmul.f32 v59, v54;
	v3 =	vadd.f32 v25, v3;
	v11 =	vadd.f32 v24, v11  }
0xee: {  	v0 =	vadd.f32 v26, v0;
	v26 =	vld [tilespmem:$0x1FC20];
	v2 =	vmax.f32 v2, $0.0e+00  }
0xef: {  	v6 =	vmax.f32 v6, $0.0e+00;
	v3 =	vadd.f32 v61, v3;
	v11 =	vmax.f32 v11, $0.0e+00  }
0xf0: {  	v17 =	vadd.f32 v49, v17;
	v16 =	vadd.f32 v50, v16;
	v51 =	vmul.f32 v47, v28  }
0xf1: {  	v10 =	vadd.f32 v31, v10;
	v25 =	vmul.f32 v52, v29;
	v60 =	vmul.f32 v56, v30  }
0xf2: {  	v27 =	vmovc v48;
	v31 =	vld [tilespmem:$0x1FC80];
	v12 =	vadd.f32 v32, v12;
	v48 =	vmul.f32 v59, v30;
	v43 =	vmul.f32 v52, v28  }
0xf3: {  	v57 =	vmul.f32 v56, v29;
	v24 =	vmul.f32 v59, v29;
	v1 =	vadd.f32 v26, v1  }
0xf4: {  	v3 =	vmax.f32 v3, $0.0e+00;
	v15 =	vadd.f32 v51, v15;
	v14 =	vadd.f32 v25, v14  }
0xf5: {  	v17 =	vmax.f32 v17, $0.0e+00;
	v13 =	vadd.f32 v60, v13;
	v8 =	vadd.f32 v48, v8  }
0xf6: {  	v26 =	vld [tilespmem:$0x1FC10];
	v25 =	vmul.f32 v56, v54;
	v19 =	vadd.f32 v43, v19;
	v21 =	vadd.f32 v57, v21  }
0xf7: {  	v60 =	vmul.f32 v56, v28;
	v5 =	vadd.f32 v24, v5;
	v4 =	vadd.f32 v31, v4;
	v31 =	vld [tilespmem:$0x1FCB0]  }
0xf8: {  	v1 =	vmax.f32 v1, $0.0e+00;
	v23 =	vadd.f32 v25, v23;
	v25 =	vmul.f32 v59, v28  }
0xf9: {  	v20 =	vadd.f32 v60, v20;
	v15 =	vmax.f32 v15, $0.0e+00;
	v14 =	vmax.f32 v14, $0.0e+00  }
0xfa: {  	v19 =	vmax.f32 v19, $0.0e+00;
	v5 =	vmax.f32 v5, $0.0e+00;
	v13 =	vmax.f32 v13, $0.0e+00  }
0xfb: {  	v26 =	vadd.f32 v26, v63;
	v63 =	vmul.f32 v52, v54;
	v0 =	vadd.f32 v25, v0  }
0xfc: {  	v4 =	vmax.f32 v4, $0.0e+00;
	v23 =	vmax.f32 v23, $0.0e+00;
	v9 =	vadd.f32 v31, v9;
	v31 =	vld [tilespmem:$0x1FCE0]  }
0xfd: {  	v20 =	vmax.f32 v20, $0.0e+00;
	v22 =	vadd.f32 v63, v22;
	v0 =	vmax.f32 v0, $0.0e+00  }
0xfe: {  	v0 =	vadd.f32 v0, v3;
	v3 =	vadd.f32 v15, v11;
	v9 =	vmax.f32 v9, $0.0e+00  }
0xff: {  	v22 =	vmax.f32 v22, $0.0e+00;
	v4 =	vadd.f32 v9, v4;
	v9 =	vadd.f32 v20, v23  }
0x100: {  	v11 =	vadd.f32 v19, v22;
	v0 =	vadd.f32 v0, v5;
	v20 =	vmax.f32 v21, $0.0e+00  }
0x101: {  	v5 =	vmax.f32 v8, $0.0e+00;
	v7 =	vadd.f32 v31, v7;
	v9 =	vadd.f32 v9, v20  }
0x102: {  	s20 =	sadd.s32 $0x40, s20;
	v0 =	vadd.f32 v0, v5;
	v5 =	vmax.f32 v18, $0.0e+00;
	v1 =	vadd.f32 v4, v1  }
0x103: {  	s23 =	sand.u32 $0x70, s14;
	s22 =	sand.u32 $0x1E00, s20;
	v4 =	vadd.f32 v11, v14;
	v7 =	vmax.f32 v7, $0.0e+00;
	v8 =	vadd.f32 v9, v13  }
0x104: {  	s22 =	sor.u32 s23, s22;
	v12 =	vmax.f32 v12, $0.0e+00;
	v0 =	vadd.f32 v0, v5;
	v3 =	vadd.f32 v3, v7  }
0x105: {  	v16 =	vmax.f32 v16, $0.0e+00;
	v25 =	vld [tilespmem:s22+$0x6100];
	v4 =	vadd.f32 v4, v12;
	v2 =	vadd.f32 v8, v2  }
0x106: {  	v15 =	vld [tilespmem:s22+$0x2080];
	v1 =	vadd.f32 v1, v17;
	v8 =	vmax.f32 v10, $0.0e+00;
	v3 =	vadd.f32 v3, v6  }
0x107: {  	v18 =	vld [tilespmem:s22+$0x4100];
	v6 =	vmax.f32 v26, $0.0e+00;
	v4 =	vadd.f32 v4, v8;
	vm0 =	vge.f32 v2, v0  }
0x108: {  	v11 =	vld [tilespmem:s22+$0x2100];
	v3 =	vadd.f32 v3, v6;
	v6 =	vsel vm0, v2, v0;
	v10 =	vsel vm0, $0x4, v42  }
0x109: {  	v20 =	vld [tilespmem:s22+$0x8180];
	v12 =	vsel vm0, $0x3, v41;
	v0 =	vsel vm0, v0, v2;
	vm11 =	vge.f32 v4, v6  }
0x10a: {  	v5 =	vld [tilespmem:s22+$0x100];
	v13 =	vsel vm11, v4, v6;
	v14 =	vsel vm11, $0x2, v12;
	v4 =	vsel vm11, v6, v4  }
0x10b: {  	v9 =	vld [tilespmem:s22+$0x2180];
	v12 =	vnsel vm11, $0x2, v12;
	vm12 =	vge.f32 v3, v13;
	vm1 =	vge.f32 v4, v0  }
0x10c: {  	v7 =	vld [tilespmem:s22+$0x180];
	v1 =	vadd.f32 v1, v16;
	v16 =	vsel vm12, $0x1, v14;
	v17 =	vsel vm1, v10, v12  }
0x10d: {  	v8 =	vld [tilespmem:s22+$0x80];
	v19 =	vsel vm12, v3, v13;
	v14 =	vnsel vm12, $0x1, v14;
	v10 =	vsel vm1, v12, v10  }
0x10e: {  	v2 =	vld [tilespmem:s22+$0x4180];
	v3 =	vsel vm12, v13, v3;
	v13 =	vsel vm1, v4, v0;
	vm13 =	vge.f32 v1, v19  }
0x10f: {  	v6 =	vld [tilespmem:s22+$0x0];
	v0 =	vsel vm1, v0, v4;
	vm2 =	vge.f32 v3, v13;
	v21 =	vnsel vm13, $0x0, v16  }
0x110: {  	v12 =	vld [tilespmem:s22+$0x6180];
	v22 =	vsel vm13, v19, v1;
	v23 =	vsel vm2, v3, v13;
	v3 =	vsel vm2, v13, v3  }
0x111: {  	v4 =	vld [tilespmem:s22+$0x2000];
	v24 =	vsel vm2, v14, v10;
	vm14 =	vge.f32 v22, v23;
	vm3 =	vge.f32 v3, v0  }
0x112: {  	v13 =	vld [tilespmem:s22+$0x4080];
	v10 =	vsel vm2, v10, v14;
	v14 =	vsel vm14, v23, v22;
	v0 =	vsel vm3, v3, v0  }
0x113: {  	v3 =	vld [tilespmem:s22+$0x8100];
	v26 =	vsel vm14, v24, v21;
	v10 =	vsel vm3, v10, v17;
	vm15 =	vge.f32 v14, v0  }
0x114: {  	s23 =	sshra.s32 s21, $0x2;
	v17 =	vld [tilespmem:s22+$0x4000];
	v10 =	vsel vm15, v26, v10  }
0x115: {  	v26 =	vld [tilespmem:s22+$0x6080];
	v0 =	vsel vm15, v14, v0;
	[tilespmem:s23+$0x18000] =	vst v10  }
0x116: {  	v10 =	vadd.f32 v11, v35;
	v11 =	vld [tilespmem:s22+$0x8080];
	[tilespmem:s23+$0x15000] =	vst v0  }
0x117: {  	v14 =	vsel vm14, v22, v23;
	v0 =	vadd.f32 v6, v27;
	v6 =	vadd.f32 v15, v34;
	v15 =	vld [tilespmem:s22+$0x6000]  }
0x118: {  	[tilespmem:s23+$0x14800] =	vst v14;
	v14 =	vadd.f32 v18, v39;
	v18 =	vld [tilespmem:$0x1FE60];
	_ =	sdelay $0x3  }
0x119: {  	v1 =	vsel vm13, v1, v19;
	v19 =	vld [tilespmem:$0x1FEB0]  }
0x11a: {  	v16 =	vsel vm13, $0x0, v16;
	v12 =	vadd.f32 v12, v18;
	v18 =	vld [tilespmem:s22+$0x8000]  }
0x11b: {  	[tilespmem:s23+$0x17000] =	vst v16;
	v16 =	vld [tilespmem:$0x1FEA0];
	_ =	sdelay $0x4  }
0x11c: {  	v19 =	vadd.f32 v20, v19;
	v20 =	vadd.f32 v3, v16;
	v3 =	vld [tilespmem:$0x1FD30];
	_ =	sdelay $0x3  }
0x11d: {  	v21 =	vsel vm14, v21, v24  }
0x11e: {  	[tilespmem:s23+$0x17800] =	vst v21;
	v21 =	vadd.f32 v26, v3;
	v3 =	vld [tilespmem:$0x1FE80];
	_ =	sdelay $0x2  }
0x11f: {  	v7 =	vadd.f32 v7, v46;
	_ =	sdelay $0x1  }
0x120: {  	v22 =	vadd.f32 v11, v3;
	v3 =	vadd.s32 $0x8000, v7;
	v7 =	vld [tilespmem:$0x1FE40];
	_ =	sdelay $0x1  }
0x121: {  	v5 =	vadd.f32 v5, v45;
	[tilespmem:s23+$0x14000] =	vst v1;
	v1 =	vadd.f32 v13, v38;
	v13 =	vld [tilespmem:$0x1FE50];
	_ =	sdelay $0x1  }
0x122: {  	v5 =	vadd.s32 $0x8000, v5;
	v2 =	vadd.f32 v2, v40  }
0x123: {  	v9 =	vadd.f32 v9, v36;
	v5 =	vand.u32 $0xFFFF0000, v5;
	v15 =	vadd.f32 v15, v7;
	v7 =	vld [tilespmem:$0x1FE70]  }
0x124: {  	v8 =	vadd.f32 v8, v44;
	v2 =	vadd.s32 $0x8000, v2;
	v17 =	vadd.f32 v17, v37  }
0x125: {  	v61 =	vld [tilespmem:$0x1FF40];
	v4 =	vadd.f32 v4, v33;
	v19 =	vadd.s32 $0x8000, v19;
	v13 =	vadd.f32 v25, v13  }
0x126: {  	v31 =	vld [tilespmem:$0x1FF70];
	v6 =	vadd.s32 $0x8000, v6;
	v17 =	vadd.s32 $0x8000, v17;
	v23 =	vadd.s32 $0x8000, v1  }
0x127: {  	v51 =	vld [tilespmem:$0x1FEF0];
	v1 =	vadd.s32 $0x8000, v13;
	v11 =	vadd.s32 $0x8000, v14;
	v14 =	vadd.s32 $0x8000, v4  }
0x128: {  	v4 =	vand.u32 $0xFFFF0000, v3;
	v18 =	vadd.f32 v18, v7;
	v7 =	vadd.s32 $0x8000, v8  }
0x129: {  	v43 =	vld [tilespmem:$0x1FF50];
	v8 =	vadd.s32 $0x8000, v9;
	v9 =	vadd.s32 $0x8000, v0;
	v0 =	vmul.f32 v4, v30  }
0x12a: {  	v13 =	vand.u32 $0xFFFF0000, v8;
	v8 =	vand.u32 $0xFFFF0000, v2;
	v2 =	vmul.f32 v4, v54  }
0x12b: {  	v48 =	vld [tilespmem:$0x1FF20];
	v27 =	vand.u32 $0xFFFF0000, v6;
	v17 =	vand.u32 $0xFFFF0000, v17;
	[tilespmem:$0x1FAF0] =	vst v0;
	v0 =	vmul.f32 v4, v31  }
0x12c: {  	v6 =	vand.u32 $0xFFFF0000, v19;
	v37 =	vmul.f32 v27, v61;
	v45 =	vmul.f32 v17, v51;
	[tilespmem:$0x1FC80] =	vst v2  }
0x12d: {  	v23 =	vand.u32 $0xFFFF0000, v23;
	v19 =	vadd.s32 $0x8000, v21;
	v2 =	vmul.f32 v4, v28;
	[tilespmem:$0x1FB00] =	vst v0;
	v0 =	vld [tilespmem:$0x1FF60]  }
0x12e: {  	v34 =	vmul.f32 v23, v43;
	v19 =	vand.u32 $0xFFFF0000, v19;
	v50 =	vadd.s32 $0x8000, v15  }
0x12f: {  	v41 =	vmul.f32 v19, v43;
	v36 =	vand.u32 $0xFFFF0000, v50;
	[tilespmem:$0x1FCB0] =	vst v2;
	v2 =	vmul.f32 v5, v55  }
0x130: {  	v15 =	vmov v40;
	v40 =	vmul.f32 v17, v48;
	v46 =	vmul.f32 v36, v48  }
0x131: {  	v10 =	vadd.s32 $0x8000, v10;
	v50 =	vmul.f32 v36, v51;
	[tilespmem:$0x1FB40] =	vst v2;
	v2 =	vmul.f32 v13, v29  }
0x132: {  	v56 =	vld [tilespmem:$0x1FED0];
	v24 =	vand.u32 $0xFFFF0000, v7;
	v7 =	vand.u32 $0xFFFF0000, v10;
	[tilespmem:$0x1FBE0] =	vst v8;
	v3 =	vmul.f32 v5, v0  }
0x133: {  	v59 =	vld [tilespmem:$0x1FF80];
	v10 =	vmul.f32 v6, v31;
	[tilespmem:$0x1FCE0] =	vst v2;
	v2 =	vmul.f32 v7, v58  }
0x134: {  	v16 =	vmul.f32 v24, v43;
	[tilespmem:$0x1FB10] =	vst v3;
	v3 =	vmul.f32 v13, v31  }
0x135: {  	v11 =	vand.u32 $0xFFFF0000, v11;
	v63 =	vmul.f32 v13, v30;
	[tilespmem:$0x1FB50] =	vst v2;
	v2 =	vmul.f32 v8, v30  }
0x136: {  	v52 =	vld [tilespmem:$0x1FD60];
	v25 =	vand.u32 $0xFFFF0000, v9;
	v21 =	vmul.f32 v24, v61;
	[tilespmem:$0x1FC10] =	vst v3;
	v3 =	vmul.f32 v4, v29  }
0x137: {  	v57 =	vld [tilespmem:$0x1FEE0];
	v54 =	vmul.f32 v25, v56;
	[tilespmem:$0x1FBF0] =	vst v2;
	v2 =	vmul.f32 v11, v0  }
0x138: {  	v45 =	vadd.f32 v45, v59;
	v28 =	vmul.f32 v25, v48;
	[tilespmem:$0x1FC20] =	vst v3;
	v3 =	vmul.f32 v5, v58  }
0x139: {  	v12 =	vadd.s32 $0x8000, v12;
	v30 =	vmul.f32 v25, v51;
	[tilespmem:$0x1FB70] =	vst v2;
	v2 =	vmul.f32 v5, v53  }
0x13a: {  	v29 =	vmul.f32 v27, v43;
	v4 =	vand.u32 $0xFFFF0000, v12;
	[tilespmem:$0x1FB20] =	vst v3;
	v3 =	vmul.f32 v7, v0  }
0x13b: {  	v20 =	vadd.s32 $0x8000, v20;
	v9 =	vmul.f32 v4, v31;
	[tilespmem:$0x1FB60] =	vst v2;
	v2 =	vmul.f32 v5, v52  }
0x13c: {  	v5 =	vand.u32 $0xFFFF0000, v20;
	v20 =	vmul.f32 v24, v57;
	[tilespmem:$0x1FB30] =	vst v3;
	v3 =	vmul.f32 v8, v31  }
0x13d: {  	[tilespmem:$0x1FB80] =	vst v2;
	v31 =	vand.u32 $0xFFFF0000, v14;
	v2 =	vmul.f32 v7, v55;
	v8 =	vand.u32 $0xFFFF0000, v1;
	v55 =	vld [tilespmem:$0x1FF30]  }
0x13e: {  	v18 =	vadd.s32 $0x8000, v18;
	v62 =	vmul.f32 v31, v48;
	v1 =	vmul.f32 v8, v0  }
0x13f: {  	v18 =	vand.u32 $0xFFFF0000, v18;
	v0 =	vmul.f32 v5, v0;
	v47 =	vmul.f32 v31, v56;
	[tilespmem:$0x1FC00] =	vst v3;
	v3 =	vld [tilespmem:$0x1FF10]  }
0x140: {  	v22 =	vadd.s32 $0x8000, v22;
	v48 =	vmul.f32 v18, v48;
	[tilespmem:$0x1FB90] =	vst v2;
	v2 =	vmul.f32 v11, v58;
	v58 =	vld [tilespmem:$0x1FDB0]  }
0x141: {  	v60 =	vld [tilespmem:$0x1FDA0];
	v50 =	vadd.f32 v50, v59;
	[tilespmem:$0x1FBD0] =	vst v0;
	v0 =	vmul.f32 v7, v53;
	v53 =	vmul.f32 v31, v51  }
0x142: {  	v22 =	vand.u32 $0xFFFF0000, v22;
	v12 =	vmovc v35;
	[tilespmem:$0x1FBB0] =	vst v1;
	v1 =	vmul.f32 v18, v51;
	v35 =	vmul.f32 v25, v55  }
0x143: {  	v30 =	vadd.f32 v30, v59;
	[tilespmem:$0x1FBA0] =	vst v2;
	v2 =	vld [tilespmem:$0x1FFA0];
	v44 =	vmul.f32 v31, v55;
	v49 =	vmul.f32 v17, v55  }
0x144: {  	v38 =	vadd.f32 v53, v59;
	v53 =	vmul.f32 v17, v56;
	v1 =	vadd.f32 v1, v59  }
0x145: {  	v59 =	vmul.f32 v18, v56;
	v26 =	vmul.f32 v24, v3;
	v28 =	vadd.f32 v28, v58  }
0x146: {  	[tilespmem:$0x1FBC0] =	vst v0;
	v0 =	vld [tilespmem:$0x1FF00];
	v32 =	vmul.f32 v27, v3;
	v33 =	vadd.f32 v62, v58;
	v35 =	vadd.f32 v35, v60  }
0x147: {  	v14 =	vmovc v39;
	v39 =	vmul.f32 v23, v3;
	v62 =	vld [tilespmem:$0x1FD80];
	v40 =	vadd.f32 v40, v58;
	v44 =	vadd.f32 v44, v60  }
0x148: {  	v51 =	vld [tilespmem:$0x1FD90];
	v46 =	vadd.f32 v46, v58;
	v49 =	vadd.f32 v49, v60;
	v24 =	vmul.f32 v24, v2  }
0x149: {  	v26 =	vadd.f32 v26, v30;
	v16 =	vadd.f32 v16, v28;
	v28 =	vmul.f32 v23, v61  }
0x14a: {  	v21 =	vadd.f32 v21, v35;
	v30 =	vmul.f32 v19, v3;
	v32 =	vadd.f32 v32, v38  }
0x14b: {  	v35 =	vadd.f32 v37, v44;
	v37 =	vadd.f32 v39, v45;
	v25 =	vmul.f32 v25, v0  }
0x14c: {  	v39 =	vadd.f32 v41, v46;
	v17 =	vmul.f32 v17, v0;
	v42 =	vadd.f32 v54, v62  }
0x14d: {  	v25 =	vadd.f32 v25, v51;
	v54 =	vmul.f32 v36, v55;
	v55 =	vmul.f32 v18, v55  }
0x14e: {  	v38 =	vmul.f32 v19, v61;
	v47 =	vadd.f32 v47, v62;
	v17 =	vadd.f32 v17, v51  }
0x14f: {  	v54 =	vadd.f32 v54, v60;
	v55 =	vadd.f32 v55, v60;
	v60 =	vmul.f32 v27, v57  }
0x150: {  	v24 =	vadd.f32 v24, v25;
	v25 =	vmul.f32 v23, v57;
	v23 =	vmul.f32 v23, v2  }
0x151: {  	v27 =	vmul.f32 v27, v2;
	v41 =	vadd.f32 v60, v47;
	v60 =	vmul.f32 v19, v57  }
0x152: {  	v19 =	vmul.f32 v19, v2;
	v23 =	vadd.f32 v23, v17;
	v17 =	vmul.f32 v22, v2;
	v2 =	vld [tilespmem:$0x1FB50]  }
0x153: {  	v48 =	vadd.f32 v48, v58;
	v58 =	vmul.f32 v36, v56;
	v59 =	vadd.f32 v59, v62  }
0x154: {  	v31 =	vmul.f32 v31, v0;
	v36 =	vmul.f32 v36, v0  }
0x155: {  	v18 =	vmul.f32 v18, v0;
	v0 =	vmul.f32 v22, v57  }
0x156: {  	v29 =	vadd.f32 v29, v33;
	v33 =	vadd.f32 v34, v40  }
0x157: {  	v34 =	vmul.f32 v22, v3;
	v3 =	vadd.f32 v0, v59;
	v59 =	vmovc v6;
	v6 =	vadd.f32 v2, v32;
	v2 =	vld [tilespmem:$0x1FB60];
	_ =	sdelay $0x2  }
0x158: {  	v20 =	vadd.f32 v20, v42;
	_ =	sdelay $0x1  }
0x159: {  	v56 =	vmov v4;
	v4 =	vadd.f32 v2, v20;
	v2 =	vld [tilespmem:$0x1FB70];
	_ =	sdelay $0x1  }
0x15a: {  	v44 =	vld [tilespmem:$0x1FDE0]  }
0x15b: {  	v45 =	vld [tilespmem:$0x1FDF0];
	v31 =	vadd.f32 v31, v51  }
0x15c: {  	v43 =	vmul.f32 v22, v43;
	v46 =	vld [tilespmem:$0x1FE00]  }
0x15d: {  	v27 =	vadd.f32 v27, v31;
	v31 =	vmul.f32 v22, v61;
	v61 =	vmovc v10;
	v10 =	vadd.f32 v2, v33;
	v2 =	vld [tilespmem:$0x1FB80]  }
0x15e: {  	v40 =	vadd.f32 v43, v48;
	v48 =	vld [tilespmem:$0x1FDD0]  }
0x15f: {  	v53 =	vadd.f32 v53, v62;
	v0 =	vld [tilespmem:$0x1FB10]  }
0x160: {  	v34 =	vadd.f32 v34, v1;
	v1 =	vld [tilespmem:$0x1FB20]  }
0x161: {  	v25 =	vadd.f32 v25, v53;
	v53 =	vld [tilespmem:$0x1FD40]  }
0x162: {  	v58 =	vadd.f32 v58, v62;
	v62 =	vmov v9;
	v9 =	vadd.f32 v2, v24;
	v2 =	vld [tilespmem:$0x1FB90]  }
0x163: {  	v18 =	vadd.f32 v18, v51;
	v47 =	vmov v13;
	v13 =	vld [tilespmem:$0x1FBD0]  }
0x164: {  	v42 =	vadd.f32 v60, v58;
	v58 =	vld [tilespmem:$0x1FD70];
	v16 =	vadd.f32 v0, v16  }
0x165: {  	v0 =	vadd.f32 v17, v18;
	v17 =	vadd.f32 v1, v26;
	v1 =	vld [tilespmem:$0x1FB30]  }
0x166: {  	v31 =	vadd.f32 v31, v55;
	v55 =	vld [tilespmem:$0x1FE90]  }
0x167: {  	v22 =	vmul.f32 v7, v52;
	v7 =	vadd.f32 v2, v35;
	v2 =	vld [tilespmem:$0x1FBA0]  }
0x168: {  	v28 =	vadd.f32 v28, v49;
	v49 =	vld [tilespmem:$0x1FAF0];
	v36 =	vadd.f32 v36, v51  }
0x169: {  	v30 =	vadd.f32 v30, v50;
	v50 =	vld [tilespmem:$0x1FB00];
	v38 =	vadd.f32 v38, v54  }
0x16a: {  	v57 =	vmov v63;
	v36 =	vadd.f32 v19, v36;
	v63 =	vadd.f32 v1, v29;
	v1 =	vld [tilespmem:$0x1FB40]  }
0x16b: {  	v54 =	vld [tilespmem:$0x1FD50];
	v18 =	vadd.f32 v13, v40;
	v40 =	vmovc v15;
	v15 =	vadd.f32 v22, v27;
	v26 =	vmul.f32 v8, v58  }
0x16c: {  	v19 =	vmul.f32 v11, v55;
	v20 =	vmul.f32 v11, v53;
	v35 =	vmovc v12;
	v12 =	vadd.f32 v2, v37;
	v2 =	vld [tilespmem:$0x1FBB0]  }
0x16d: {  	v32 =	vld [tilespmem:$0x1FBF0];
	v60 =	vmul.f32 v5, v55;
	v13 =	vadd.f32 v26, v30;
	v26 =	vmul.f32 v5, v52  }
0x16e: {  	v22 =	vadd.f32 v20, v25;
	v25 =	vmul.f32 v5, v53;
	v24 =	vmul.f32 v11, v52;
	v11 =	vld [tilespmem:$0x1FBC0]  }
0x16f: {  	v1 =	vadd.f32 v1, v21;
	v21 =	vmul.f32 v5, v58;
	v5 =	vadd.f32 v60, v31;
	v31 =	vld [tilespmem:$0x1FC00]  }
0x170: {  	p1 =	sne.s32 s14, $0x7F0;
	v33 =	vld [tilespmem:$0x1FFB0]  }
.Ltmp0:
0x171: {  	v27 =	vmul.f32 v8, v53;
	v29 =	vmul.f32 v8, v55;
	v37 =	vld [tilespmem:$0x1FFD0];
	v2 =	vadd.f32 v2, v39;
	(pc) =	sbr.rel @p1 .LBB2_3-.Ltmp0, $4  }
0x172: {  	v39 =	vmovc v14;
	v14 =	vadd.f32 v19, v28;
	v28 =	vmul.f32 v8, v52;
	v8 =	vadd.f32 v21, v34;
	v34 =	vld [tilespmem:$0x1FE10]  }
0x173: {  	v11 =	vadd.f32 v11, v41;
	v21 =	vadd.f32 v29, v38;
	v38 =	vld [tilespmem:$0x1FE30]  }
0x174: {  	v41 =	vimm.s32 $0x4;
	v19 =	vadd.f32 v24, v23;
	v52 =	vld [tilespmem:$0x1FBE0];
	v24 =	vmul.f32 v47, v54  }
0x175: {  	s14 =	sadd.s32 $0x10, s14;
	s21 =	smov.u32 s20;
	v23 =	vadd.f32 v27, v42;
	v42 =	vimm.s32 $0x3;
	v20 =	vadd.f32 v28, v36;
	v36 =	vld [tilespmem:$0x1FE20]  }
0x176: {  	v43 =	vld [tilespmem:$0x1FDC0];
	v3 =	vadd.f32 v25, v3  }
0x177: {  	v0 =	vadd.f32 v26, v0;
	v17 =	vadd.f32 v49, v17;
	v58 =	vld [tilespmem:$0x1FEC0]  }
0x178: {  	v16 =	vadd.f32 v50, v16;
	v26 =	vld [tilespmem:$0x1FC20];
	v6 =	vadd.f32 v57, v6  }
0x179: {  	v10 =	vadd.f32 v31, v10;
	v30 =	vld [tilespmem:$0x1FC80];
	v11 =	vadd.f32 v24, v11  }
0x17a: {  	v51 =	vld [tilespmem:$0x1FCE0];
	v12 =	vadd.f32 v32, v12;
	v2 =	vadd.f32 v62, v2  }
0x17b: {  	v18 =	vadd.f32 v61, v18;
	v17 =	vmax.f32 v17, $0.0e+00;
	v11 =	vmax.f32 v11, $0.0e+00  }
0x17c: {  	v12 =	vmax.f32 v12, $0.0e+00;
	v2 =	vmax.f32 v2, $0.0e+00;
	v50 =	vmul.f32 v52, v54  }
0x17d: {  	v6 =	vmax.f32 v6, $0.0e+00;
	v27 =	vmul.f32 v47, v43;
	v25 =	vmul.f32 v52, v58  }
0x17e: {  	v1 =	vadd.f32 v26, v1;
	v4 =	vadd.f32 v30, v4;
	v53 =	vmul.f32 v52, v43  }
0x17f: {  	v7 =	vadd.f32 v51, v7;
	v57 =	vmul.f32 v56, v58;
	v24 =	vmul.f32 v59, v58  }
0x180: {  	v26 =	vld [tilespmem:$0x1FC10];
	v22 =	vadd.f32 v50, v22;
	v58 =	vmul.f32 v59, v54;
	v15 =	vadd.f32 v27, v15  }
0x181: {  	v14 =	vadd.f32 v25, v14;
	v25 =	vmul.f32 v56, v54;
	v19 =	vadd.f32 v53, v19  }
0x182: {  	v47 =	vld [tilespmem:$0x1FF90];
	v27 =	vmul.f32 v56, v43;
	v21 =	vadd.f32 v57, v21;
	v5 =	vadd.f32 v24, v5  }
0x183: {  	v3 =	vadd.f32 v58, v3;
	v4 =	vmax.f32 v4, $0.0e+00;
	v7 =	vmax.f32 v7, $0.0e+00  }
0x184: {  	v22 =	vmax.f32 v22, $0.0e+00;
	v23 =	vadd.f32 v25, v23;
	v25 =	vmul.f32 v59, v43  }
0x185: {  	v20 =	vadd.f32 v27, v20;
	v15 =	vmax.f32 v15, $0.0e+00;
	v26 =	vadd.f32 v26, v63;
	v63 =	vld [tilespmem:$0x1FCB0]  }
0x186: {  	v14 =	vmax.f32 v14, $0.0e+00;
	v19 =	vmax.f32 v19, $0.0e+00;
	v3 =	vmax.f32 v3, $0.0e+00  }
0x187: {  	v28 =	vmul.f32 v56, v47;
	v29 =	vmul.f32 v59, v47;
	v0 =	vadd.f32 v25, v0  }
0x188: {  	v61 =	vmax.f32 v21, $0.0e+00;
	v62 =	vadd.f32 v15, v11;
	v23 =	vmax.f32 v23, $0.0e+00  }
0x189: {  	v13 =	vadd.f32 v28, v13;
	v8 =	vadd.f32 v29, v8;
	v0 =	vmax.f32 v0, $0.0e+00  }
0x18a: {  	v20 =	vmax.f32 v20, $0.0e+00;
	v0 =	vadd.f32 v0, v3;
	v9 =	vadd.f32 v63, v9  }
0x18b: {  	v5 =	vmax.f32 v5, $0.0e+00;
	v59 =	vadd.f32 v20, v23;
	v3 =	vadd.f32 v62, v7  }
0x18c: {  	v63 =	vadd.f32 v19, v22;
	v0 =	vadd.f32 v0, v5;
	v9 =	vmax.f32 v9, $0.0e+00  }
0x18d: {  	v13 =	vmax.f32 v13, $0.0e+00;
	v4 =	vadd.f32 v9, v4;
	v9 =	vadd.f32 v59, v61  }
0x18e: {  	v19 =	vmax.f32 v8, $0.0e+00;
	v3 =	vadd.f32 v3, v6;
	v15 =	vadd.f32 v63, v14  }
0x18f: {  	v1 =	vmax.f32 v1, $0.0e+00;
	v0 =	vadd.f32 v0, v19;
	v20 =	vadd.f32 v9, v13  }
0x190: {  	v21 =	vmax.f32 v18, $0.0e+00;
	v1 =	vadd.f32 v4, v1;
	v4 =	vadd.f32 v15, v12  }
0x191: {  	v16 =	vmax.f32 v16, $0.0e+00;
	v0 =	vadd.f32 v0, v21;
	v2 =	vadd.f32 v20, v2  }
0x192: {  	v23 =	vmax.f32 v10, $0.0e+00;
	v22 =	vmax.f32 v26, $0.0e+00;
	v1 =	vadd.f32 v1, v17  }
0x193: {  	v3 =	vadd.f32 v3, v22;
	v4 =	vadd.f32 v4, v23;
	vm0 =	vge.f32 v2, v0  }
0x194: {  	v1 =	vadd.f32 v1, v16;
	v28 =	vsel vm0, v2, v0;
	v29 =	vsel vm0, $0x4, v42  }
0x195: {  	v30 =	vsel vm0, $0x3, v41;
	v0 =	vsel vm0, v0, v2;
	vm11 =	vge.f32 v4, v28  }
0x196: {  	v31 =	vsel vm11, v4, v28;
	v32 =	vsel vm11, $0x2, v30;
	v4 =	vsel vm11, v28, v4  }
0x197: {  	v43 =	vnsel vm11, $0x2, v30;
	vm12 =	vge.f32 v3, v31;
	vm1 =	vge.f32 v4, v0  }
0x198: {  	v49 =	vsel vm12, $0x1, v32;
	v50 =	vsel vm1, v29, v43;
	v51 =	vsel vm12, v3, v31  }
0x199: {  	v8 =	vnsel vm12, $0x1, v32;
	v5 =	vsel vm1, v43, v29;
	v2 =	vsel vm12, v31, v3  }
0x19a: {  	v52 =	vsel vm1, v4, v0;
	v0 =	vsel vm1, v0, v4;
	vm13 =	vge.f32 v1, v51  }
0x19b: {  	vm14 =	vge.f32 v2, v52;
	v53 =	vnsel vm13, $0x0, v49;
	v54 =	vsel vm13, v51, v1  }
0x19c: {  	v56 =	vsel vm14, v2, v52;
	v2 =	vsel vm14, v52, v2;
	v57 =	vsel vm14, v8, v5  }
0x19d: {  	s14 =	sshra.s32 s21, $0x2;
	v5 =	vsel vm14, v5, v8;
	v1 =	vsel vm13, v1, v51;
	vm2 =	vge.f32 v54, v56  }
0x19e: {  	v60 =	vld [tilespmem:$0x1FFA0];
	v63 =	vsel vm13, $0x0, v49;
	vm3 =	vge.f32 v2, v0;
	[tilespmem:s14+$0x14000] =	vst v1;
	v58 =	vsel vm2, v56, v54  }
0x19f: {  	[tilespmem:s14+$0x17000] =	vst v63;
	v0 =	vsel vm3, v2, v0;
	v59 =	vsel vm2, v57, v53;
	v61 =	vsel vm2, v54, v56  }
0x1a0: {  	s20 =	sshll.u32 s18, $0xC;
	v5 =	vsel vm3, v5, v50;
	v62 =	vsel vm2, v53, v57;
	vm15 =	vge.f32 v58, v0;
	[tilespmem:s14+$0x14800] =	vst v61  }
0x1a1: {  	s20 =	sadd.s32 s13, s20;
	[tilespmem:s14+$0x17800] =	vst v62;
	v2 =	vsel vm15, v59, v5  }
0x1a2: {  	s20 =	sshrl.u32 s20, $0x3;
	v0 =	vsel vm15, v58, v0;
	[tilespmem:s14+$0x18000] =	vst v2  }
0x1a3: {  	s21 =	sadd.s32 s4, s20;
	[tilespmem:s14+$0x15000] =	vst v0  }
0x1a4: {  	[hbm4b:s21+s5] =	stream.linear.scatter [tilespmem:s29], [sflag:$0x3], $0x800, $0x38;
	[tilespmem:$0x1A300] =	vst v63  }
0x1a5: {  	s22 =	sadd.s32 s6, s20;
	s23 =	sor.u32 $0x20000, s20  }
0x1a6: {  	[hbm4b:s22+s5] =	stream.linear.scatter [tilespmem:s30], [sflag:$0x3], $0x800, $0x38;
	[tilespmem:$0x1A300] =	vst v63  }
0x1a7: {  	s22 =	sadd.s32 s4, s23  }
0x1a8: {  	[hbm4b:s22+s5] =	stream.linear.scatter [tilespmem:s31], [sflag:$0x3], $0x800, $0x38;
	[tilespmem:$0x1A300] =	vst v63  }
0x1a9: {  	p1 =	sne.s32 s18, $0x7;
	s14 =	sadd.s32 s6, s23  }
0x1aa: {  	[hbm4b:s14+s5] =	stream.linear.scatter [tilespmem:s0], [sflag:$0x3], $0x800, $0x38;
	[tilespmem:$0x1A300] =	vst v63  }
.Ltmp1:
0x1ab: {  	s23 =	sor.u32 $0x40000, s20;
	(pc) =	sbr.rel @p1 .LBB2_6-.Ltmp1, $4  }
0x1ac: {  	s20 =	sadd.s32 s4, s23  }
0x1ad: {  	[hbm4b:s20+s5] =	stream.linear.scatter [tilespmem:s3], [sflag:$0x3], $0x800, $0x38;
	[tilespmem:$0x1A300] =	vst v63  }
0x1ae: {  	s14 =	sadd.s32 s6, s23  }
0x1af: {  	v24 =	vmov v47;
	[hbm4b:s14+s5] =	stream.linear.scatter [tilespmem:s2], [sflag:$0x3], $0x800, $0x38;
	[tilespmem:$0x1A300] =	vst v63  }
0x1b0: {  	_ =	swait.ge [sflag:s16], $0xA000  }
0x1b1: {  	v47 =	vld [tilespmem:$0x1FE40]  }
0x1b2: {  	v21 =	vld [tilespmem:$0x1FD30]  }
0x1b3: {  	v49 =	vld [tilespmem:$0x1FE50]  }
0x1b4: {  	v50 =	vld [tilespmem:$0x1FE60]  }
0x1b5: {  	v53 =	vld [tilespmem:$0x1FE70]  }
0x1b6: {  	v54 =	vld [tilespmem:$0x1FE80]  }
0x1b7: {  	v58 =	vld [tilespmem:$0x1FEA0]  }
.Ltmp2:
0x1b8: {  	v59 =	vld [tilespmem:$0x1FEB0];
	(pc) =	sbr.rel .LBB2_7-.Ltmp2, $4  }
0x1b9: {  	v27 =	vld [tilespmem:$0x1FD80]  }
0x1ba: {  	v28 =	vld [tilespmem:$0x1FF50]  }
0x1bb: {  	[sflag:s16] =	ssyncset.done $0x0;
	v43 =	vld [tilespmem:$0x1FD90]  }
0x1bc: {  	v25 =	vld [tilespmem:$0x1FDA0];
	[sflag:s16] =	ssyncadd.s32 $0xFFFF6000  }
.LBB2_6:
0x1bd: {  	s14 =	sshll.u32 s18, $0xE;
	s20 =	rddreg [dreg:$0xa]  }
0x1be: {  	s14 =	sadd.s32 s14, s20  }
0x1bf: {  	s14 =	sshrl.u32 s14, $0x3  }
0x1c0: {  	s20 =	sadd.s32 s1, s14  }
0x1c1: {  	[tilespmem:s5], [sflag:$0x1] =	stream.linear.gather [hbm4b:s20+s5], $0x2000, $0x38;
	[tilespmem:$0x1A300] =	vst v63  }
0x1c2: {  	s22 =	simm.s32 $0x2000;
	s21 =	sadd.s32 $0x80000, s20  }
0x1c3: {  	[tilespmem:s22], [sflag:$0x1] =	stream.linear.gather [hbm4b:s21+s5], $0x2000, $0x38;
	[tilespmem:$0x1A300] =	vst v63  }
0x1c4: {  	s22 =	sor.u32 $0x100000, s14  }
0x1c5: {  	s23 =	simm.s32 $0x4000;
	s21 =	sadd.s32 s1, s22  }
0x1c6: {  	[tilespmem:s23], [sflag:$0x1] =	stream.linear.gather [hbm4b:s21+s5], $0x2000, $0x38;
	[tilespmem:$0x1A300] =	vst v63  }
0x1c7: {  	s20 =	sadd.s32 $0x180000, s20;
	s14 =	sor.u32 $0x200000, s14;
	s22 =	simm.s32 $0x6000  }
0x1c8: {  	[tilespmem:s22], [sflag:$0x1] =	stream.linear.gather [hbm4b:s20+s5], $0x2000, $0x38;
	[tilespmem:$0x1A300] =	vst v63  }
0x1c9: {  	s14 =	sadd.s32 s1, s14;
	s23 =	simm.s32 $0x8000  }
0x1ca: {  	[tilespmem:s23], [sflag:$0x1] =	stream.linear.gather [hbm4b:s14+s5], $0x2000, $0x38;
	[tilespmem:$0x1A300] =	vst v63  }
0x1cb: {  	_ =	swait.ge [sflag:s16], $0xA000  }
0x1cc: {  	v47 =	vld [tilespmem:$0x1FE40]  }
0x1cd: {  	v21 =	vld [tilespmem:$0x1FD30]  }
0x1ce: {  	v49 =	vld [tilespmem:$0x1FE50]  }
0x1cf: {  	v50 =	vld [tilespmem:$0x1FE60]  }
0x1d0: {  	v53 =	vld [tilespmem:$0x1FE70]  }
0x1d1: {  	v54 =	vld [tilespmem:$0x1FE80]  }
0x1d2: {  	v58 =	vld [tilespmem:$0x1FEA0]  }
.Ltmp3:
0x1d3: {  	v59 =	vld [tilespmem:$0x1FEB0];
	(pc) =	sbr.rel @p0 .LBB2_8-.Ltmp3, $4  }
0x1d4: {  	v27 =	vld [tilespmem:$0x1FD80]  }
0x1d5: {  	v28 =	vld [tilespmem:$0x1FF50]  }
0x1d6: {  	[sflag:s16] =	ssyncset.done $0x0;
	v43 =	vld [tilespmem:$0x1FD90]  }
0x1d7: {  	v25 =	vld [tilespmem:$0x1FDA0];
	[sflag:s16] =	ssyncadd.s32 $0xFFFF6000  }
.LBB2_7:
0x1d8: {  	_ =	swait.ge [sflag:s9], $0x1800  }
0x1d9: {  	[sflag:s9] =	ssyncset.done $0x0  }
0x1da: {  	[sflag:s9] =	ssyncadd.s32 $0xFFFFE800  }
0x1db: {  	_ =	swait.ge [sflag:s9], $0x1800  }
0x1dc: {  	[sflag:s9] =	ssyncset.done $0x0  }
0x1dd: {  	[sflag:s9] =	ssyncadd.s32 $0xFFFFE800  }
.LBB2_8:
0x1de: {  	s20 =	simm.s32 $0x0  }
0x1df: {  	s14 =	sand.u32 $0x1E00, s20;
	s21 =	sand.u32 $0x70, s20  }
0x1e0: {  	s14 =	sor.u32 s21, s14  }
0x1e1: {  	v0 =	vld [tilespmem:s14+$0xA180]  }
0x1e2: {  	v1 =	vld [tilespmem:s14+$0xA100]  }
0x1e3: {  	v2 =	vld [tilespmem:s14+$0xC180]  }
0x1e4: {  	v3 =	vld [tilespmem:s14+$0xA080]  }
0x1e5: {  	v4 =	vld [tilespmem:s14+$0xC100]  }
0x1e6: {  	v5 =	vld [tilespmem:s14+$0xE180]  }
0x1e7: {  	v6 =	vld [tilespmem:s14+$0xA000]  }
0x1e8: {  	v7 =	vld [tilespmem:s14+$0xC080]  }
0x1e9: {  	v8 =	vld [tilespmem:s14+$0xE100]  }
0x1ea: {  	v9 =	vld [tilespmem:s14+$0x10180]  }
0x1eb: {  	v10 =	vld [tilespmem:s14+$0x12180]  }
0x1ec: {  	v11 =	vld [tilespmem:s14+$0xC000]  }
0x1ed: {  	v12 =	vld [tilespmem:s14+$0xE080]  }
0x1ee: {  	v13 =	vld [tilespmem:s14+$0x10100]  }
0x1ef: {  	v14 =	vld [tilespmem:s14+$0x12100];
	v1 =	vadd.f32 v1, v45  }
0x1f0: {  	v15 =	vld [tilespmem:s14+$0xE000];
	v0 =	vadd.f32 v0, v46;
	v3 =	vadd.f32 v3, v44  }
0x1f1: {  	v17 =	vld [tilespmem:s14+$0x10080];
	v16 =	vadd.f32 v2, v36;
	v4 =	vadd.f32 v4, v35  }
0x1f2: {  	v18 =	vld [tilespmem:s14+$0x12080];
	v5 =	vadd.f32 v5, v40;
	v6 =	vadd.f32 v6, v48  }
0x1f3: {  	v20 =	vld [tilespmem:s14+$0x12000];
	v19 =	vadd.f32 v7, v34;
	v8 =	vadd.f32 v8, v39  }
0x1f4: {  	v9 =	vadd.f32 v9, v50;
	v11 =	vadd.f32 v11, v33  }
0x1f5: {  	v10 =	vadd.f32 v10, v59;
	v12 =	vadd.f32 v12, v38  }
0x1f6: {  	v13 =	vadd.f32 v13, v49;
	v15 =	vadd.f32 v15, v37  }
0x1f7: {  	v2 =	vadd.f32 v14, v58;
	v17 =	vadd.f32 v17, v21  }
0x1f8: {  	v18 =	vadd.f32 v18, v54;
	v20 =	vadd.f32 v20, v53;
	v0 =	vadd.s32 $0x8000, v0  }
0x1f9: {  	v61 =	vld [tilespmem:$0x1FF20];
	v3 =	vadd.s32 $0x8000, v3;
	v1 =	vadd.s32 $0x8000, v1;
	v16 =	vadd.s32 $0x8000, v16  }
0x1fa: {  	v7 =	vld [tilespmem:s14+$0x10000];
	[tilespmem:$0x1FA40] =	vst v2;
	v22 =	vadd.s32 $0x8000, v6;
	v2 =	vadd.s32 $0x8000, v4;
	v19 =	vadd.s32 $0x8000, v19  }
0x1fb: {  	v14 =	vld [tilespmem:$0x1FF60];
	v15 =	vadd.s32 $0x8000, v15;
	v17 =	vadd.s32 $0x8000, v17;
	v18 =	vadd.s32 $0x8000, v18  }
0x1fc: {  	v62 =	vld [tilespmem:$0x1FF70];
	v20 =	vadd.s32 $0x8000, v20;
	[tilespmem:$0x1F9F0] =	vst v2;
	v2 =	vadd.s32 $0x8000, v5;
	v6 =	vand.u32 $0xFFFF0000, v0  }
0x1fd: {  	v15 =	vand.u32 $0xFFFF0000, v15;
	v17 =	vand.u32 $0xFFFF0000, v17;
	[tilespmem:$0x1FA10] =	vst v2;
	v2 =	vadd.s32 $0x8000, v8  }
0x1fe: {  	v18 =	vand.u32 $0xFFFF0000, v18;
	v0 =	vmul.f32 v6, v24;
	[tilespmem:$0x1FA70] =	vst v2;
	v2 =	vadd.s32 $0x8000, v9  }
0x1ff: {  	v56 =	vld [tilespmem:$0x1FEF0];
	v8 =	vand.u32 $0xFFFF0000, v1;
	v33 =	vmul.f32 v15, v61;
	v34 =	vmul.f32 v17, v28;
	[tilespmem:$0x1FAC0] =	vst v2  }
0x200: {  	v63 =	vld [tilespmem:$0x1FF30];
	v36 =	vmul.f32 v18, v28;
	v1 =	vmul.f32 v8, v14;
	v2 =	vadd.s32 $0x8000, v10;
	[tilespmem:$0x1F9A0] =	vst v0  }
0x201: {  	v52 =	vld [tilespmem:$0x1FEC0];
	v21 =	vadd.f32 v7, v47;
	v9 =	vadd.s32 $0x8000, v11;
	v0 =	vmul.f32 v6, v62;
	[tilespmem:$0x1FAE0] =	vst v2  }
0x202: {  	v11 =	vadd.s32 $0x8000, v12;
	v10 =	vand.u32 $0xFFFF0000, v22;
	v2 =	vand.u32 $0xFFFF0000, v16;
	[tilespmem:$0x1FA20] =	vst v1  }
0x203: {  	v23 =	vld [tilespmem:$0x1FED0];
	v9 =	vand.u32 $0xFFFF0000, v9;
	v16 =	vmul.f32 v10, v61;
	[tilespmem:$0x1F9B0] =	vst v0;
	v1 =	vmul.f32 v2, v62  }
0x204: {  	v51 =	vld [tilespmem:$0x1FF80];
	v11 =	vand.u32 $0xFFFF0000, v11;
	v24 =	vmul.f32 v10, v56;
	v26 =	vmul.f32 v9, v61;
	[tilespmem:$0x1FA00] =	vst v2  }
0x205: {  	v57 =	vld [tilespmem:$0x1FEE0];
	v5 =	vmul.f32 v11, v28;
	v29 =	vmul.f32 v10, v63;
	[tilespmem:$0x1F9C0] =	vst v1;
	v1 =	vadd.s32 $0x8000, v13  }
0x206: {  	v0 =	vand.u32 $0xFFFF0000, v3;
	v2 =	vld [tilespmem:$0x1FF40];
	v13 =	vand.u32 $0xFFFF0000, v19;
	[tilespmem:$0x1FAA0] =	vst v1;
	v1 =	vmul.f32 v6, v52  }
0x207: {  	v20 =	vand.u32 $0xFFFF0000, v20;
	v3 =	vmul.f32 v0, v28;
	v19 =	vmul.f32 v13, v28;
	v28 =	vld [tilespmem:$0x1FDB0]  }
0x208: {  	v21 =	vadd.s32 $0x8000, v21;
	v31 =	vmul.f32 v9, v56;
	v35 =	vmul.f32 v10, v23;
	[tilespmem:$0x1F9D0] =	vst v1;
	v1 =	vld [tilespmem:$0x1FF10]  }
0x209: {  	v40 =	vmul.f32 v9, v63;
	v21 =	vand.u32 $0xFFFF0000, v21;
	v24 =	vadd.f32 v24, v51  }
0x20a: {  	v30 =	vmul.f32 v0, v57;
	v29 =	vadd.f32 v29, v25;
	v31 =	vadd.f32 v31, v51  }
0x20b: {  	v35 =	vadd.f32 v35, v27;
	v37 =	vadd.f32 v40, v25;
	v40 =	vmul.f32 v20, v56  }
0x20c: {  	v22 =	vmul.f32 v0, v2;
	v4 =	vmul.f32 v13, v2;
	v16 =	vadd.f32 v16, v28  }
0x20d: {  	v26 =	vadd.f32 v26, v28;
	v12 =	vmul.f32 v0, v1;
	v7 =	vmul.f32 v13, v1  }
0x20e: {  	v33 =	vadd.f32 v33, v28;
	v0 =	vmul.f32 v0, v60;
	v32 =	vmul.f32 v11, v1  }
0x20f: {  	[tilespmem:$0x1F9E0] =	vst v4;
	v16 =	vadd.f32 v3, v16;
	v3 =	vmul.f32 v21, v61;
	v19 =	vadd.f32 v19, v26  }
0x210: {  	v4 =	vmovc v60;
	v26 =	vmul.f32 v20, v61;
	v5 =	vadd.f32 v5, v33;
	v33 =	vmul.f32 v21, v56  }
0x211: {  	v60 =	vmovc v52;
	v52 =	vld [tilespmem:$0x1FF00];
	v12 =	vadd.f32 v12, v24;
	v24 =	vmul.f32 v15, v56;
	v61 =	vadd.f32 v7, v31  }
0x212: {  	v31 =	vmul.f32 v15, v63;
	[tilespmem:$0x1FA90] =	vst v5;
	v5 =	vadd.f32 v30, v35;
	v3 =	vadd.f32 v3, v28  }
0x213: {  	v26 =	vadd.f32 v26, v28;
	v30 =	vmul.f32 v21, v63;
	v33 =	vadd.f32 v33, v51  }
0x214: {  	v56 =	vmul.f32 v20, v63;
	v35 =	vadd.f32 v40, v51;
	[tilespmem:$0x1FA50] =	vst v12;
	v12 =	vadd.f32 v22, v29  }
0x215: {  	v29 =	vmul.f32 v9, v23;
	v24 =	vadd.f32 v24, v51;
	v31 =	vadd.f32 v31, v25  }
0x216: {  	v7 =	vld [tilespmem:$0x1F9E0];
	v34 =	vadd.f32 v34, v3;
	v3 =	vmul.f32 v21, v23;
	v10 =	vmul.f32 v10, v52  }
0x217: {  	v26 =	vadd.f32 v36, v26;
	v30 =	vadd.f32 v30, v25;
	v9 =	vmul.f32 v9, v52  }
0x218: {  	v63 =	vmul.f32 v13, v57;
	v24 =	vadd.f32 v32, v24;
	v10 =	vadd.f32 v10, v43  }
0x219: {  	v13 =	vmul.f32 v13, v4;
	v3 =	vadd.f32 v3, v27;
	v9 =	vadd.f32 v9, v43  }
0x21a: {  	v21 =	vmul.f32 v21, v52;
	v38 =	vadd.f32 v0, v10;
	v10 =	vadd.f32 v29, v27  }
0x21b: {  	v22 =	vadd.f32 v7, v37;
	v13 =	vadd.f32 v13, v9;
	v9 =	vmul.f32 v17, v1  }
0x21c: {  	v0 =	vmul.f32 v15, v23;
	v36 =	vadd.f32 v63, v10;
	v10 =	vmul.f32 v11, v2  }
0x21d: {  	v15 =	vmul.f32 v15, v52;
	v33 =	vadd.f32 v9, v33;
	v9 =	vmul.f32 v18, v1  }
0x21e: {  	v0 =	vadd.f32 v0, v27;
	v31 =	vadd.f32 v10, v31;
	v10 =	vmul.f32 v11, v57  }
0x21f: {  	v15 =	vadd.f32 v15, v43;
	v11 =	vmul.f32 v11, v4;
	v35 =	vadd.f32 v9, v35  }
0x220: {  	v9 =	vmul.f32 v17, v57;
	v37 =	vadd.f32 v10, v0;
	v0 =	vmul.f32 v17, v2  }
0x221: {  	v39 =	vadd.f32 v11, v15;
	v10 =	vmul.f32 v20, v23;
	v11 =	vadd.f32 v56, v25  }
0x222: {  	v1 =	vld [tilespmem:$0x1F9F0];
	v32 =	vadd.f32 v9, v3;
	v30 =	vadd.f32 v0, v30;
	v0 =	vmul.f32 v18, v2  }
0x223: {  	v29 =	vld [tilespmem:$0x1FD50];
	v3 =	vadd.f32 v21, v43;
	v15 =	vmul.f32 v17, v4;
	v17 =	vmul.f32 v20, v52  }
0x224: {  	v10 =	vadd.f32 v10, v27;
	v40 =	vadd.f32 v0, v11;
	v0 =	vmul.f32 v18, v57  }
0x225: {  	v20 =	vadd.f32 v15, v3  }
0x226: {  	v28 =	vld [tilespmem:$0x1FD70];
	v3 =	vadd.f32 v0, v10;
	v0 =	vadd.f32 v17, v43;
	v10 =	vmul.f32 v18, v4  }
0x227: {  	v11 =	vand.u32 $0xFFFF0000, v1;
	v1 =	vld [tilespmem:$0x1FA10]  }
0x228: {  	v4 =	vmul.f32 v6, v29;
	v17 =	vadd.f32 v10, v0;
	v0 =	vld [tilespmem:$0x1FA50]  }
0x229: {  	v43 =	vld [tilespmem:$0x1FD40]  }
0x22a: {  	[tilespmem:$0x1FA60] =	vst v4;
	v4 =	vld [tilespmem:$0x1FA70]  }
0x22b: {  	v9 =	vmul.f32 v8, v28  }
0x22c: {  	v56 =	vand.u32 $0xFFFF0000, v1;
	v1 =	vld [tilespmem:$0x1FA20]  }
0x22d: {  	v7 =	vmul.f32 v11, v14;
	v0 =	vadd.f32 v9, v0;
	v9 =	vld [tilespmem:$0x1FDC0];
	_ =	sdelay $0x1  }
0x22e: {  	v63 =	vadd.f32 v7, v19;
	v19 =	vand.u32 $0xFFFF0000, v4;
	v4 =	vmul.f32 v8, v43;
	_ =	sdelay $0x1  }
0x22f: {  	v16 =	vadd.f32 v1, v16;
	v1 =	vmul.f32 v56, v62;
	v4 =	vadd.f32 v4, v5;
	v5 =	vld [tilespmem:$0x1FA90]  }
0x230: {  	v7 =	vmul.f32 v11, v28;
	v6 =	vmul.f32 v6, v9  }
0x231: {  	[tilespmem:$0x1FA30] =	vst v1  }
0x232: {  	v1 =	vld [tilespmem:$0x1FA40];
	[tilespmem:$0x1FA80] =	vst v6;
	v6 =	vadd.f32 v7, v61;
	v7 =	vmul.f32 v19, v14  }
0x233: {  	v23 =	vld [tilespmem:$0x1FD60]  }
0x234: {  	v10 =	vadd.f32 v7, v5;
	v5 =	vld [tilespmem:$0x1FAA0]  }
0x235: {  	v51 =	vld [tilespmem:$0x1FA00];
	_ =	sdelay $0x1  }
0x236: {  	v18 =	vmul.f32 v11, v43;
	v2 =	vadd.s32 $0x8000, v1;
	v1 =	vmul.f32 v8, v55  }
0x237: {  	v15 =	vmul.f32 v19, v28;
	v8 =	vmul.f32 v8, v23;
	v27 =	vand.u32 $0xFFFF0000, v2  }
0x238: {  	v25 =	vld [tilespmem:$0x1FF90];
	v1 =	vadd.f32 v1, v12;
	v12 =	vmul.f32 v11, v55;
	v5 =	vand.u32 $0xFFFF0000, v5  }
0x239: {  	v2 =	vmul.f32 v51, v60;
	v9 =	vadd.f32 v8, v38;
	v8 =	vmul.f32 v5, v14  }
0x23a: {  	v7 =	vadd.f32 v12, v22;
	v12 =	vadd.f32 v15, v24;
	v15 =	vmul.f32 v11, v23  }
0x23b: {  	[tilespmem:$0x1FAB0] =	vst v2;
	v2 =	vadd.f32 v8, v34;
	v8 =	vmul.f32 v27, v14;
	v14 =	vld [tilespmem:$0x1FAC0]  }
0x23c: {  	v11 =	vadd.f32 v18, v36;
	v22 =	vmul.f32 v27, v28;
	v15 =	vadd.f32 v15, v13  }
0x23d: {  	v13 =	vmul.f32 v56, v25;
	v18 =	vadd.f32 v8, v26;
	v8 =	vmul.f32 v5, v28  }
0x23e: {  	v57 =	vmul.f32 v51, v25  }
0x23f: {  	v21 =	vmul.f32 v19, v55;
	[tilespmem:$0x1FAD0] =	vst v13;
	v13 =	vadd.f32 v8, v33;
	v8 =	vadd.f32 v22, v35;
	v22 =	vld [tilespmem:$0x1FAE0]  }
0x240: {  	v24 =	vmul.f32 v27, v55;
	v25 =	vmul.f32 v5, v43;
	v38 =	vand.u32 $0xFFFF0000, v14  }
0x241: {  	v33 =	vmovc v23;
	v14 =	vadd.f32 v21, v31;
	v21 =	vmul.f32 v19, v43;
	v19 =	vmul.f32 v19, v23  }
0x242: {  	v23 =	vmul.f32 v5, v55;
	v28 =	vmul.f32 v5, v33  }
0x243: {  	v5 =	vadd.f32 v24, v40;
	v26 =	vmul.f32 v27, v33;
	v24 =	vmul.f32 v51, v29  }
0x244: {  	v19 =	vadd.f32 v19, v39;
	v20 =	vadd.f32 v28, v20;
	v61 =	vand.u32 $0xFFFF0000, v22  }
0x245: {  	v22 =	vadd.f32 v21, v37;
	v21 =	vadd.f32 v23, v30;
	v37 =	vmul.f32 v38, v62  }
0x246: {  	s21 =	simm.s32 $0x0;
	s14 =	simm.s32 $0x10;
	v52 =	vld [tilespmem:$0x1FD30];
	v23 =	vadd.f32 v25, v32;
	v25 =	vmul.f32 v27, v43;
	v28 =	vmovc v51;
	v39 =	vmul.f32 v61, v62  }
.LBB2_9:
0x247: {  	v36 =	vld [tilespmem:$0x1FDC0]  }
0x248: {  	v3 =	vadd.f32 v25, v3;
	v25 =	vld [tilespmem:$0x1F9A0]  }
0x249: {  	v17 =	vadd.f32 v26, v17;
	v26 =	vld [tilespmem:$0x1F9D0]  }
0x24a: {  	v34 =	vld [tilespmem:$0x1FF90]  }
0x24b: {  	v29 =	vld [tilespmem:$0x1FA30]  }
0x24c: {  	v6 =	vadd.f32 v57, v6;
	v30 =	vld [tilespmem:$0x1FA60]  }
0x24d: {  	v31 =	vld [tilespmem:$0x1FAB0];
	v11 =	vadd.f32 v24, v11  }
0x24e: {  	v32 =	vld [tilespmem:$0x1FAD0];
	v6 =	vmax.f32 v6, $0.0e+00  }
0x24f: {  	v11 =	vmax.f32 v11, $0.0e+00;
	v43 =	vmul.f32 v38, v60;
	v2 =	vadd.f32 v37, v2  }
0x250: {  	v18 =	vadd.f32 v39, v18;
	v24 =	vmul.f32 v61, v60;
	v27 =	vmul.f32 v28, v36  }
0x251: {  	v35 =	vld [tilespmem:$0x1FD50];
	v0 =	vadd.f32 v25, v0;
	v1 =	vadd.f32 v26, v1;
	v28 =	vmul.f32 v38, v34  }
0x252: {  	v25 =	vld [tilespmem:$0x1F9B0];
	v10 =	vadd.f32 v29, v10;
	v29 =	vmul.f32 v61, v34;
	v4 =	vadd.f32 v30, v4  }
0x253: {  	v7 =	vadd.f32 v31, v7;
	v31 =	vmul.f32 v56, v36;
	v12 =	vadd.f32 v32, v12  }
0x254: {  	v21 =	vadd.f32 v43, v21;
	v5 =	vadd.f32 v24, v5;
	v2 =	vmax.f32 v2, $0.0e+00  }
0x255: {  	v15 =	vadd.f32 v27, v15;
	v13 =	vadd.f32 v28, v13;
	v27 =	vmul.f32 v38, v36  }
0x256: {  	v8 =	vadd.f32 v29, v8;
	v19 =	vadd.f32 v31, v19;
	v28 =	vmul.f32 v61, v35  }
0x257: {  	v30 =	vld [tilespmem:$0x1FA80];
	v0 =	vmax.f32 v0, $0.0e+00;
	v16 =	vadd.f32 v25, v16;
	v25 =	vmul.f32 v56, v60  }
0x258: {  	v26 =	vld [tilespmem:$0x1F9C0];
	v4 =	vmax.f32 v4, $0.0e+00;
	v1 =	vmax.f32 v1, $0.0e+00;
	v7 =	vmax.f32 v7, $0.0e+00  }
0x259: {  	v5 =	vmax.f32 v5, $0.0e+00;
	v14 =	vadd.f32 v25, v14;
	v25 =	vmul.f32 v38, v35  }
0x25a: {  	v20 =	vadd.f32 v27, v20;
	v3 =	vadd.f32 v28, v3;
	v15 =	vmax.f32 v15, $0.0e+00  }
0x25b: {  	v19 =	vmax.f32 v19, $0.0e+00;
	v23 =	vadd.f32 v25, v23;
	v25 =	vmul.f32 v61, v36  }
0x25c: {  	v13 =	vmax.f32 v13, $0.0e+00;
	v9 =	vadd.f32 v30, v9;
	v30 =	vmul.f32 v56, v35  }
0x25d: {  	v26 =	vadd.f32 v26, v63;
	v20 =	vmax.f32 v20, $0.0e+00;
	v17 =	vadd.f32 v25, v17  }
0x25e: {  	v3 =	vmax.f32 v3, $0.0e+00;
	v22 =	vadd.f32 v30, v22;
	v9 =	vmax.f32 v9, $0.0e+00  }
0x25f: {  	v4 =	vadd.f32 v9, v4;
	v23 =	vmax.f32 v23, $0.0e+00;
	v9 =	vmax.f32 v17, $0.0e+00  }
0x260: {  	v22 =	vmax.f32 v22, $0.0e+00;
	v17 =	vadd.f32 v20, v23;
	v3 =	vadd.f32 v9, v3  }
0x261: {  	v20 =	vmax.f32 v21, $0.0e+00;
	v9 =	vadd.f32 v15, v11;
	v11 =	vadd.f32 v19, v22  }
0x262: {  	v14 =	vmax.f32 v14, $0.0e+00;
	v15 =	vadd.f32 v17, v20;
	v3 =	vadd.f32 v3, v5  }
0x263: {  	v1 =	vadd.f32 v4, v1;
	v4 =	vadd.f32 v11, v14;
	v5 =	vmax.f32 v8, $0.0e+00  }
0x264: {  	v12 =	vmax.f32 v12, $0.0e+00;
	v8 =	vadd.f32 v15, v13;
	v3 =	vadd.f32 v3, v5  }
0x265: {  	v5 =	vadd.f32 v9, v7;
	v4 =	vadd.f32 v4, v12;
	v7 =	vmax.f32 v18, $0.0e+00  }
0x266: {  	s20 =	sadd.s32 $0x40, s20;
	v16 =	vmax.f32 v16, $0.0e+00;
	v2 =	vadd.f32 v8, v2;
	v3 =	vadd.f32 v3, v7  }
0x267: {  	s23 =	sand.u32 $0x70, s14;
	s22 =	sand.u32 $0x1E00, s20;
	v0 =	vadd.f32 v1, v0;
	v8 =	vmax.f32 v10, $0.0e+00;
	v5 =	vadd.f32 v5, v6  }
0x268: {  	s22 =	sor.u32 s23, s22;
	v6 =	vmax.f32 v26, $0.0e+00;
	v1 =	vadd.f32 v4, v8;
	vm0 =	vge.f32 v2, v3  }
0x269: {  	v25 =	vld [tilespmem:s22+$0x10100];
	v5 =	vadd.f32 v5, v6;
	v6 =	vsel vm0, v2, v3;
	v8 =	vsel vm0, $0x4, v42  }
0x26a: {  	v20 =	vld [tilespmem:s22+$0x12180];
	v12 =	vsel vm0, $0x3, v41;
	v2 =	vsel vm0, v3, v2;
	vm11 =	vge.f32 v1, v6  }
0x26b: {  	v11 =	vld [tilespmem:s22+$0xC100];
	v13 =	vsel vm11, v1, v6;
	v14 =	vsel vm11, $0x2, v12;
	v1 =	vsel vm11, v6, v1  }
0x26c: {  	v15 =	vld [tilespmem:s22+$0xC080];
	v12 =	vnsel vm11, $0x2, v12;
	vm12 =	vge.f32 v5, v13;
	vm1 =	vge.f32 v1, v2  }
0x26d: {  	v0 =	vadd.f32 v0, v16;
	v9 =	vld [tilespmem:s22+$0xA180];
	v16 =	vsel vm12, $0x1, v14;
	v17 =	vsel vm1, v8, v12  }
0x26e: {  	v18 =	vld [tilespmem:s22+$0xE100];
	v19 =	vsel vm12, v5, v13;
	v14 =	vnsel vm12, $0x1, v14;
	v8 =	vsel vm1, v12, v8  }
0x26f: {  	v10 =	vld [tilespmem:s22+$0xC180];
	v5 =	vsel vm12, v13, v5;
	v13 =	vsel vm1, v1, v2;
	vm13 =	vge.f32 v0, v19  }
0x270: {  	v7 =	vld [tilespmem:s22+$0xA100];
	v1 =	vsel vm1, v2, v1;
	vm2 =	vge.f32 v5, v13;
	v21 =	vnsel vm13, $0x0, v16  }
0x271: {  	v4 =	vld [tilespmem:s22+$0xA080];
	v22 =	vsel vm13, v19, v0;
	v23 =	vsel vm2, v5, v13;
	v5 =	vsel vm2, v13, v5  }
0x272: {  	v3 =	vld [tilespmem:s22+$0xE180];
	v24 =	vsel vm2, v14, v8;
	vm14 =	vge.f32 v22, v23;
	vm3 =	vge.f32 v5, v1  }
0x273: {  	v6 =	vld [tilespmem:s22+$0xA000];
	v8 =	vsel vm2, v8, v14;
	v14 =	vsel vm14, v23, v22;
	v1 =	vsel vm3, v5, v1  }
0x274: {  	v12 =	vld [tilespmem:s22+$0x10180];
	v26 =	vsel vm14, v24, v21;
	v8 =	vsel vm3, v8, v17;
	vm15 =	vge.f32 v14, v1  }
0x275: {  	v8 =	vsel vm15, v26, v8;
	v26 =	vld [tilespmem:$0x1FE20]  }
0x276: {  	v2 =	vld [tilespmem:s22+$0xC000]  }
0x277: {  	v13 =	vld [tilespmem:s22+$0xE080]  }
0x278: {  	v5 =	vld [tilespmem:s22+$0x12100]  }
0x279: {  	v17 =	vld [tilespmem:s22+$0xE000]  }
0x27a: {  	s23 =	sshra.s32 s21, $0x2;
	v10 =	vadd.f32 v10, v26;
	v26 =	vld [tilespmem:s22+$0x10080]  }
0x27b: {  	[tilespmem:s23+$0x19800] =	vst v8;
	v8 =	vld [tilespmem:$0x1FFC0];
	_ =	sdelay $0x4  }
0x27c: {  	v8 =	vadd.f32 v11, v8;
	v11 =	vld [tilespmem:$0x1FFF0];
	_ =	sdelay $0x4  }
0x27d: {  	v1 =	vsel vm15, v14, v1;
	v3 =	vadd.f32 v3, v11;
	v11 =	vld [tilespmem:s22+$0x12080]  }
0x27e: {  	[tilespmem:s23+$0x16800] =	vst v1;
	v1 =	vadd.f32 v6, v48;
	v6 =	vld [tilespmem:$0x1FE10];
	_ =	sdelay $0x4  }
0x27f: {  	v14 =	vsel vm14, v22, v23;
	v6 =	vadd.f32 v15, v6;
	v15 =	vld [tilespmem:s22+$0x10000]  }
0x280: {  	[tilespmem:s23+$0x16000] =	vst v14;
	v14 =	vld [tilespmem:$0x1FFE0];
	_ =	sdelay $0x3  }
0x281: {  	v0 =	vsel vm13, v0, v19;
	v19 =	vld [tilespmem:$0x1FFB0]  }
0x282: {  	v14 =	vadd.f32 v18, v14;
	v18 =	vld [tilespmem:s22+$0x12000]  }
0x283: {  	[tilespmem:s23+$0x15800] =	vst v0;
	v0 =	vld [tilespmem:$0x1FE30];
	_ =	sdelay $0x2  }
0x284: {  	v9 =	vadd.f32 v9, v46  }
0x285: {  	v2 =	vadd.f32 v2, v19  }
0x286: {  	v9 =	vadd.s32 $0x8000, v9;
	v0 =	vadd.f32 v13, v0  }
0x287: {  	v22 =	vadd.s32 $0x8000, v2;
	v2 =	vand.u32 $0xFFFF0000, v9  }
0x288: {  	v23 =	vadd.s32 $0x8000, v0;
	v0 =	vmul.f32 v2, v34;
	_ =	sdelay $0x1  }
0x289: {  	[tilespmem:$0x1F9A0] =	vst v0;
	v0 =	vld [tilespmem:$0x1FF70];
	_ =	sdelay $0x1  }
0x28a: {  	v7 =	vadd.f32 v7, v45;
	v15 =	vadd.f32 v15, v47;
	v47 =	vld [tilespmem:$0x1FF60]  }
0x28b: {  	v21 =	vsel vm14, v21, v24  }
0x28c: {  	v7 =	vadd.s32 $0x8000, v7;
	[tilespmem:s23+$0x19000] =	vst v21;
	v21 =	vadd.f32 v11, v54;
	v11 =	vadd.s32 $0x8000, v1  }
0x28d: {  	v1 =	vadd.s32 $0x8000, v8;
	v8 =	vadd.s32 $0x8000, v3;
	v3 =	vmul.f32 v2, v0  }
0x28e: {  	v24 =	vand.u32 $0xFFFF0000, v7  }
0x28f: {  	v10 =	vadd.s32 $0x8000, v10;
	[tilespmem:$0x1F9B0] =	vst v3;
	v3 =	vmul.f32 v24, v47  }
0x290: {  	v4 =	vadd.f32 v4, v44;
	v7 =	vld [tilespmem:$0x1FD70];
	v10 =	vand.u32 $0xFFFF0000, v10  }
0x291: {  	v12 =	vadd.f32 v12, v50;
	v48 =	vld [tilespmem:$0x1FF20];
	[tilespmem:$0x1F8F0] =	vst v3;
	v3 =	vmul.f32 v10, v0  }
0x292: {  	v4 =	vadd.s32 $0x8000, v4;
	v19 =	vadd.f32 v20, v59;
	v5 =	vadd.f32 v5, v58  }
0x293: {  	v16 =	vsel vm13, $0x0, v16;
	v12 =	vadd.s32 $0x8000, v12;
	v58 =	vld [tilespmem:$0x1FDB0];
	[tilespmem:$0x1F9C0] =	vst v3;
	v3 =	vmul.f32 v2, v60  }
0x294: {  	v61 =	vld [tilespmem:$0x1FF40];
	v19 =	vadd.s32 $0x8000, v19;
	v22 =	vand.u32 $0xFFFF0000, v22;
	v5 =	vadd.s32 $0x8000, v5;
	[tilespmem:s23+$0x18800] =	vst v16  }
0x295: {  	v5 =	vand.u32 $0xFFFF0000, v5;
	v9 =	vmul.f32 v10, v34;
	v16 =	vld [tilespmem:$0x1FFD0];
	[tilespmem:$0x1F9D0] =	vst v3;
	v3 =	vmul.f32 v24, v7  }
0x296: {  	v20 =	vadd.f32 v26, v52;
	v32 =	vmul.f32 v22, v48;
	v8 =	vand.u32 $0xFFFF0000, v8  }
0x297: {  	v6 =	vadd.s32 $0x8000, v6;
	[tilespmem:$0x1F900] =	vst v3;
	v3 =	vand.u32 $0xFFFF0000, v1;
	v1 =	vmul.f32 v8, v0  }
0x298: {  	v29 =	vmovc v35;
	v32 =	vadd.f32 v32, v58;
	v28 =	vand.u32 $0xFFFF0000, v6;
	v6 =	vand.u32 $0xFFFF0000, v19  }
0x299: {  	v13 =	vadd.f32 v25, v49;
	v25 =	vand.u32 $0xFFFF0000, v4;
	v4 =	vld [tilespmem:$0x1FF50];
	[tilespmem:$0x1FA30] =	vst v1;
	v1 =	vmul.f32 v2, v29  }
0x29a: {  	v19 =	vadd.s32 $0x8000, v20;
	v37 =	vmul.f32 v28, v61;
	v17 =	vadd.f32 v17, v16  }
0x29b: {  	v14 =	vadd.s32 $0x8000, v14;
	v20 =	vmul.f32 v25, v61;
	[tilespmem:$0x1FA60] =	vst v1;
	v1 =	vmul.f32 v2, v36  }
0x29c: {  	v46 =	vadd.s32 $0x8000, v13;
	v13 =	vand.u32 $0xFFFF0000, v14;
	v17 =	vadd.s32 $0x8000, v17  }
0x29d: {  	v14 =	vmul.f32 v5, v47;
	v17 =	vand.u32 $0xFFFF0000, v17;
	v2 =	vld [tilespmem:$0x1FF10];
	[tilespmem:$0x1FA80] =	vst v1;
	v1 =	vmul.f32 v24, v55  }
0x29e: {  	v19 =	vand.u32 $0xFFFF0000, v19;
	v40 =	vmul.f32 v17, v48;
	v16 =	vmul.f32 v25, v4  }
0x29f: {  	v26 =	vand.u32 $0xFFFF0000, v11;
	v11 =	vmul.f32 v3, v55;
	v55 =	vld [tilespmem:$0x1FF30];
	[tilespmem:$0x1F910] =	vst v1;
	v1 =	vmul.f32 v10, v60  }
0x2a0: {  	v21 =	vadd.s32 $0x8000, v21;
	v30 =	vmul.f32 v28, v4;
	v41 =	vmul.f32 v19, v4  }
0x2a1: {  	v50 =	vadd.s32 $0x8000, v15;
	v63 =	vmul.f32 v3, v47;
	[tilespmem:$0x1FAB0] =	vst v1;
	v1 =	vmul.f32 v3, v7  }
0x2a2: {  	v18 =	vadd.f32 v18, v53;
	v29 =	vmul.f32 v26, v48;
	v27 =	vmul.f32 v25, v2  }
0x2a3: {  	v62 =	vld [tilespmem:$0x1FEE0];
	v23 =	vand.u32 $0xFFFF0000, v23;
	v31 =	vmul.f32 v28, v2;
	[tilespmem:$0x1F920] =	vst v1;
	v1 =	vmul.f32 v8, v34  }
0x2a4: {  	v51 =	vld [tilespmem:$0x1FFA0];
	v18 =	vadd.s32 $0x8000, v18;
	v39 =	vmul.f32 v23, v2;
	v35 =	vmul.f32 v26, v55  }
0x2a5: {  	v36 =	vand.u32 $0xFFFF0000, v50;
	v44 =	vmul.f32 v22, v55;
	[tilespmem:$0x1FAD0] =	vst v1;
	v1 =	vmul.f32 v13, v47  }
0x2a6: {  	[tilespmem:$0x1FA00] =	vst v10;
	v10 =	vand.u32 $0xFFFF0000, v12;
	v60 =	vld [tilespmem:$0x1FED0];
	v49 =	vmul.f32 v17, v55;
	v54 =	vmul.f32 v36, v55  }
0x2a7: {  	v18 =	vand.u32 $0xFFFF0000, v18;
	[tilespmem:$0x1F930] =	vst v1;
	v1 =	vmul.f32 v10, v0;
	v0 =	vmul.f32 v6, v0  }
0x2a8: {  	v56 =	vld [tilespmem:$0x1FD40];
	v21 =	vand.u32 $0xFFFF0000, v21;
	v55 =	vmul.f32 v18, v55;
	v34 =	vmul.f32 v25, v62  }
0x2a9: {  	v40 =	vadd.f32 v40, v58;
	v25 =	vmul.f32 v25, v51;
	[tilespmem:$0x1F970] =	vst v0;
	v0 =	vmul.f32 v24, v33  }
0x2aa: {  	[tilespmem:$0x1F980] =	vst v8;
	v8 =	vand.u32 $0xFFFF0000, v46;
	v46 =	vmul.f32 v36, v48;
	v48 =	vmul.f32 v18, v48  }
0x2ab: {  	v29 =	vadd.f32 v29, v58;
	v42 =	vmul.f32 v26, v60;
	v53 =	vmul.f32 v17, v60;
	[tilespmem:$0x1F940] =	vst v0;
	v0 =	vld [tilespmem:$0x1FEF0]  }
0x2ac: {  	v52 =	vld [tilespmem:$0x1FF00];
	v46 =	vadd.f32 v46, v58;
	v48 =	vadd.f32 v48, v58;
	v58 =	vmul.f32 v36, v60  }
0x2ad: {  	v16 =	vadd.f32 v16, v29;
	[tilespmem:$0x1F990] =	vst v10;
	v10 =	vmul.f32 v24, v56;
	v33 =	vmul.f32 v23, v4  }
0x2ae: {  	v59 =	vld [tilespmem:$0x1FF80];
	v29 =	vadd.f32 v30, v32;
	[tilespmem:$0x1F950] =	vst v1;
	v1 =	vmul.f32 v8, v47;
	v4 =	vmul.f32 v21, v4  }
0x2af: {  	v47 =	vmul.f32 v22, v60;
	v32 =	vadd.f32 v33, v40;
	v33 =	vmul.f32 v21, v2  }
0x2b0: {  	v24 =	vmul.f32 v26, v0;
	v38 =	vmul.f32 v22, v0  }
0x2b1: {  	v26 =	vmul.f32 v26, v52;
	v45 =	vmul.f32 v17, v0  }
0x2b2: {  	[tilespmem:$0x1F960] =	vst v1;
	v50 =	vmul.f32 v36, v0;
	v1 =	vmul.f32 v18, v0;
	v0 =	vld [tilespmem:$0x1FD90]  }
0x2b3: {  	v22 =	vmul.f32 v22, v52;
	v17 =	vmul.f32 v17, v52;
	v24 =	vadd.f32 v24, v59  }
0x2b4: {  	v36 =	vmul.f32 v36, v52;
	v38 =	vadd.f32 v38, v59;
	v45 =	vadd.f32 v45, v59  }
0x2b5: {  	v50 =	vadd.f32 v50, v59;
	v1 =	vadd.f32 v1, v59;
	v59 =	vmul.f32 v18, v60  }
0x2b6: {  	v18 =	vmul.f32 v18, v52;
	v60 =	vmul.f32 v28, v62;
	v24 =	vadd.f32 v27, v24  }
0x2b7: {  	v28 =	vmul.f32 v28, v51;
	v26 =	vadd.f32 v26, v0;
	v22 =	vadd.f32 v22, v0  }
0x2b8: {  	v27 =	vmul.f32 v23, v61;
	v17 =	vadd.f32 v17, v0;
	v36 =	vadd.f32 v36, v0  }
0x2b9: {  	v57 =	vld [tilespmem:$0x1FD80];
	v25 =	vadd.f32 v25, v26;
	v26 =	vmul.f32 v23, v62;
	v23 =	vmul.f32 v23, v51  }
0x2ba: {  	v18 =	vadd.f32 v18, v0;
	v0 =	vmul.f32 v21, v62;
	v22 =	vadd.f32 v28, v22  }
0x2bb: {  	v28 =	vmul.f32 v21, v61;
	v23 =	vadd.f32 v23, v17;
	v17 =	vmul.f32 v21, v51;
	v21 =	vld [tilespmem:$0x1FD60]  }
0x2bc: {  	v43 =	vld [tilespmem:$0x1FDA0];
	_ =	sdelay $0x1  }
0x2bd: {  	v59 =	vadd.f32 v59, v57  }
0x2be: {  	v30 =	vmul.f32 v19, v2;
	v2 =	vld [tilespmem:$0x1F920]  }
0x2bf: {  	v15 =	vmul.f32 v3, v56;
	v21 =	vmul.f32 v3, v21;
	v3 =	vadd.f32 v0, v59;
	v0 =	vld [tilespmem:$0x1F8F0]  }
0x2c0: {  	v35 =	vadd.f32 v35, v43;
	v44 =	vadd.f32 v44, v43  }
0x2c1: {  	v55 =	vadd.f32 v55, v43;
	v31 =	vadd.f32 v31, v38  }
0x2c2: {  	v42 =	vadd.f32 v42, v57;
	v33 =	vadd.f32 v33, v1;
	v1 =	vld [tilespmem:$0x1F910]  }
0x2c3: {  	v58 =	vadd.f32 v58, v57;
	v38 =	vmul.f32 v19, v61;
	v61 =	vmovc v6;
	v6 =	vadd.f32 v2, v31;
	v2 =	vld [tilespmem:$0x1F930]  }
0x2c4: {  	v34 =	vadd.f32 v34, v42;
	v42 =	vmul.f32 v19, v62;
	v16 =	vadd.f32 v0, v16;
	v0 =	vld [tilespmem:$0x1F900]  }
0x2c5: {  	v20 =	vadd.f32 v20, v35;
	v35 =	vadd.f32 v37, v44;
	v44 =	vld [tilespmem:$0x1FDE0]  }
0x2c6: {  	v42 =	vadd.f32 v42, v58;
	v58 =	vld [tilespmem:$0x1FEA0];
	v40 =	vadd.f32 v4, v48  }
0x2c7: {  	v12 =	vmul.f32 v13, v7;
	v4 =	vadd.f32 v10, v34;
	v28 =	vadd.f32 v28, v55;
	v55 =	vld [tilespmem:$0x1FE90]  }
0x2c8: {  	v1 =	vadd.f32 v1, v20;
	v20 =	vmul.f32 v5, v7;
	v10 =	vadd.f32 v2, v32;
	v2 =	vld [tilespmem:$0x1F940]  }
0x2c9: {  	v0 =	vadd.f32 v0, v24;
	v24 =	vmul.f32 v8, v7;
	v7 =	vadd.f32 v11, v35;
	v11 =	vld [tilespmem:$0x1FD60]  }
0x2ca: {  	v63 =	vadd.f32 v63, v29;
	v48 =	vld [tilespmem:$0x1FDD0]  }
0x2cb: {  	v49 =	vadd.f32 v49, v43;
	v53 =	vadd.f32 v53, v57;
	v52 =	vld [tilespmem:$0x1FD30];
	v19 =	vmul.f32 v19, v51  }
0x2cc: {  	v47 =	vadd.f32 v47, v57;
	v37 =	vadd.f32 v39, v45;
	v45 =	vld [tilespmem:$0x1FDF0]  }
0x2cd: {  	v29 =	vmul.f32 v13, v56;
	v39 =	vadd.f32 v41, v46;
	v46 =	vld [tilespmem:$0x1FE00];
	v36 =	vadd.f32 v19, v36  }
0x2ce: {  	v57 =	vmovc v9;
	v19 =	vmul.f32 v13, v55;
	v9 =	vadd.f32 v2, v25;
	v25 =	vmul.f32 v13, v11;
	v13 =	vld [tilespmem:$0x1FD60]  }
0x2cf: {  	v41 =	vadd.f32 v60, v47;
	v60 =	vld [tilespmem:$0x1FEC0]  }
0x2d0: {  	v54 =	vadd.f32 v54, v43;
	v47 =	vld [tilespmem:$0x1FE40];
	v27 =	vadd.f32 v27, v49  }
0x2d1: {  	v30 =	vadd.f32 v30, v50;
	v50 =	vld [tilespmem:$0x1FE60];
	v17 =	vadd.f32 v17, v18  }
0x2d2: {  	v49 =	vld [tilespmem:$0x1FE50];
	v18 =	vadd.f32 v14, v40;
	v31 =	vmul.f32 v8, v55;
	v14 =	vadd.f32 v19, v27  }
0x2d3: {  	v27 =	vmul.f32 v8, v56;
	v62 =	vmul.f32 v8, v13;
	v8 =	vadd.f32 v20, v33;
	v33 =	vld [tilespmem:$0x1FD60]  }
0x2d4: {  	v38 =	vadd.f32 v38, v54;
	v54 =	vld [tilespmem:$0x1FE80]  }
0x2d5: {  	v12 =	vadd.f32 v12, v37;
	v37 =	vld [tilespmem:$0x1F950];
	v26 =	vadd.f32 v26, v53  }
0x2d6: {  	v51 =	vmul.f32 v5, v55;
	v2 =	vld [tilespmem:$0x1F960];
	v11 =	vadd.f32 v15, v41;
	v15 =	vadd.f32 v21, v22  }
0x2d7: {  	v22 =	vadd.f32 v29, v26;
	v19 =	vadd.f32 v25, v23;
	v20 =	vld [tilespmem:$0x1FD50]  }
0x2d8: {  	p0 =	sne.s32 s14, $0x7F0;
	v25 =	vmul.f32 v5, v56;
	v26 =	vmul.f32 v5, v33;
	v5 =	vadd.f32 v51, v28;
	v28 =	vld [tilespmem:$0x1FA00]  }
.Ltmp4:
0x2d9: {  	v53 =	vld [tilespmem:$0x1FE70];
	(pc) =	sbr.rel @p0 .LBB2_9-.Ltmp4, $4  }
0x2da: {  	v59 =	vld [tilespmem:$0x1FEB0]  }
0x2db: {  	v2 =	vadd.f32 v2, v39;
	v39 =	vld [tilespmem:$0x1F970];
	v41 =	vimm.s32 $0x4  }
0x2dc: {  	v21 =	vadd.f32 v31, v38;
	v38 =	vld [tilespmem:$0x1F990];
	v23 =	vadd.f32 v27, v42;
	v42 =	vimm.s32 $0x3  }
0x2dd: {  	s14 =	sadd.s32 $0x10, s14;
	s21 =	smov.u32 s20;
	v56 =	vld [tilespmem:$0x1F980];
	v13 =	vadd.f32 v24, v30;
	v24 =	vmul.f32 v28, v20;
	v20 =	vadd.f32 v62, v36  }
0x2de: {  	v52 =	vld [tilespmem:$0x1FDC0]  }
0x2df: {  	v3 =	vadd.f32 v25, v3;
	v25 =	vld [tilespmem:$0x1F9A0]  }
0x2e0: {  	v17 =	vadd.f32 v26, v17;
	v26 =	vld [tilespmem:$0x1F9D0]  }
0x2e1: {  	v51 =	vld [tilespmem:$0x1FF90]  }
0x2e2: {  	v29 =	vld [tilespmem:$0x1FA30]  }
0x2e3: {  	v6 =	vadd.f32 v57, v6;
	v30 =	vld [tilespmem:$0x1FA60];
	v2 =	vadd.f32 v37, v2  }
0x2e4: {  	v31 =	vld [tilespmem:$0x1FAB0];
	v11 =	vadd.f32 v24, v11;
	v24 =	vmul.f32 v61, v60  }
0x2e5: {  	v32 =	vld [tilespmem:$0x1FAD0];
	v18 =	vadd.f32 v39, v18;
	v2 =	vmax.f32 v2, $0.0e+00;
	v6 =	vmax.f32 v6, $0.0e+00  }
0x2e6: {  	v40 =	vmul.f32 v38, v60;
	v5 =	vadd.f32 v24, v5;
	v11 =	vmax.f32 v11, $0.0e+00  }
0x2e7: {  	v33 =	vld [tilespmem:$0x1FD50];
	v27 =	vmul.f32 v28, v52;
	v0 =	vadd.f32 v25, v0;
	v1 =	vadd.f32 v26, v1  }
0x2e8: {  	v25 =	vld [tilespmem:$0x1F9B0];
	v28 =	vmul.f32 v38, v51;
	v10 =	vadd.f32 v29, v10;
	v29 =	vmul.f32 v61, v51  }
0x2e9: {  	v4 =	vadd.f32 v30, v4;
	v7 =	vadd.f32 v31, v7;
	v31 =	vmul.f32 v56, v52  }
0x2ea: {  	v12 =	vadd.f32 v32, v12;
	v21 =	vadd.f32 v40, v21;
	v5 =	vmax.f32 v5, $0.0e+00  }
0x2eb: {  	v15 =	vadd.f32 v27, v15;
	v13 =	vadd.f32 v28, v13;
	v27 =	vmul.f32 v38, v52  }
0x2ec: {  	v26 =	vld [tilespmem:$0x1F9C0];
	v8 =	vadd.f32 v29, v8;
	v19 =	vadd.f32 v31, v19;
	v28 =	vmul.f32 v61, v33  }
0x2ed: {  	v30 =	vld [tilespmem:$0x1FA80];
	v0 =	vmax.f32 v0, $0.0e+00;
	v16 =	vadd.f32 v25, v16;
	v25 =	vmul.f32 v56, v60  }
0x2ee: {  	v4 =	vmax.f32 v4, $0.0e+00;
	v1 =	vmax.f32 v1, $0.0e+00;
	v7 =	vmax.f32 v7, $0.0e+00  }
0x2ef: {  	v20 =	vadd.f32 v27, v20;
	v14 =	vadd.f32 v25, v14;
	v25 =	vmul.f32 v38, v33  }
0x2f0: {  	v3 =	vadd.f32 v28, v3;
	v15 =	vmax.f32 v15, $0.0e+00;
	v19 =	vmax.f32 v19, $0.0e+00  }
0x2f1: {  	v13 =	vmax.f32 v13, $0.0e+00;
	v23 =	vadd.f32 v25, v23;
	v25 =	vmul.f32 v61, v52  }
0x2f2: {  	v26 =	vadd.f32 v26, v63;
	v9 =	vadd.f32 v30, v9;
	v30 =	vmul.f32 v56, v33  }
0x2f3: {  	v55 =	vadd.f32 v15, v11;
	v20 =	vmax.f32 v20, $0.0e+00;
	v17 =	vadd.f32 v25, v17  }
0x2f4: {  	v3 =	vmax.f32 v3, $0.0e+00;
	v22 =	vadd.f32 v30, v22;
	v9 =	vmax.f32 v9, $0.0e+00  }
0x2f5: {  	v11 =	vadd.f32 v55, v7;
	v23 =	vmax.f32 v23, $0.0e+00;
	v43 =	vmax.f32 v17, $0.0e+00  }
0x2f6: {  	v22 =	vmax.f32 v22, $0.0e+00;
	v52 =	vadd.f32 v20, v23;
	v3 =	vadd.f32 v43, v3  }
0x2f7: {  	v4 =	vadd.f32 v9, v4;
	v56 =	vadd.f32 v19, v22;
	v20 =	vmax.f32 v21, $0.0e+00  }
0x2f8: {  	v14 =	vmax.f32 v14, $0.0e+00;
	v57 =	vadd.f32 v52, v20;
	v3 =	vadd.f32 v3, v5  }
0x2f9: {  	v62 =	vmax.f32 v8, $0.0e+00;
	v1 =	vadd.f32 v4, v1;
	v61 =	vadd.f32 v56, v14  }
0x2fa: {  	v12 =	vmax.f32 v12, $0.0e+00;
	v63 =	vadd.f32 v57, v13;
	v3 =	vadd.f32 v3, v62  }
0x2fb: {  	v0 =	vadd.f32 v1, v0;
	v4 =	vadd.f32 v61, v12;
	v13 =	vmax.f32 v18, $0.0e+00  }
0x2fc: {  	v15 =	vmax.f32 v10, $0.0e+00;
	v2 =	vadd.f32 v63, v2;
	v3 =	vadd.f32 v3, v13  }
0x2fd: {  	v16 =	vmax.f32 v16, $0.0e+00;
	v14 =	vmax.f32 v26, $0.0e+00;
	v5 =	vadd.f32 v11, v6  }
0x2fe: {  	v0 =	vadd.f32 v0, v16;
	v17 =	vadd.f32 v4, v15;
	vm0 =	vge.f32 v2, v3  }
0x2ff: {  	v18 =	vadd.f32 v5, v14;
	v19 =	vsel vm0, v2, v3;
	v32 =	vsel vm0, $0x4, v42  }
0x300: {  	v33 =	vsel vm0, $0x3, v41;
	v2 =	vsel vm0, v3, v2;
	vm11 =	vge.f32 v17, v19  }
0x301: {  	v34 =	vsel vm11, v17, v19;
	v35 =	vsel vm11, $0x2, v33;
	v1 =	vsel vm11, v19, v17  }
0x302: {  	v36 =	vnsel vm11, $0x2, v33;
	vm12 =	vge.f32 v18, v34;
	vm1 =	vge.f32 v1, v2  }
0x303: {  	v37 =	vsel vm12, $0x1, v35;
	v38 =	vsel vm1, v32, v36;
	v39 =	vsel vm12, v18, v34  }
0x304: {  	v8 =	vnsel vm12, $0x1, v35;
	v5 =	vsel vm1, v36, v32;
	v3 =	vsel vm12, v34, v18  }
0x305: {  	v40 =	vsel vm1, v1, v2;
	v1 =	vsel vm1, v2, v1;
	vm13 =	vge.f32 v0, v39  }
0x306: {  	vm14 =	vge.f32 v3, v40;
	v43 =	vnsel vm13, $0x0, v37;
	v52 =	vsel vm13, v39, v0  }
0x307: {  	v55 =	vsel vm14, v3, v40;
	v3 =	vsel vm14, v40, v3;
	v56 =	vsel vm14, v8, v5  }
0x308: {  	s14 =	sshra.s32 s21, $0x2;
	v5 =	vsel vm14, v5, v8;
	v0 =	vsel vm13, v0, v39;
	vm2 =	vge.f32 v52, v55  }
0x309: {  	v63 =	vsel vm13, $0x0, v37;
	vm3 =	vge.f32 v3, v1;
	[tilespmem:s14+$0x15800] =	vst v0;
	v57 =	vsel vm2, v55, v52  }
0x30a: {  	[tilespmem:s14+$0x18800] =	vst v63;
	v1 =	vsel vm3, v3, v1;
	v61 =	vsel vm2, v56, v43;
	v2 =	vsel vm2, v52, v55  }
0x30b: {  	v5 =	vsel vm3, v5, v38;
	v62 =	vsel vm2, v43, v56;
	vm15 =	vge.f32 v57, v1;
	[tilespmem:s14+$0x16000] =	vst v2  }
0x30c: {  	[tilespmem:s14+$0x19000] =	vst v62;
	v3 =	vsel vm15, v61, v5  }
0x30d: {  	v1 =	vsel vm15, v57, v1;
	[tilespmem:s14+$0x19800] =	vst v3  }
0x30e: {  	[tilespmem:s14+$0x16800] =	vst v1  }
0x30f: {  	v33 =	vld [tilespmem:$0x1FFB0]  }
0x310: {  	v34 =	vld [tilespmem:$0x1FE10]  }
0x311: {  	v35 =	vld [tilespmem:$0x1FFC0]  }
0x312: {  	v36 =	vld [tilespmem:$0x1FE20]  }
0x313: {  	v37 =	vld [tilespmem:$0x1FFD0]  }
0x314: {  	s19 =	sshll.u32 s19, $0xB;
	v38 =	vld [tilespmem:$0x1FE30]  }
0x315: {  	s19 =	sadd.s32 s13, s19;
	v39 =	vld [tilespmem:$0x1FFE0]  }
0x316: {  	s19 =	sshrl.u32 s19, $0x3;
	v40 =	vld [tilespmem:$0x1FFF0]  }
0x317: {  	s20 =	sadd.s32 s4, s19;
	v23 =	vld [tilespmem:$0x1FED0]  }
0x318: {  	[hbm4b:s20+s5] =	stream.linear.scatter [tilespmem:s10], [sflag:$0x4], $0x800, $0x38;
	v57 =	vld [tilespmem:$0x1FEE0]  }
0x319: {  	s21 =	sadd.s32 s6, s19;
	s22 =	sor.u32 $0x20000, s19;
	v28 =	vld [tilespmem:$0x1FEF0]  }
0x31a: {  	v29 =	vld [tilespmem:$0x1FF10];
	[hbm4b:s21+s5] =	stream.linear.scatter [tilespmem:s11], [sflag:$0x4], $0x800, $0x38  }
0x31b: {  	s18 =	sadd.s32 $0x1, s18;
	s20 =	sadd.s32 s4, s22;
	v30 =	vld [tilespmem:$0x1FF00]  }
0x31c: {  	v31 =	vld [tilespmem:$0x1FFA0];
	[hbm4b:s20+s5] =	stream.linear.scatter [tilespmem:s12], [sflag:$0x4], $0x800, $0x38  }
0x31d: {  	p0 =	sne.s32 s18, $0x8;
	s14 =	sadd.s32 s6, s22;
	v32 =	vld [tilespmem:$0x1FF20]  }
0x31e: {  	v24 =	vmov v51;
	v51 =	vld [tilespmem:$0x1FF30];
	[hbm4b:s14+s5] =	stream.linear.scatter [tilespmem:s15], [sflag:$0x4], $0x800, $0x38  }
.Ltmp5:
0x31f: {  	s23 =	sor.u32 $0x40000, s19;
	v52 =	vld [tilespmem:$0x1FF40];
	(pc) =	sbr.rel @p0 .LBB2_2-.Ltmp5, $4  }
0x320: {  	s19 =	sadd.s32 s4, s23;
	v62 =	vld [tilespmem:$0x1FF50]  }
0x321: {  	v56 =	vld [tilespmem:$0x1FF60];
	[hbm4b:s19+s5] =	stream.linear.scatter [tilespmem:s7], [sflag:$0x4], $0x800, $0x38  }
0x322: {  	v27 =	vld [tilespmem:$0x1FF70];
	s14 =	sadd.s32 s6, s23  }
0x323: {  	v63 =	vld [tilespmem:$0x1FF80];
	[hbm4b:s14+s5] =	stream.linear.scatter [tilespmem:s17], [sflag:$0x4], $0x800, $0x38  }
0x324: {  	s14 =	simm.s32 $0x3  }
0x325: {  	_ =	swait.ge [sflag:s14], $0x1800  }
0x326: {  	[sflag:s14] =	ssyncset.done $0x0  }
0x327: {  	[sflag:s14] =	ssyncadd.s32 $0xFFFFE800  }
0x328: {  	_ =	swait.ge [sflag:s14], $0x1800  }
0x329: {  	[sflag:s14] =	ssyncset.done $0x0  }
0x32a: {  	[sflag:s14] =	ssyncadd.s32 $0xFFFFE800  }
0x32b: {  	_ =	swait.ge [sflag:s9], $0x1800  }
0x32c: {  	[sflag:s9] =	ssyncset.done $0x0  }
0x32d: {  	[sflag:s9] =	ssyncadd.s32 $0xFFFFE800  }
0x32e: {  	_ =	swait.ge [sflag:s9], $0x1800  }
0x32f: {  	s18 =	rddreg [dreg:$0xc]  }
0x330: {  	s23 =	rddreg [dreg:$0xb];
	s18 =	sadd.s32 $0x1, s18  }
0x331: {  	p0 =	sne.s32 s18, s23  }
.Ltmp6:
0x332: {  	_ = 	snop;
	(pc) =	sbr.rel @p0 .LBB2_1-.Ltmp6, $3  }
0x333: {  	_ =	sdelay $0x1  }
0x334: {  	[sflag:s9] =	ssyncset.done $0x0  }
0x335: {  	[sflag:s9] =	ssyncadd.s32 $0xFFFFE800  }
0x336: {  	_ =	sfence.sel $0x180000  }
0x337: {  	[bflag:$0x0] =	sbarrier.arrive $0xFFFF  }
0x338: {  	_ =	strace $0x90000047  }
0x339: {  	s0 =	stileid.u32;
	[bflag:$0x2] =	sbarrier.arrive $0xFFFF  }
0x33a: {  	p0 =	sne.s32 s0, $0x0;
	s0 =	rddreg [dreg:$0x4]  }
0x33b: {  	s0 =	sadd.s32 @!p0 $0x100000, s0  }
0x33c: {  	[sflag:s0] =	ssyncadd.tile.s32 @!p0 $0x1;
	_ =	shalt  }
.Lfunc_end2:
_tile_overlayer_lowered:
.L_overlay_start_2:
0x33d: {  	(tag) =	ssettag $0x2  }
0x33e: {  	s0 =	rddreg [dreg:$0x0];
	s2 =	stileid.u32  }
0x33f: {  	s1 =	rddreg [dreg:$0x1];
	p0 =	sne.s32 s2, $0x0  }
0x340: {  	s3 =	rddreg [dreg:$0x2];
	[bflag:$0x3] =	sbarrier.arrive $0xFFFF;
	s2 =	simm.s32 @!p0 $0x1C05  }
0x341: {  	[timem:s3], [sflag:s2] =	dma.local @!p0 [hbm:s0], s1  }
0x342: {  	s0 =	simm.s32 @!p0 $0x5  }
0x343: {  	_ =	swait.ge @!p0 [sflag:s0], s1  }
0x344: {  	s1 =	ssub.s32 @!p0 $0x0, s1;
	[sflag:s0] =	ssyncset.done @!p0 $0x0  }
0x345: {  	[sflag:s0] =	ssyncadd.s32 @!p0 s1  }
0x346: {  	[bflag:$0x3] =	sbarrier.arrive $0xFFFF  }
0x347: {  	_ =	shalt  }

</sc_bundles>
